<compile_context>
chip_gen: v7x
topology: tpu7x:2x2x1
jax: 0.10.2.dev20260603
libtpu: 0.0.44.dev20260713+nightly
codegen_flags: <defaults>
</compile_context>

<pallas_src>
import jax
import jax.numpy as jnp
from jax import lax
from jax.experimental import pallas as pl
from jax.experimental.pallas import tpu as pltpu
from jax.experimental.pallas import tpu_sc as plsc

_NUM_CLASSES = 21
_HIGH_T = 0.9
_LOW_T = 0.3
_B, _N, _G = 16, 20000, 32
_BLK = 4096
_NP = 20480
_NB = _NP // _BLK


def _iou_block(anct_ref, gt_ref):
    ax1 = anct_ref[0:1, :]
    ay1 = anct_ref[1:2, :]
    ax2 = anct_ref[2:3, :]
    ay2 = anct_ref[3:4, :]
    g = gt_ref[0]
    gx1 = g[:, 0:1]
    gy1 = g[:, 1:2]
    gx2 = g[:, 2:3]
    gy2 = g[:, 3:4]
    area_g = (gx2 - gx1) * (gy2 - gy1)
    area_a = (ax2 - ax1) * (ay2 - ay1)
    wx = jnp.maximum(jnp.minimum(gx2, ax2) - jnp.maximum(gx1, ax1), 0.0)
    wy = jnp.maximum(jnp.minimum(gy2, ay2) - jnp.maximum(gy1, ay1), 0.0)
    inter = wx * wy
    return inter / ((area_g + area_a) - inter)


def _main_kernel(anct_ref, gt_ref, gl_ref, conf_ref, pld_ref,
                 neg_ref, posl_ref, locl_ref, cepl_ref,
                 mqs_ref, hpg_ref):
    b = pl.program_id(0)
    p = pl.program_id(1)
    j = pl.program_id(2)

    @pl.when(p == 0)
    def _():
        mq = _iou_block(anct_ref, gt_ref)
        mqs_ref[pl.ds(j, 1)] = mq[None]
        part = jnp.max(mq, axis=1, keepdims=True)

        @pl.when(j == 0)
        def _():
            hpg_ref[...] = part

        @pl.when(j > 0)
        def _():
            hpg_ref[...] = jnp.maximum(hpg_ref[...], part)

    @pl.when(p == 1)
    def _():
        _match_and_losses(anct_ref, gt_ref, gl_ref, conf_ref, pld_ref,
                          neg_ref, posl_ref, locl_ref, cepl_ref,
                          mqs_ref, hpg_ref, b, j)


def _match_and_losses(anct_ref, gt_ref, gl_ref, conf_ref, pld_ref,
                      neg_ref, posl_ref, locl_ref, cepl_ref,
                      mqs_ref, hpg_ref, b, j):
    mq = mqs_ref[pl.ds(j, 1)][0]
    mv = jnp.max(mq, axis=0, keepdims=True)
    giota = jax.lax.broadcasted_iota(jnp.int32, mq.shape, 0).astype(jnp.float32)
    am = jnp.min(jnp.where(mq == mv, giota, float(_G)), axis=0, keepdims=True)
    m = jnp.where(mv < _LOW_T, -1.0, am)
    m = jnp.where((mv >= _LOW_T) & (mv < _HIGH_T), -2.0, m)
    eq = (mq == hpg_ref[...]).astype(jnp.float32)
    restore = jnp.max(eq, axis=0, keepdims=True) > 0.0
    mi = jnp.where(restore, am, m)
    lane = jax.lax.broadcasted_iota(jnp.int32, (1, _BLK), 1)
    pad = (j * _BLK + lane) >= _N
    mi = jnp.where(pad, -1.0, mi)

    idx = jnp.maximum(mi, 0.0)
    soh = (giota == idx).astype(jnp.float32)
    m5 = jnp.dot(gl_ref[0], soh, preferred_element_type=jnp.float32)
    labm = m5[4:5, :]
    ml = jnp.where(mi < 0.0, 0.0, labm)
    pos = ml > 0.0
    posf = pos.astype(jnp.float32)

    ax1 = anct_ref[0:1, :]
    ay1 = anct_ref[1:2, :]
    ax2 = anct_ref[2:3, :]
    ay2 = anct_ref[3:4, :]
    aw = ax2 - ax1
    ah = ay2 - ay1
    acx = (ax1 + ax2) * 0.5
    acy = (ay1 + ay2) * 0.5
    mx1 = m5[0:1, :]
    my1 = m5[1:2, :]
    mx2 = m5[2:3, :]
    my2 = m5[3:4, :]
    mw = mx2 - mx1
    mh = my2 - my1
    mcx = (mx1 + mx2) * 0.5
    mcy = (my1 + my2) * 0.5
    gcx = (mcx - acx) / (0.1 * aw)
    gcy = (mcy - acy) / (0.1 * ah)
    gw = jnp.log(mw / aw) / 0.2
    gh = jnp.log(mh / ah) / 0.2

    pld = pld_ref[0]

    def _sl1(d):
        ad = jnp.abs(d)
        return jnp.where(ad < 1.0, 0.5 * d * d, ad - 0.5)

    lrow = (_sl1(pld[0:1, :] - gcx) + _sl1(pld[1:2, :] - gcy)
            + _sl1(pld[2:3, :] - gw) + _sl1(pld[3:4, :] - gh)) * posf

    x = conf_ref[0]
    e = jnp.exp(x)
    s = jnp.sum(e, axis=0, keepdims=True)
    cio = jax.lax.broadcasted_iota(jnp.int32, x.shape, 0).astype(jnp.float32)
    ohc = (cio == ml).astype(jnp.float32)
    xl = jnp.sum(x * ohc, axis=0, keepdims=True)
    ce = jnp.log(s) - xl

    @pl.when(j == 0)
    def _():
        posl_ref[0] = posf

    @pl.when(j > 0)
    def _():
        posl_ref[0] += posf

    @pl.when((b == 0) & (j == 0))
    def _():
        locl_ref[0] = lrow
        cepl_ref[0] = ce * posf

    @pl.when((b > 0) | (j > 0))
    def _():
        locl_ref[0] += lrow
        cepl_ref[0] += ce * posf

    neg_ref[0, 0] = jnp.where(pos | pad, 0.0, ce)



_SCV = _NP // 16
_SWU = 16


def _sc_mine_kernel(neg_hbm, posl_hbm, locl_hbm, cepl_hbm,
                    out1_hbm, out2_hbm,
                    negv, poslv, c0, c1, c2, stage):
    cid = lax.axis_index("c")
    sid = lax.axis_index("s")
    wid = sid * 2 + cid
    lanes_f = lax.iota(jnp.int32, 16).astype(jnp.float32)
    ones = jnp.full((16,), 1.0, jnp.float32)
    zeros = jnp.full((16,), 0.0, jnp.float32)

    def _vsum(ref, nv):
        def body(i, acc):
            return acc + ref[pl.ds(pl.multiple_of(i * 16, 16), 16)]
        return jnp.sum(lax.fori_loop(0, nv, body, zeros))

    @pl.when(wid < _B)
    def _():
        pltpu.sync_copy(neg_hbm.at[wid], negv)
        pltpu.sync_copy(posl_hbm.at[wid], poslv)
        np_b = _vsum(poslv, _BLK // 16)
        kk = jnp.minimum(3.0 * np_b, float(_N))

        def zero_hist(cref, nv):
            def body(i, _):
                cref[pl.ds(pl.multiple_of(i * 16, 16), 16)] = zeros
                return 0
            lax.fori_loop(0, nv, body, 0)

        def sweep(level, p0, p01):
            def body(i, _):
                for u in range(_SWU):
                    off = pl.ds(pl.multiple_of((i * _SWU + u) * 16, 16), 16)
                    bits = plsc.bitcast(negv[off], jnp.int32)
                    if level == 0:
                        idx = lax.shift_right_logical(bits, 20)
                        plsc.addupdate_scatter(c0, [idx], ones)
                    elif level == 1:
                        msk = lax.shift_right_logical(bits, 20) == p0
                        idx = lax.shift_right_logical(bits, 10) & 1023
                        plsc.addupdate_scatter(c1, [idx], ones, mask=msk)
                    else:
                        msk = lax.shift_right_logical(bits, 10) == p01
                        idx = bits & 1023
                        plsc.addupdate_scatter(c2, [idx], ones, mask=msk)
                return 0
            lax.fori_loop(0, _SCV // _SWU, body, 0)

        def scan(cref, nv, k_lvl):
            def body(t, carry):
                cnt_hi, jstar, cab = carry
                i = nv - 1 - t
                c = cref[pl.ds(pl.multiple_of(i * 16, 16), 16)]
                pc = plsc.cumsum(c)
                tcs = jnp.sum(c)
                above = cnt_hi + (tcs - pc)
                sel = ((above < k_lvl) & (above + c >= k_lvl)).astype(jnp.float32)
                jstar = jstar + jnp.sum(sel * (i.astype(jnp.float32) * 16.0 + lanes_f))
                cab = cab + jnp.sum(sel * above)
                return cnt_hi + tcs, jstar, cab
            return lax.fori_loop(0, nv, body, (0.0, 0.0, 0.0))

        zero_hist(c0, 2048 // 16)
        zero_hist(c1, 1024 // 16)
        zero_hist(c2, 1024 // 16)

        sweep(0, 0, 0)
        _, j0, cab0 = scan(c0, 2048 // 16, kk)
        j0i = j0.astype(jnp.int32)

        sweep(1, j0i, 0)
        _, j1, cab1 = scan(c1, 1024 // 16, kk - cab0)
        j1i = j1.astype(jnp.int32)
        p01 = (j0i << 10) | j1i

        sweep(2, 0, p01)
        _, j2, _ = scan(c2, 1024 // 16, kk - cab0 - cab1)
        j2i = j2.astype(jnp.int32)

        tbits = (p01 << 10) | j2i
        tsv = plsc.bitcast(jnp.full((16,), 1, jnp.int32) * tbits, jnp.float32)
        tstar = jnp.max(tsv)
        def gt_body(i, carry):
            cacc, sacc = carry
            for u in range(_SWU):
                off = pl.ds(pl.multiple_of((i * _SWU + u) * 16, 16), 16)
                v = negv[off]
                m = v > tsv
                cacc = cacc + jnp.where(m, 1.0, 0.0)
                sacc = sacc + jnp.where(m, v, 0.0)
            return cacc, sacc
        cacc, sacc = lax.fori_loop(0, _SCV // _SWU, gt_body, (zeros, zeros))
        cab = jnp.sum(cacc)
        sab = jnp.sum(sacc)
        hard_b = jnp.where(kk > 0.0, sab + (kk - cab) * tstar, 0.0)
        stage[...] = jnp.where(lanes_f == 0.0, hard_b,
                               jnp.where(lanes_f == 1.0, np_b, 0.0))
        pltpu.sync_copy(stage, out1_hbm.at[wid])

    @pl.when(wid == _B)
    def _():
        pltpu.sync_copy(locl_hbm.at[0], poslv)
        def body(i, acc):
            return acc + poslv[pl.ds(pl.multiple_of(i * 16, 16), 16)]
        stage[...] = lax.fori_loop(0, _BLK // 16, body, zeros)
        pltpu.sync_copy(stage, out2_hbm.at[0])

    @pl.when(wid == _B + 1)
    def _():
        pltpu.sync_copy(cepl_hbm.at[0], poslv)
        def body(i, acc):
            return acc + poslv[pl.ds(pl.multiple_of(i * 16, 16), 16)]
        stage[...] = lax.fori_loop(0, _BLK // 16, body, zeros)
        pltpu.sync_copy(stage, out2_hbm.at[1])


def _sc_mine(*args):
    return pl.kernel(
        _sc_mine_kernel,
        mesh=plsc.VectorSubcoreMesh(core_axis_name="c", subcore_axis_name="s"),
        compiler_params=pltpu.CompilerParams(needs_layout_passes=False),
        out_type=[
            jax.ShapeDtypeStruct((_B, 16), jnp.float32),
            jax.ShapeDtypeStruct((2, 16), jnp.float32),
        ],
        scratch_types=[
            pltpu.VMEM((_NP,), jnp.float32),
            pltpu.VMEM((_BLK,), jnp.float32),
            pltpu.VMEM((2048,), jnp.float32),
            pltpu.VMEM((1024,), jnp.float32),
            pltpu.VMEM((1024,), jnp.float32),
            pltpu.VMEM((16,), jnp.float32),
        ],
    )(*args)


def kernel(preds_loc_delta, preds_conf, anchors, gt_boxes, gt_labels):
    anchors_xyxy = jnp.concatenate(
        [anchors[:, :2], anchors[:, :2] + anchors[:, 2:]], axis=1)
    gt_xyxy = jnp.concatenate(
        [gt_boxes[..., :2], gt_boxes[..., :2] + gt_boxes[..., 2:]], axis=-1)
    anct = jnp.zeros((4, _NP), jnp.float32).at[:, :_N].set(anchors_xyxy.T)
    gl = jnp.concatenate(
        [gt_xyxy.transpose(0, 2, 1),
         gt_labels.astype(jnp.float32)[:, None, :]], axis=1)
    conf_t = jnp.zeros((_B, _NUM_CLASSES, _NP), jnp.float32).at[:, :, :_N].set(
        preds_conf.transpose(0, 2, 1))
    pld_t = jnp.zeros((_B, 4, _NP), jnp.float32).at[:, :, :_N].set(
        preds_loc_delta.transpose(0, 2, 1))

    neg, posl, locl, cepl = pl.pallas_call(
        _main_kernel,
        grid=(_B, 2, _NB),
        in_specs=[
            pl.BlockSpec((4, _BLK), lambda b, p, j: (0, j)),
            pl.BlockSpec((1, _G, 4), lambda b, p, j: (b, 0, 0)),
            pl.BlockSpec((1, 5, _G), lambda b, p, j: (b, 0, 0)),
            pl.BlockSpec((1, _NUM_CLASSES, _BLK),
                         lambda b, p, j: (b, 0, jnp.where(p == 0, 0, j))),
            pl.BlockSpec((1, 4, _BLK),
                         lambda b, p, j: (b, 0, jnp.where(p == 0, 0, j))),
        ],
        out_specs=[
            pl.BlockSpec((1, 1, 1, _BLK), lambda b, p, j: (b, j, 0, 0)),
            pl.BlockSpec((1, 1, _BLK), lambda b, p, j: (b, 0, 0)),
            pl.BlockSpec((1, 1, _BLK), lambda b, p, j: (0, 0, 0)),
            pl.BlockSpec((1, 1, _BLK), lambda b, p, j: (0, 0, 0)),
        ],
        out_shape=[
            jax.ShapeDtypeStruct((_B, _NB, 1, _BLK), jnp.float32),
            jax.ShapeDtypeStruct((_B, 1, _BLK), jnp.float32),
            jax.ShapeDtypeStruct((1, 1, _BLK), jnp.float32),
            jax.ShapeDtypeStruct((1, 1, _BLK), jnp.float32),
        ],
        scratch_shapes=[
            pltpu.VMEM((_NB, _G, _BLK), jnp.float32),
            pltpu.VMEM((_G, 1), jnp.float32),
        ],
    )(anct, gt_xyxy, gl, conf_t, pld_t)

    out1, out2 = _sc_mine(neg.reshape(_B, _NP), posl.reshape(_B, _BLK),
                          locl.reshape(1, _BLK), cepl.reshape(1, _BLK))
    hard_tot = out1[:, 0].sum()
    np_tot = out1[:, 1].sum()
    locsum = out2[0].sum()
    cepsum = out2[1].sum()
    lloc = locsum / jnp.maximum(np_tot * 4.0, 1.0)
    lconf = (hard_tot + cepsum) / jnp.maximum(np_tot, 1.0)
    return lloc, lconf

# --- scband reference (transcript-rebuilt; emitter-appended) ---
"""Pipeline reference for scband-multi-loss-80401787781717 (READ-ONLY COPY).

The authoritative reference and input builder live on the scoring server;
editing this copy changes nothing except your own understanding.
"""

import jax, jax.numpy as jnp
import numpy as np

NUM_CLASSES = 21
HIGH_T = 0.9
LOW_T = 0.3
VAR = (0.1, 0.2)
NEGPOS = 3


def box_iou(a, b):
    area_a = (a[:, 2] - a[:, 0]) * (a[:, 3] - a[:, 1])
    area_b = (b[:, 2] - b[:, 0]) * (b[:, 3] - b[:, 1])
    lt = jnp.maximum(a[:, None, :2], b[None, :, :2])
    rb = jnp.minimum(a[:, None, 2:], b[None, :, 2:])
    wh = jnp.clip(rb - lt, 0.0, None)
    inter = wh[..., 0] * wh[..., 1]
    return inter / (area_a[:, None] + area_b[None, :] - inter)


def match(mq):
    # torchvision Matcher(high, low, allow_low_quality_matches=True)
    matched_vals = mq.max(axis=0)
    all_matches = jnp.argmax(mq, axis=0)
    m = jnp.where(matched_vals < LOW_T, -1, all_matches)
    m = jnp.where((matched_vals >= LOW_T) & (matched_vals < HIGH_T), -2, m)
    highest_per_gt = mq.max(axis=1)
    restore = jnp.any(mq == highest_per_gt[:, None], axis=0)
    return jnp.where(restore, all_matches, m)


def encode(matched, anchors):
    # SSD-style encode, boxes in xyxy, with variances
    a_wh = anchors[:, 2:] - anchors[:, :2]
    a_c = (anchors[:, :2] + anchors[:, 2:]) * 0.5
    m_wh = matched[:, 2:] - matched[:, :2]
    m_c = (matched[:, :2] + matched[:, 2:]) * 0.5
    g_c = (m_c - a_c) / (VAR[0] * a_wh)
    g_wh = jnp.log(m_wh / a_wh) / VAR[1]
    return jnp.concatenate([g_c, g_wh], axis=1)


def setup_inputs(seed: int = 0):
    key = jax.random.key(seed)
    ks = jax.random.split(key, 8)
    B, N, G, C = 16, 20000, 32, NUM_CLASSES
    preds_loc_delta = jax.random.normal(ks[0], (B, N, 4), dtype=jnp.float32)
    preds_conf = jax.random.normal(ks[1], (B, N, C), dtype=jnp.float32)
    a_xy = jax.random.uniform(ks[2], (N, 2), minval=0.0, maxval=0.85)
    a_wh = jax.random.uniform(ks[3], (N, 2), minval=0.03, maxval=0.15)
    anchors = jnp.concatenate([a_xy, a_wh], axis=1)  # xywh
    g_xy = jax.random.uniform(ks[4], (B, G, 2), minval=0.0, maxval=0.85)
    g_wh = jax.random.uniform(ks[5], (B, G, 2), minval=0.03, maxval=0.15)
    gt_boxes = jnp.concatenate([g_xy, g_wh], axis=2)  # xywh
    gt_labels = jax.random.randint(ks[6], (B, G), 1, C)
    return {"preds_loc_delta": preds_loc_delta, "preds_conf": preds_conf, "anchors": anchors, "gt_boxes": gt_boxes, "gt_labels": gt_labels}


def _forward(preds_loc_delta, preds_conf, anchors, gt_boxes, gt_labels):
    # xywh -> xyxy (mirrors in-place += in torch code)
    anchors_xyxy = jnp.concatenate([anchors[:, :2], anchors[:, :2] + anchors[:, 2:]], axis=1)
    gt_xyxy = jnp.concatenate([gt_boxes[..., :2], gt_boxes[..., :2] + gt_boxes[..., 2:]], axis=-1)

    def per_image(truths, labels):
        mq = box_iou(truths, anchors_xyxy)  # [G, N]
        mi = match(mq)
        idx = jnp.clip(mi, 0, None)
        mb = encode(truths[idx], anchors_xyxy)
        ml = jnp.where(mi < 0, 0, labels[idx])
        return ml, mb

    ml, mb = jax.vmap(per_image)(gt_xyxy, gt_labels)
    pos = ml > 0
    posf = pos.astype(jnp.float32)
    # SmoothL1 (beta=1) mean over positive box elements
    diff = preds_loc_delta - mb
    ad = jnp.abs(diff)
    sl1 = jnp.where(ad < 1.0, 0.5 * diff * diff, ad - 0.5)
    loss_loc = (sl1 * posf[..., None]).sum() / jnp.maximum(posf.sum() * 4.0, 1.0)
    # per-anchor cross entropy
    logp = jax.nn.log_softmax(preds_conf, axis=-1)
    ce = -jnp.take_along_axis(logp, ml[..., None], axis=-1)[..., 0]  # [B, N]
    num_pos = posf.sum(axis=1, keepdims=True)
    loss_pos = (ce * posf).sum()
    neg = jnp.where(pos, 0.0, ce)
    neg_sorted = jnp.sort(neg, axis=1)[:, ::-1]
    rank = jnp.arange(neg.shape[1], dtype=jnp.float32)[None, :]
    hard = rank < (NEGPOS * num_pos)
    loss_hard = jnp.where(hard, neg_sorted, 0.0).sum()
    Ntot = jnp.maximum(posf.sum(), 1.0)
    loss_conf = (loss_hard + loss_pos) / Ntot
    return loss_loc, loss_conf


def reference(preds_loc_delta, preds_conf, anchors, gt_boxes, gt_labels):
    return _forward(preds_loc_delta, preds_conf, anchors, gt_boxes, gt_labels)

if __name__ == "__main__":
    import jax
    _d = setup_inputs()
    print(jax.jit(kernel)(*tuple(_d.values())))

</pallas_src>

<mosaic_0001>
#map = affine_map<(d0, d1) -> (0, 0)>
module attributes {stable_mosaic.version = 14 : i64} {
  func.func @_sc_mine_kernel(%arg0: i32, %arg1: i32, %arg2: memref<16x20480xf32, #tpu.memory_space<hbm>>, %arg3: memref<16x4096xf32, #tpu.memory_space<hbm>>, %arg4: memref<1x4096xf32, #tpu.memory_space<hbm>>, %arg5: memref<1x4096xf32, #tpu.memory_space<hbm>>, %arg6: memref<16x16xf32, #tpu.memory_space<hbm>>, %arg7: memref<2x16xf32, #tpu.memory_space<hbm>>, %arg8: memref<20480xf32, #tpu.memory_space<vmem>>, %arg9: memref<4096xf32, #tpu.memory_space<vmem>>, %arg10: memref<2048xf32, #tpu.memory_space<vmem>>, %arg11: memref<1024xf32, #tpu.memory_space<vmem>>, %arg12: memref<1024xf32, #tpu.memory_space<vmem>>, %arg13: memref<16xf32, #tpu.memory_space<vmem>>) attributes {dimension_semantics = [#tpu.dimension_semantics<core_parallel>, #tpu.dimension_semantics<subcore_parallel>], iteration_bounds = array<i64: 2, 16>, scalar_prefetch = 0 : i64, scratch_operands = 6 : i64, tpu.core_type = #tpu.core_type<sc_vector_subcore>, window_params = [{transform_indices = #map}, {transform_indices = #map}, {transform_indices = #map}, {transform_indices = #map}, {transform_indices = #map}, {transform_indices = #map}]} {
    %mul3A = arith.constant 2 : i32
    %mul3A_0 = arith.muli %arg1, %mul3A : i32
    %add3A = arith.addi %mul3A_0, %arg0 : i32
    %iota3A = tpu.iota {dimensions = array<i32: 0>} : vector<16xi32>
    %convert_element_type3A = arith.sitofp %iota3A : vector<16xi32> to vector<16xf32>
    %broadcast_in_dim3A = arith.constant 1.000000e+00 : f32
    %broadcast_in_dim3A_1 = vector.broadcast %broadcast_in_dim3A : f32 to vector<16xf32>
    %broadcast_in_dim3A_2 = arith.constant 0.000000e+00 : f32
    %broadcast_in_dim3A_3 = vector.broadcast %broadcast_in_dim3A_2 : f32 to vector<16xf32>
    %lt3A = arith.constant 16 : i32
    %lt3A_4 = arith.cmpi slt, %add3A, %lt3A : i32
    %convert_element_type3A_5 = arith.extui %lt3A_4 : i1 to i32
    %cond3A = arith.constant 0 : i32
    %cond3A_6 = arith.cmpi ne, %convert_element_type3A_5, %cond3A : i32
    scf.if %cond3A_6 {
      "tpu.region"() ({
        %run_scoped3A = tpu.sem_alloc : memref<!tpu.dma_semaphore, #tpu.memory_space<semaphore_mem>>
        %dma_start3A = arith.constant 0 : i32
        %dma_start3A_143 = tpu.memref_slice %arg2[%add3A, %dma_start3A] : memref<16x20480xf32, #tpu.memory_space<hbm>> -> memref<1x20480xf32, #tpu.memory_space<hbm>>
        %dma_start3A_144 = tpu.memref_squeeze %dma_start3A_143 : memref<1x20480xf32, #tpu.memory_space<hbm>> -> memref<20480xf32, #tpu.memory_space<hbm>>
        %dma_start3A_145 = arith.constant 0 : i32
        %dma_start3A_146 = tpu.memref_slice %arg2[%add3A, %dma_start3A_145] : memref<16x20480xf32, #tpu.memory_space<hbm>> -> memref<1x20480xf32, #tpu.memory_space<hbm>>
        %dma_start3A_147 = tpu.memref_squeeze %dma_start3A_146 : memref<1x20480xf32, #tpu.memory_space<hbm>> -> memref<20480xf32, #tpu.memory_space<hbm>>
        tpu.enqueue_dma source(%dma_start3A_147 : memref<20480xf32, #tpu.memory_space<hbm>>) target(%arg8 : memref<20480xf32, #tpu.memory_space<vmem>>) target_semaphore(%run_scoped3A : memref<!tpu.dma_semaphore, #tpu.memory_space<semaphore_mem>>)
        %dma_wait3A = arith.constant 0 : i32
        %dma_wait3A_148 = tpu.memref_slice %arg2[%add3A, %dma_wait3A] : memref<16x20480xf32, #tpu.memory_space<hbm>> -> memref<1x20480xf32, #tpu.memory_space<hbm>>
        %dma_wait3A_149 = tpu.memref_squeeze %dma_wait3A_148 : memref<1x20480xf32, #tpu.memory_space<hbm>> -> memref<20480xf32, #tpu.memory_space<hbm>>
        %dma_wait3A_150 = arith.constant 0 : i32
        %dma_wait3A_151 = tpu.memref_slice %arg2[%add3A, %dma_wait3A_150] : memref<16x20480xf32, #tpu.memory_space<hbm>> -> memref<1x20480xf32, #tpu.memory_space<hbm>>
        %dma_wait3A_152 = tpu.memref_squeeze %dma_wait3A_151 : memref<1x20480xf32, #tpu.memory_space<hbm>> -> memref<20480xf32, #tpu.memory_space<hbm>>
        tpu.wait_dma2 semaphore(%run_scoped3A : memref<!tpu.dma_semaphore, #tpu.memory_space<semaphore_mem>>) src(%dma_wait3A_152 : memref<20480xf32, #tpu.memory_space<hbm>>) dst(%arg8 : memref<20480xf32, #tpu.memory_space<vmem>>)
        tpu.yield
      }) : () -> ()
      "tpu.region"() ({
        %run_scoped3A = tpu.sem_alloc : memref<!tpu.dma_semaphore, #tpu.memory_space<semaphore_mem>>
        %dma_start3A = arith.constant 0 : i32
        %dma_start3A_143 = tpu.memref_slice %arg3[%add3A, %dma_start3A] : memref<16x4096xf32, #tpu.memory_space<hbm>> -> memref<1x4096xf32, #tpu.memory_space<hbm>>
        %dma_start3A_144 = tpu.memref_squeeze %dma_start3A_143 : memref<1x4096xf32, #tpu.memory_space<hbm>> -> memref<4096xf32, #tpu.memory_space<hbm>>
        %dma_start3A_145 = arith.constant 0 : i32
        %dma_start3A_146 = tpu.memref_slice %arg3[%add3A, %dma_start3A_145] : memref<16x4096xf32, #tpu.memory_space<hbm>> -> memref<1x4096xf32, #tpu.memory_space<hbm>>
        %dma_start3A_147 = tpu.memref_squeeze %dma_start3A_146 : memref<1x4096xf32, #tpu.memory_space<hbm>> -> memref<4096xf32, #tpu.memory_space<hbm>>
        tpu.enqueue_dma source(%dma_start3A_147 : memref<4096xf32, #tpu.memory_space<hbm>>) target(%arg9 : memref<4096xf32, #tpu.memory_space<vmem>>) target_semaphore(%run_scoped3A : memref<!tpu.dma_semaphore, #tpu.memory_space<semaphore_mem>>)
        %dma_wait3A = arith.constant 0 : i32
        %dma_wait3A_148 = tpu.memref_slice %arg3[%add3A, %dma_wait3A] : memref<16x4096xf32, #tpu.memory_space<hbm>> -> memref<1x4096xf32, #tpu.memory_space<hbm>>
        %dma_wait3A_149 = tpu.memref_squeeze %dma_wait3A_148 : memref<1x4096xf32, #tpu.memory_space<hbm>> -> memref<4096xf32, #tpu.memory_space<hbm>>
        %dma_wait3A_150 = arith.constant 0 : i32
        %dma_wait3A_151 = tpu.memref_slice %arg3[%add3A, %dma_wait3A_150] : memref<16x4096xf32, #tpu.memory_space<hbm>> -> memref<1x4096xf32, #tpu.memory_space<hbm>>
        %dma_wait3A_152 = tpu.memref_squeeze %dma_wait3A_151 : memref<1x4096xf32, #tpu.memory_space<hbm>> -> memref<4096xf32, #tpu.memory_space<hbm>>
        tpu.wait_dma2 semaphore(%run_scoped3A : memref<!tpu.dma_semaphore, #tpu.memory_space<semaphore_mem>>) src(%dma_wait3A_152 : memref<4096xf32, #tpu.memory_space<hbm>>) dst(%arg9 : memref<4096xf32, #tpu.memory_space<vmem>>)
        tpu.yield
      }) : () -> ()
      %scan3A = arith.constant 0 : i32
      %scan3A_16 = arith.constant 256 : i32
      %scan3A_17 = arith.addi %scan3A, %scan3A_16 : i32
      %scan3A_18 = arith.constant 1 : i32
      %scan3A_19 = scf.for %scan3A_143 = %scan3A to %scan3A_17 step %scan3A_18 iter_args(%scan3A_144 = %broadcast_in_dim3A_3) -> (vector<16xf32>)  : i32 {
        %mul3A_145 = arith.constant 16 : i32
        %mul3A_146 = arith.muli %scan3A_143, %mul3A_145 : i32
        %multiple_of3A = tpu.assume_multiple %mul3A_146, 16 : i32
        %get3A = arith.index_cast %multiple_of3A : i32 to index
        %get3A_147 = tpu.vector_load %arg9[%get3A] {strides = array<i32>} : memref<4096xf32, #tpu.memory_space<vmem>>, vector<16xf32>,
        %add3A_148 = arith.addf %scan3A_144, %get3A_147 : vector<16xf32>
        scf.yield %add3A_148 : vector<16xf32>
      }
      %scan3A_20 = arith.constant 256 : i32
      %reduce_sum3A = arith.constant true
      %reduce_sum3A_21 = vector.broadcast %reduce_sum3A : i1 to vector<16xi1>
      %reduce_sum3A_22 = tpu.scan <sum>, %scan3A_19 masked %reduce_sum3A_21 : vector<16xf32>, vector<16xi1> -> vector<16xf32>
      %reduce_sum3A_23 = vector.extract %reduce_sum3A_22[15] : f32 from vector<16xf32>
      %mul3A_24 = arith.constant 3.000000e+00 : f32
      %mul3A_25 = arith.mulf %mul3A_24, %reduce_sum3A_23 : f32
      %min3A = arith.constant 2.000000e+04 : f32
      %min3A_26 = arith.minimumf %mul3A_25, %min3A : f32
      %scan3A_27 = arith.constant 0 : i32
      %scan3A_28 = arith.constant 0 : i32
      %scan3A_29 = arith.constant 128 : i32
      %scan3A_30 = arith.addi %scan3A_28, %scan3A_29 : i32
      %scan3A_31 = arith.constant 1 : i32
      %scan3A_32 = scf.for %scan3A_143 = %scan3A_28 to %scan3A_30 step %scan3A_31 iter_args(%scan3A_144 = %scan3A_27) -> (i32)  : i32 {
        %mul3A_145 = arith.constant 16 : i32
        %mul3A_146 = arith.muli %scan3A_143, %mul3A_145 : i32
        %multiple_of3A = tpu.assume_multiple %mul3A_146, 16 : i32
        %swap3A_147 = arith.index_cast %multiple_of3A : i32 to index
        %swap3A_148 = tpu.vector_load %arg10[%swap3A_147] {strides = array<i32>} : memref<2048xf32, #tpu.memory_space<vmem>>, vector<16xf32>,
        tpu.vector_store %arg10[%swap3A_147], %broadcast_in_dim3A_3 {strides = array<i32>} : memref<2048xf32, #tpu.memory_space<vmem>>, vector<16xf32>,
        %scan3A_149 = arith.constant 0 : i32
        scf.yield %scan3A_149 : i32
      }
      %scan3A_33 = arith.constant 128 : i32
      %scan3A_34 = arith.constant 0 : i32
      %scan3A_35 = arith.constant 0 : i32
      %scan3A_36 = arith.constant 64 : i32
      %scan3A_37 = arith.addi %scan3A_35, %scan3A_36 : i32
      %scan3A_38 = arith.constant 1 : i32
      %scan3A_39 = scf.for %scan3A_143 = %scan3A_35 to %scan3A_37 step %scan3A_38 iter_args(%scan3A_144 = %scan3A_34) -> (i32)  : i32 {
        %mul3A_145 = arith.constant 16 : i32
        %mul3A_146 = arith.muli %scan3A_143, %mul3A_145 : i32
        %multiple_of3A = tpu.assume_multiple %mul3A_146, 16 : i32
        %swap3A_147 = arith.index_cast %multiple_of3A : i32 to index
        %swap3A_148 = tpu.vector_load %arg11[%swap3A_147] {strides = array<i32>} : memref<1024xf32, #tpu.memory_space<vmem>>, vector<16xf32>,
        tpu.vector_store %arg11[%swap3A_147], %broadcast_in_dim3A_3 {strides = array<i32>} : memref<1024xf32, #tpu.memory_space<vmem>>, vector<16xf32>,
        %scan3A_149 = arith.constant 0 : i32
        scf.yield %scan3A_149 : i32
      }
      %scan3A_40 = arith.constant 64 : i32
      %scan3A_41 = arith.constant 0 : i32
      %scan3A_42 = arith.constant 0 : i32
      %scan3A_43 = arith.constant 64 : i32
      %scan3A_44 = arith.addi %scan3A_42, %scan3A_43 : i32
      %scan3A_45 = arith.constant 1 : i32
      %scan3A_46 = scf.for %scan3A_143 = %scan3A_42 to %scan3A_44 step %scan3A_45 iter_args(%scan3A_144 = %scan3A_41) -> (i32)  : i32 {
        %mul3A_145 = arith.constant 16 : i32
        %mul3A_146 = arith.muli %scan3A_143, %mul3A_145 : i32
        %multiple_of3A = tpu.assume_multiple %mul3A_146, 16 : i32
        %swap3A_147 = arith.index_cast %multiple_of3A : i32 to index
        %swap3A_148 = tpu.vector_load %arg12[%swap3A_147] {strides = array<i32>} : memref<1024xf32, #tpu.memory_space<vmem>>, vector<16xf32>,
        tpu.vector_store %arg12[%swap3A_147], %broadcast_in_dim3A_3 {strides = array<i32>} : memref<1024xf32, #tpu.memory_space<vmem>>, vector<16xf32>,
        %scan3A_149 = arith.constant 0 : i32
        scf.yield %scan3A_149 : i32
      }
      %scan3A_47 = arith.constant 64 : i32
      %scan3A_48 = arith.constant 0 : i32
      %scan3A_49 = arith.constant 0 : i32
      %scan3A_50 = arith.constant 80 : i32
      %scan3A_51 = arith.addi %scan3A_49, %scan3A_50 : i32
      %scan3A_52 = arith.constant 1 : i32
      %scan3A_53 = scf.for %scan3A_143 = %scan3A_49 to %scan3A_51 step %scan3A_52 iter_args(%scan3A_144 = %scan3A_48) -> (i32)  : i32 {
        %mul3A_145 = arith.constant 16 : i32
        %mul3A_146 = arith.muli %scan3A_143, %mul3A_145 : i32
        %add3A_147 = arith.constant 0 : i32
        %add3A_148 = arith.addi %mul3A_146, %add3A_147 : i32
        %mul3A_149 = arith.constant 16 : i32
        %mul3A_150 = arith.muli %add3A_148, %mul3A_149 : i32
        %multiple_of3A = tpu.assume_multiple %mul3A_150, 16 : i32
        %get3A = arith.index_cast %multiple_of3A : i32 to index
        %get3A_151 = tpu.vector_load %arg8[%get3A] {strides = array<i32>} : memref<20480xf32, #tpu.memory_space<vmem>>, vector<16xf32>,
        %bitcast3A_152 = vector.bitcast %get3A_151 : vector<16xf32> to vector<16xi32>
        %shift_right_logical3A = arith.constant 20 : i32
        %shift_right_logical3A_153 = vector.broadcast %shift_right_logical3A : i32 to vector<16xi32>
        %shift_right_logical3A_154 = arith.shrui %bitcast3A_152, %shift_right_logical3A_153 : vector<16xi32>
        tpu.vector_store_idx %arg10[%shift_right_logical3A_154], %broadcast_in_dim3A_1 {add = true} : memref<2048xf32, #tpu.memory_space<vmem>>[vector<16xi32>], vector<16xf32>,
        %mul3A_155 = arith.constant 16 : i32
        %mul3A_156 = arith.muli %scan3A_143, %mul3A_155 : i32
        %add3A_157 = arith.constant 1 : i32
        %add3A_158 = arith.addi %mul3A_156, %add3A_157 : i32
        %mul3A_159 = arith.constant 16 : i32
        %mul3A_160 = arith.muli %add3A_158, %mul3A_159 : i32
        %multiple_of3A_161 = tpu.assume_multiple %mul3A_160, 16 : i32
        %get3A_162 = arith.index_cast %multiple_of3A_161 : i32 to index
        %get3A_163 = tpu.vector_load %arg8[%get3A_162] {strides = array<i32>} : memref<20480xf32, #tpu.memory_space<vmem>>, vector<16xf32>,
        %bitcast3A_164 = vector.bitcast %get3A_163 : vector<16xf32> to vector<16xi32>
        %shift_right_logical3A_165 = arith.constant 20 : i32
        %shift_right_logical3A_166 = vector.broadcast %shift_right_logical3A_165 : i32 to vector<16xi32>
        %shift_right_logical3A_167 = arith.shrui %bitcast3A_164, %shift_right_logical3A_166 : vector<16xi32>
        tpu.vector_store_idx %arg10[%shift_right_logical3A_167], %broadcast_in_dim3A_1 {add = true} : memref<2048xf32, #tpu.memory_space<vmem>>[vector<16xi32>], vector<16xf32>,
        %mul3A_168 = arith.constant 16 : i32
        %mul3A_169 = arith.muli %scan3A_143, %mul3A_168 : i32
        %add3A_170 = arith.constant 2 : i32
        %add3A_171 = arith.addi %mul3A_169, %add3A_170 : i32
        %mul3A_172 = arith.constant 16 : i32
        %mul3A_173 = arith.muli %add3A_171, %mul3A_172 : i32
        %multiple_of3A_174 = tpu.assume_multiple %mul3A_173, 16 : i32
        %get3A_175 = arith.index_cast %multiple_of3A_174 : i32 to index
        %get3A_176 = tpu.vector_load %arg8[%get3A_175] {strides = array<i32>} : memref<20480xf32, #tpu.memory_space<vmem>>, vector<16xf32>,
        %bitcast3A_177 = vector.bitcast %get3A_176 : vector<16xf32> to vector<16xi32>
        %shift_right_logical3A_178 = arith.constant 20 : i32
        %shift_right_logical3A_179 = vector.broadcast %shift_right_logical3A_178 : i32 to vector<16xi32>
        %shift_right_logical3A_180 = arith.shrui %bitcast3A_177, %shift_right_logical3A_179 : vector<16xi32>
        tpu.vector_store_idx %arg10[%shift_right_logical3A_180], %broadcast_in_dim3A_1 {add = true} : memref<2048xf32, #tpu.memory_space<vmem>>[vector<16xi32>], vector<16xf32>,
        %mul3A_181 = arith.constant 16 : i32
        %mul3A_182 = arith.muli %scan3A_143, %mul3A_181 : i32
        %add3A_183 = arith.constant 3 : i32
        %add3A_184 = arith.addi %mul3A_182, %add3A_183 : i32
        %mul3A_185 = arith.constant 16 : i32
        %mul3A_186 = arith.muli %add3A_184, %mul3A_185 : i32
        %multiple_of3A_187 = tpu.assume_multiple %mul3A_186, 16 : i32
        %get3A_188 = arith.index_cast %multiple_of3A_187 : i32 to index
        %get3A_189 = tpu.vector_load %arg8[%get3A_188] {strides = array<i32>} : memref<20480xf32, #tpu.memory_space<vmem>>, vector<16xf32>,
        %bitcast3A_190 = vector.bitcast %get3A_189 : vector<16xf32> to vector<16xi32>
        %shift_right_logical3A_191 = arith.constant 20 : i32
        %shift_right_logical3A_192 = vector.broadcast %shift_right_logical3A_191 : i32 to vector<16xi32>
        %shift_right_logical3A_193 = arith.shrui %bitcast3A_190, %shift_right_logical3A_192 : vector<16xi32>
        tpu.vector_store_idx %arg10[%shift_right_logical3A_193], %broadcast_in_dim3A_1 {add = true} : memref<2048xf32, #tpu.memory_space<vmem>>[vector<16xi32>], vector<16xf32>,
        %mul3A_194 = arith.constant 16 : i32
        %mul3A_195 = arith.muli %scan3A_143, %mul3A_194 : i32
        %add3A_196 = arith.constant 4 : i32
        %add3A_197 = arith.addi %mul3A_195, %add3A_196 : i32
        %mul3A_198 = arith.constant 16 : i32
        %mul3A_199 = arith.muli %add3A_197, %mul3A_198 : i32
        %multiple_of3A_200 = tpu.assume_multiple %mul3A_199, 16 : i32
        %get3A_201 = arith.index_cast %multiple_of3A_200 : i32 to index
        %get3A_202 = tpu.vector_load %arg8[%get3A_201] {strides = array<i32>} : memref<20480xf32, #tpu.memory_space<vmem>>, vector<16xf32>,
        %bitcast3A_203 = vector.bitcast %get3A_202 : vector<16xf32> to vector<16xi32>
        %shift_right_logical3A_204 = arith.constant 20 : i32
        %shift_right_logical3A_205 = vector.broadcast %shift_right_logical3A_204 : i32 to vector<16xi32>
        %shift_right_logical3A_206 = arith.shrui %bitcast3A_203, %shift_right_logical3A_205 : vector<16xi32>
        tpu.vector_store_idx %arg10[%shift_right_logical3A_206], %broadcast_in_dim3A_1 {add = true} : memref<2048xf32, #tpu.memory_space<vmem>>[vector<16xi32>], vector<16xf32>,
        %mul3A_207 = arith.constant 16 : i32
        %mul3A_208 = arith.muli %scan3A_143, %mul3A_207 : i32
        %add3A_209 = arith.constant 5 : i32
        %add3A_210 = arith.addi %mul3A_208, %add3A_209 : i32
        %mul3A_211 = arith.constant 16 : i32
        %mul3A_212 = arith.muli %add3A_210, %mul3A_211 : i32
        %multiple_of3A_213 = tpu.assume_multiple %mul3A_212, 16 : i32
        %get3A_214 = arith.index_cast %multiple_of3A_213 : i32 to index
        %get3A_215 = tpu.vector_load %arg8[%get3A_214] {strides = array<i32>} : memref<20480xf32, #tpu.memory_space<vmem>>, vector<16xf32>,
        %bitcast3A_216 = vector.bitcast %get3A_215 : vector<16xf32> to vector<16xi32>
        %shift_right_logical3A_217 = arith.constant 20 : i32
        %shift_right_logical3A_218 = vector.broadcast %shift_right_logical3A_217 : i32 to vector<16xi32>
        %shift_right_logical3A_219 = arith.shrui %bitcast3A_216, %shift_right_logical3A_218 : vector<16xi32>
        tpu.vector_store_idx %arg10[%shift_right_logical3A_219], %broadcast_in_dim3A_1 {add = true} : memref<2048xf32, #tpu.memory_space<vmem>>[vector<16xi32>], vector<16xf32>,
        %mul3A_220 = arith.constant 16 : i32
        %mul3A_221 = arith.muli %scan3A_143, %mul3A_220 : i32
        %add3A_222 = arith.constant 6 : i32
        %add3A_223 = arith.addi %mul3A_221, %add3A_222 : i32
        %mul3A_224 = arith.constant 16 : i32
        %mul3A_225 = arith.muli %add3A_223, %mul3A_224 : i32
        %multiple_of3A_226 = tpu.assume_multiple %mul3A_225, 16 : i32
        %get3A_227 = arith.index_cast %multiple_of3A_226 : i32 to index
        %get3A_228 = tpu.vector_load %arg8[%get3A_227] {strides = array<i32>} : memref<20480xf32, #tpu.memory_space<vmem>>, vector<16xf32>,
        %bitcast3A_229 = vector.bitcast %get3A_228 : vector<16xf32> to vector<16xi32>
        %shift_right_logical3A_230 = arith.constant 20 : i32
        %shift_right_logical3A_231 = vector.broadcast %shift_right_logical3A_230 : i32 to vector<16xi32>
        %shift_right_logical3A_232 = arith.shrui %bitcast3A_229, %shift_right_logical3A_231 : vector<16xi32>
        tpu.vector_store_idx %arg10[%shift_right_logical3A_232], %broadcast_in_dim3A_1 {add = true} : memref<2048xf32, #tpu.memory_space<vmem>>[vector<16xi32>], vector<16xf32>,
        %mul3A_233 = arith.constant 16 : i32
        %mul3A_234 = arith.muli %scan3A_143, %mul3A_233 : i32
        %add3A_235 = arith.constant 7 : i32
        %add3A_236 = arith.addi %mul3A_234, %add3A_235 : i32
        %mul3A_237 = arith.constant 16 : i32
        %mul3A_238 = arith.muli %add3A_236, %mul3A_237 : i32
        %multiple_of3A_239 = tpu.assume_multiple %mul3A_238, 16 : i32
        %get3A_240 = arith.index_cast %multiple_of3A_239 : i32 to index
        %get3A_241 = tpu.vector_load %arg8[%get3A_240] {strides = array<i32>} : memref<20480xf32, #tpu.memory_space<vmem>>, vector<16xf32>,
        %bitcast3A_242 = vector.bitcast %get3A_241 : vector<16xf32> to vector<16xi32>
        %shift_right_logical3A_243 = arith.constant 20 : i32
        %shift_right_logical3A_244 = vector.broadcast %shift_right_logical3A_243 : i32 to vector<16xi32>
        %shift_right_logical3A_245 = arith.shrui %bitcast3A_242, %shift_right_logical3A_244 : vector<16xi32>
        tpu.vector_store_idx %arg10[%shift_right_logical3A_245], %broadcast_in_dim3A_1 {add = true} : memref<2048xf32, #tpu.memory_space<vmem>>[vector<16xi32>], vector<16xf32>,
        %mul3A_246 = arith.constant 16 : i32
        %mul3A_247 = arith.muli %scan3A_143, %mul3A_246 : i32
        %add3A_248 = arith.constant 8 : i32
        %add3A_249 = arith.addi %mul3A_247, %add3A_248 : i32
        %mul3A_250 = arith.constant 16 : i32
        %mul3A_251 = arith.muli %add3A_249, %mul3A_250 : i32
        %multiple_of3A_252 = tpu.assume_multiple %mul3A_251, 16 : i32
        %get3A_253 = arith.index_cast %multiple_of3A_252 : i32 to index
        %get3A_254 = tpu.vector_load %arg8[%get3A_253] {strides = array<i32>} : memref<20480xf32, #tpu.memory_space<vmem>>, vector<16xf32>,
        %bitcast3A_255 = vector.bitcast %get3A_254 : vector<16xf32> to vector<16xi32>
        %shift_right_logical3A_256 = arith.constant 20 : i32
        %shift_right_logical3A_257 = vector.broadcast %shift_right_logical3A_256 : i32 to vector<16xi32>
        %shift_right_logical3A_258 = arith.shrui %bitcast3A_255, %shift_right_logical3A_257 : vector<16xi32>
        tpu.vector_store_idx %arg10[%shift_right_logical3A_258], %broadcast_in_dim3A_1 {add = true} : memref<2048xf32, #tpu.memory_space<vmem>>[vector<16xi32>], vector<16xf32>,
        %mul3A_259 = arith.constant 16 : i32
        %mul3A_260 = arith.muli %scan3A_143, %mul3A_259 : i32
        %add3A_261 = arith.constant 9 : i32
        %add3A_262 = arith.addi %mul3A_260, %add3A_261 : i32
        %mul3A_263 = arith.constant 16 : i32
        %mul3A_264 = arith.muli %add3A_262, %mul3A_263 : i32
        %multiple_of3A_265 = tpu.assume_multiple %mul3A_264, 16 : i32
        %get3A_266 = arith.index_cast %multiple_of3A_265 : i32 to index
        %get3A_267 = tpu.vector_load %arg8[%get3A_266] {strides = array<i32>} : memref<20480xf32, #tpu.memory_space<vmem>>, vector<16xf32>,
        %bitcast3A_268 = vector.bitcast %get3A_267 : vector<16xf32> to vector<16xi32>
        %shift_right_logical3A_269 = arith.constant 20 : i32
        %shift_right_logical3A_270 = vector.broadcast %shift_right_logical3A_269 : i32 to vector<16xi32>
        %shift_right_logical3A_271 = arith.shrui %bitcast3A_268, %shift_right_logical3A_270 : vector<16xi32>
        tpu.vector_store_idx %arg10[%shift_right_logical3A_271], %broadcast_in_dim3A_1 {add = true} : memref<2048xf32, #tpu.memory_space<vmem>>[vector<16xi32>], vector<16xf32>,
        %mul3A_272 = arith.constant 16 : i32
        %mul3A_273 = arith.muli %scan3A_143, %mul3A_272 : i32
        %add3A_274 = arith.constant 10 : i32
        %add3A_275 = arith.addi %mul3A_273, %add3A_274 : i32
        %mul3A_276 = arith.constant 16 : i32
        %mul3A_277 = arith.muli %add3A_275, %mul3A_276 : i32
        %multiple_of3A_278 = tpu.assume_multiple %mul3A_277, 16 : i32
        %get3A_279 = arith.index_cast %multiple_of3A_278 : i32 to index
        %get3A_280 = tpu.vector_load %arg8[%get3A_279] {strides = array<i32>} : memref<20480xf32, #tpu.memory_space<vmem>>, vector<16xf32>,
        %bitcast3A_281 = vector.bitcast %get3A_280 : vector<16xf32> to vector<16xi32>
        %shift_right_logical3A_282 = arith.constant 20 : i32
        %shift_right_logical3A_283 = vector.broadcast %shift_right_logical3A_282 : i32 to vector<16xi32>
        %shift_right_logical3A_284 = arith.shrui %bitcast3A_281, %shift_right_logical3A_283 : vector<16xi32>
        tpu.vector_store_idx %arg10[%shift_right_logical3A_284], %broadcast_in_dim3A_1 {add = true} : memref<2048xf32, #tpu.memory_space<vmem>>[vector<16xi32>], vector<16xf32>,
        %mul3A_285 = arith.constant 16 : i32
        %mul3A_286 = arith.muli %scan3A_143, %mul3A_285 : i32
        %add3A_287 = arith.constant 11 : i32
        %add3A_288 = arith.addi %mul3A_286, %add3A_287 : i32
        %mul3A_289 = arith.constant 16 : i32
        %mul3A_290 = arith.muli %add3A_288, %mul3A_289 : i32
        %multiple_of3A_291 = tpu.assume_multiple %mul3A_290, 16 : i32
        %get3A_292 = arith.index_cast %multiple_of3A_291 : i32 to index
        %get3A_293 = tpu.vector_load %arg8[%get3A_292] {strides = array<i32>} : memref<20480xf32, #tpu.memory_space<vmem>>, vector<16xf32>,
        %bitcast3A_294 = vector.bitcast %get3A_293 : vector<16xf32> to vector<16xi32>
        %shift_right_logical3A_295 = arith.constant 20 : i32
        %shift_right_logical3A_296 = vector.broadcast %shift_right_logical3A_295 : i32 to vector<16xi32>
        %shift_right_logical3A_297 = arith.shrui %bitcast3A_294, %shift_right_logical3A_296 : vector<16xi32>
        tpu.vector_store_idx %arg10[%shift_right_logical3A_297], %broadcast_in_dim3A_1 {add = true} : memref<2048xf32, #tpu.memory_space<vmem>>[vector<16xi32>], vector<16xf32>,
        %mul3A_298 = arith.constant 16 : i32
        %mul3A_299 = arith.muli %scan3A_143, %mul3A_298 : i32
        %add3A_300 = arith.constant 12 : i32
        %add3A_301 = arith.addi %mul3A_299, %add3A_300 : i32
        %mul3A_302 = arith.constant 16 : i32
        %mul3A_303 = arith.muli %add3A_301, %mul3A_302 : i32
        %multiple_of3A_304 = tpu.assume_multiple %mul3A_303, 16 : i32
        %get3A_305 = arith.index_cast %multiple_of3A_304 : i32 to index
        %get3A_306 = tpu.vector_load %arg8[%get3A_305] {strides = array<i32>} : memref<20480xf32, #tpu.memory_space<vmem>>, vector<16xf32>,
        %bitcast3A_307 = vector.bitcast %get3A_306 : vector<16xf32> to vector<16xi32>
        %shift_right_logical3A_308 = arith.constant 20 : i32
        %shift_right_logical3A_309 = vector.broadcast %shift_right_logical3A_308 : i32 to vector<16xi32>
        %shift_right_logical3A_310 = arith.shrui %bitcast3A_307, %shift_right_logical3A_309 : vector<16xi32>
        tpu.vector_store_idx %arg10[%shift_right_logical3A_310], %broadcast_in_dim3A_1 {add = true} : memref<2048xf32, #tpu.memory_space<vmem>>[vector<16xi32>], vector<16xf32>,
        %mul3A_311 = arith.constant 16 : i32
        %mul3A_312 = arith.muli %scan3A_143, %mul3A_311 : i32
        %add3A_313 = arith.constant 13 : i32
        %add3A_314 = arith.addi %mul3A_312, %add3A_313 : i32
        %mul3A_315 = arith.constant 16 : i32
        %mul3A_316 = arith.muli %add3A_314, %mul3A_315 : i32
        %multiple_of3A_317 = tpu.assume_multiple %mul3A_316, 16 : i32
        %get3A_318 = arith.index_cast %multiple_of3A_317 : i32 to index
        %get3A_319 = tpu.vector_load %arg8[%get3A_318] {strides = array<i32>} : memref<20480xf32, #tpu.memory_space<vmem>>, vector<16xf32>,
        %bitcast3A_320 = vector.bitcast %get3A_319 : vector<16xf32> to vector<16xi32>
        %shift_right_logical3A_321 = arith.constant 20 : i32
        %shift_right_logical3A_322 = vector.broadcast %shift_right_logical3A_321 : i32 to vector<16xi32>
        %shift_right_logical3A_323 = arith.shrui %bitcast3A_320, %shift_right_logical3A_322 : vector<16xi32>
        tpu.vector_store_idx %arg10[%shift_right_logical3A_323], %broadcast_in_dim3A_1 {add = true} : memref<2048xf32, #tpu.memory_space<vmem>>[vector<16xi32>], vector<16xf32>,
        %mul3A_324 = arith.constant 16 : i32
        %mul3A_325 = arith.muli %scan3A_143, %mul3A_324 : i32
        %add3A_326 = arith.constant 14 : i32
        %add3A_327 = arith.addi %mul3A_325, %add3A_326 : i32
        %mul3A_328 = arith.constant 16 : i32
        %mul3A_329 = arith.muli %add3A_327, %mul3A_328 : i32
        %multiple_of3A_330 = tpu.assume_multiple %mul3A_329, 16 : i32
        %get3A_331 = arith.index_cast %multiple_of3A_330 : i32 to index
        %get3A_332 = tpu.vector_load %arg8[%get3A_331] {strides = array<i32>} : memref<20480xf32, #tpu.memory_space<vmem>>, vector<16xf32>,
        %bitcast3A_333 = vector.bitcast %get3A_332 : vector<16xf32> to vector<16xi32>
        %shift_right_logical3A_334 = arith.constant 20 : i32
        %shift_right_logical3A_335 = vector.broadcast %shift_right_logical3A_334 : i32 to vector<16xi32>
        %shift_right_logical3A_336 = arith.shrui %bitcast3A_333, %shift_right_logical3A_335 : vector<16xi32>
        tpu.vector_store_idx %arg10[%shift_right_logical3A_336], %broadcast_in_dim3A_1 {add = true} : memref<2048xf32, #tpu.memory_space<vmem>>[vector<16xi32>], vector<16xf32>,
        %mul3A_337 = arith.constant 16 : i32
        %mul3A_338 = arith.muli %scan3A_143, %mul3A_337 : i32
        %add3A_339 = arith.constant 15 : i32
        %add3A_340 = arith.addi %mul3A_338, %add3A_339 : i32
        %mul3A_341 = arith.constant 16 : i32
        %mul3A_342 = arith.muli %add3A_340, %mul3A_341 : i32
        %multiple_of3A_343 = tpu.assume_multiple %mul3A_342, 16 : i32
        %get3A_344 = arith.index_cast %multiple_of3A_343 : i32 to index
        %get3A_345 = tpu.vector_load %arg8[%get3A_344] {strides = array<i32>} : memref<20480xf32, #tpu.memory_space<vmem>>, vector<16xf32>,
        %bitcast3A_346 = vector.bitcast %get3A_345 : vector<16xf32> to vector<16xi32>
        %shift_right_logical3A_347 = arith.constant 20 : i32
        %shift_right_logical3A_348 = vector.broadcast %shift_right_logical3A_347 : i32 to vector<16xi32>
        %shift_right_logical3A_349 = arith.shrui %bitcast3A_346, %shift_right_logical3A_348 : vector<16xi32>
        tpu.vector_store_idx %arg10[%shift_right_logical3A_349], %broadcast_in_dim3A_1 {add = true} : memref<2048xf32, #tpu.memory_space<vmem>>[vector<16xi32>], vector<16xf32>,
        %scan3A_350 = arith.constant 0 : i32
        scf.yield %scan3A_350 : i32
      }
      %scan3A_54 = arith.constant 80 : i32
      %scan3A_55 = arith.constant 0.000000e+00 : f32
      %scan3A_56 = arith.constant 0.000000e+00 : f32
      %scan3A_57 = arith.constant 0.000000e+00 : f32
      %scan3A_58 = arith.constant 0 : i32
      %scan3A_59 = arith.constant 128 : i32
      %scan3A_60 = arith.addi %scan3A_58, %scan3A_59 : i32
      %scan3A_61 = arith.constant 1 : i32
      %scan3A_62:3 = scf.for %scan3A_143 = %scan3A_58 to %scan3A_60 step %scan3A_61 iter_args(%scan3A_144 = %scan3A_55, %scan3A_145 = %scan3A_56, %scan3A_146 = %scan3A_57) -> (f32, f32, f32)  : i32 {
        %sub3A_147 = arith.constant 127 : i32
        %sub3A_148 = arith.subi %sub3A_147, %scan3A_143 : i32
        %mul3A_149 = arith.constant 16 : i32
        %mul3A_150 = arith.muli %sub3A_148, %mul3A_149 : i32
        %multiple_of3A = tpu.assume_multiple %mul3A_150, 16 : i32
        %get3A = arith.index_cast %multiple_of3A : i32 to index
        %get3A_151 = tpu.vector_load %arg10[%get3A] {strides = array<i32>} : memref<2048xf32, #tpu.memory_space<vmem>>, vector<16xf32>,
        %broadcast_in_dim3A_152 = arith.constant true
        %broadcast_in_dim3A_153 = vector.broadcast %broadcast_in_dim3A_152 : i1 to vector<16xi1>
        %masked_cumsum3A = tpu.scan <sum>, %get3A_151 masked %broadcast_in_dim3A_153 : vector<16xf32>, vector<16xi1> -> vector<16xf32>
        %reduce_sum3A_154 = arith.constant true
        %reduce_sum3A_155 = vector.broadcast %reduce_sum3A_154 : i1 to vector<16xi1>
        %reduce_sum3A_156 = tpu.scan <sum>, %get3A_151 masked %reduce_sum3A_155 : vector<16xf32>, vector<16xi1> -> vector<16xf32>
        %reduce_sum3A_157 = vector.extract %reduce_sum3A_156[15] : f32 from vector<16xf32>
        %sub3A_158 = vector.broadcast %reduce_sum3A_157 : f32 to vector<16xf32>
        %sub3A_159 = arith.subf %sub3A_158, %masked_cumsum3A : vector<16xf32>
        %add3A_160 = vector.broadcast %scan3A_144 : f32 to vector<16xf32>
        %add3A_161 = arith.addf %add3A_160, %sub3A_159 : vector<16xf32>
        %lt3A_162 = vector.broadcast %min3A_26 : f32 to vector<16xf32>
        %lt3A_163 = arith.cmpf olt, %add3A_161, %lt3A_162 : vector<16xf32>
        %add3A_164 = arith.addf %add3A_161, %get3A_151 : vector<16xf32>
        %ge3A = vector.broadcast %min3A_26 : f32 to vector<16xf32>
        %ge3A_165 = arith.cmpf oge, %add3A_164, %ge3A : vector<16xf32>
        %and3A = arith.andi %lt3A_163, %ge3A_165 : vector<16xi1>
        %convert_element_type3A_166 = arith.extui %and3A : vector<16xi1> to vector<16xi32>
        %convert_element_type3A_167 = arith.sitofp %convert_element_type3A_166 : vector<16xi32> to vector<16xf32>
        %convert_element_type3A_168 = arith.sitofp %sub3A_148 : i32 to f32
        %mul3A_169 = arith.constant 1.600000e+01 : f32
        %mul3A_170 = arith.mulf %convert_element_type3A_168, %mul3A_169 : f32
        %add3A_171 = vector.broadcast %mul3A_170 : f32 to vector<16xf32>
        %add3A_172 = arith.addf %add3A_171, %convert_element_type3A : vector<16xf32>
        %mul3A_173 = arith.mulf %convert_element_type3A_167, %add3A_172 : vector<16xf32>
        %reduce_sum3A_174 = arith.constant true
        %reduce_sum3A_175 = vector.broadcast %reduce_sum3A_174 : i1 to vector<16xi1>
        %reduce_sum3A_176 = tpu.scan <sum>, %mul3A_173 masked %reduce_sum3A_175 : vector<16xf32>, vector<16xi1> -> vector<16xf32>
        %reduce_sum3A_177 = vector.extract %reduce_sum3A_176[15] : f32 from vector<16xf32>
        %add3A_178 = arith.addf %scan3A_145, %reduce_sum3A_177 : f32
        %mul3A_179 = arith.mulf %convert_element_type3A_167, %add3A_161 : vector<16xf32>
        %reduce_sum3A_180 = arith.constant true
        %reduce_sum3A_181 = vector.broadcast %reduce_sum3A_180 : i1 to vector<16xi1>
        %reduce_sum3A_182 = tpu.scan <sum>, %mul3A_179 masked %reduce_sum3A_181 : vector<16xf32>, vector<16xi1> -> vector<16xf32>
        %reduce_sum3A_183 = vector.extract %reduce_sum3A_182[15] : f32 from vector<16xf32>
        %add3A_184 = arith.addf %scan3A_146, %reduce_sum3A_183 : f32
        %add3A_185 = arith.addf %scan3A_144, %reduce_sum3A_157 : f32
        scf.yield %add3A_185, %add3A_178, %add3A_184 : f32, f32, f32
      }
      %scan3A_63 = arith.constant 128 : i32
      %convert_element_type3A_64 = arith.fptosi %scan3A_62#1 : f32 to i32
      %scan3A_65 = arith.constant 0 : i32
      %scan3A_66 = arith.constant 0 : i32
      %scan3A_67 = arith.constant 80 : i32
      %scan3A_68 = arith.addi %scan3A_66, %scan3A_67 : i32
      %scan3A_69 = arith.constant 1 : i32
      %scan3A_70 = scf.for %scan3A_143 = %scan3A_66 to %scan3A_68 step %scan3A_69 iter_args(%scan3A_144 = %scan3A_65) -> (i32)  : i32 {
        %mul3A_145 = arith.constant 16 : i32
        %mul3A_146 = arith.muli %scan3A_143, %mul3A_145 : i32
        %add3A_147 = arith.constant 0 : i32
        %add3A_148 = arith.addi %mul3A_146, %add3A_147 : i32
        %mul3A_149 = arith.constant 16 : i32
        %mul3A_150 = arith.muli %add3A_148, %mul3A_149 : i32
        %multiple_of3A = tpu.assume_multiple %mul3A_150, 16 : i32
        %get3A = arith.index_cast %multiple_of3A : i32 to index
        %get3A_151 = tpu.vector_load %arg8[%get3A] {strides = array<i32>} : memref<20480xf32, #tpu.memory_space<vmem>>, vector<16xf32>,
        %bitcast3A_152 = vector.bitcast %get3A_151 : vector<16xf32> to vector<16xi32>
        %shift_right_logical3A = arith.constant 20 : i32
        %shift_right_logical3A_153 = vector.broadcast %shift_right_logical3A : i32 to vector<16xi32>
        %shift_right_logical3A_154 = arith.shrui %bitcast3A_152, %shift_right_logical3A_153 : vector<16xi32>
        %eq3A_155 = vector.broadcast %convert_element_type3A_64 : i32 to vector<16xi32>
        %eq3A_156 = arith.cmpi eq, %shift_right_logical3A_154, %eq3A_155 : vector<16xi32>
        %shift_right_logical3A_157 = arith.constant 10 : i32
        %shift_right_logical3A_158 = vector.broadcast %shift_right_logical3A_157 : i32 to vector<16xi32>
        %shift_right_logical3A_159 = arith.shrui %bitcast3A_152, %shift_right_logical3A_158 : vector<16xi32>
        %and3A = arith.constant 1023 : i32
        %and3A_160 = vector.broadcast %and3A : i32 to vector<16xi32>
        %and3A_161 = arith.andi %shift_right_logical3A_159, %and3A_160 : vector<16xi32>
        tpu.vector_store_idx %arg11[%and3A_161], %broadcast_in_dim3A_1 masked %eq3A_156 {add = true} : memref<1024xf32, #tpu.memory_space<vmem>>[vector<16xi32>], vector<16xf32>, vector<16xi1>
        %mul3A_162 = arith.constant 16 : i32
        %mul3A_163 = arith.muli %scan3A_143, %mul3A_162 : i32
        %add3A_164 = arith.constant 1 : i32
        %add3A_165 = arith.addi %mul3A_163, %add3A_164 : i32
        %mul3A_166 = arith.constant 16 : i32
        %mul3A_167 = arith.muli %add3A_165, %mul3A_166 : i32
        %multiple_of3A_168 = tpu.assume_multiple %mul3A_167, 16 : i32
        %get3A_169 = arith.index_cast %multiple_of3A_168 : i32 to index
        %get3A_170 = tpu.vector_load %arg8[%get3A_169] {strides = array<i32>} : memref<20480xf32, #tpu.memory_space<vmem>>, vector<16xf32>,
        %bitcast3A_171 = vector.bitcast %get3A_170 : vector<16xf32> to vector<16xi32>
        %shift_right_logical3A_172 = arith.constant 20 : i32
        %shift_right_logical3A_173 = vector.broadcast %shift_right_logical3A_172 : i32 to vector<16xi32>
        %shift_right_logical3A_174 = arith.shrui %bitcast3A_171, %shift_right_logical3A_173 : vector<16xi32>
        %eq3A_175 = vector.broadcast %convert_element_type3A_64 : i32 to vector<16xi32>
        %eq3A_176 = arith.cmpi eq, %shift_right_logical3A_174, %eq3A_175 : vector<16xi32>
        %shift_right_logical3A_177 = arith.constant 10 : i32
        %shift_right_logical3A_178 = vector.broadcast %shift_right_logical3A_177 : i32 to vector<16xi32>
        %shift_right_logical3A_179 = arith.shrui %bitcast3A_171, %shift_right_logical3A_178 : vector<16xi32>
        %and3A_180 = arith.constant 1023 : i32
        %and3A_181 = vector.broadcast %and3A_180 : i32 to vector<16xi32>
        %and3A_182 = arith.andi %shift_right_logical3A_179, %and3A_181 : vector<16xi32>
        tpu.vector_store_idx %arg11[%and3A_182], %broadcast_in_dim3A_1 masked %eq3A_176 {add = true} : memref<1024xf32, #tpu.memory_space<vmem>>[vector<16xi32>], vector<16xf32>, vector<16xi1>
        %mul3A_183 = arith.constant 16 : i32
        %mul3A_184 = arith.muli %scan3A_143, %mul3A_183 : i32
        %add3A_185 = arith.constant 2 : i32
        %add3A_186 = arith.addi %mul3A_184, %add3A_185 : i32
        %mul3A_187 = arith.constant 16 : i32
        %mul3A_188 = arith.muli %add3A_186, %mul3A_187 : i32
        %multiple_of3A_189 = tpu.assume_multiple %mul3A_188, 16 : i32
        %get3A_190 = arith.index_cast %multiple_of3A_189 : i32 to index
        %get3A_191 = tpu.vector_load %arg8[%get3A_190] {strides = array<i32>} : memref<20480xf32, #tpu.memory_space<vmem>>, vector<16xf32>,
        %bitcast3A_192 = vector.bitcast %get3A_191 : vector<16xf32> to vector<16xi32>
        %shift_right_logical3A_193 = arith.constant 20 : i32
        %shift_right_logical3A_194 = vector.broadcast %shift_right_logical3A_193 : i32 to vector<16xi32>
        %shift_right_logical3A_195 = arith.shrui %bitcast3A_192, %shift_right_logical3A_194 : vector<16xi32>
        %eq3A_196 = vector.broadcast %convert_element_type3A_64 : i32 to vector<16xi32>
        %eq3A_197 = arith.cmpi eq, %shift_right_logical3A_195, %eq3A_196 : vector<16xi32>
        %shift_right_logical3A_198 = arith.constant 10 : i32
        %shift_right_logical3A_199 = vector.broadcast %shift_right_logical3A_198 : i32 to vector<16xi32>
        %shift_right_logical3A_200 = arith.shrui %bitcast3A_192, %shift_right_logical3A_199 : vector<16xi32>
        %and3A_201 = arith.constant 1023 : i32
        %and3A_202 = vector.broadcast %and3A_201 : i32 to vector<16xi32>
        %and3A_203 = arith.andi %shift_right_logical3A_200, %and3A_202 : vector<16xi32>
        tpu.vector_store_idx %arg11[%and3A_203], %broadcast_in_dim3A_1 masked %eq3A_197 {add = true} : memref<1024xf32, #tpu.memory_space<vmem>>[vector<16xi32>], vector<16xf32>, vector<16xi1>
        %mul3A_204 = arith.constant 16 : i32
        %mul3A_205 = arith.muli %scan3A_143, %mul3A_204 : i32
        %add3A_206 = arith.constant 3 : i32
        %add3A_207 = arith.addi %mul3A_205, %add3A_206 : i32
        %mul3A_208 = arith.constant 16 : i32
        %mul3A_209 = arith.muli %add3A_207, %mul3A_208 : i32
        %multiple_of3A_210 = tpu.assume_multiple %mul3A_209, 16 : i32
        %get3A_211 = arith.index_cast %multiple_of3A_210 : i32 to index
        %get3A_212 = tpu.vector_load %arg8[%get3A_211] {strides = array<i32>} : memref<20480xf32, #tpu.memory_space<vmem>>, vector<16xf32>,
        %bitcast3A_213 = vector.bitcast %get3A_212 : vector<16xf32> to vector<16xi32>
        %shift_right_logical3A_214 = arith.constant 20 : i32
        %shift_right_logical3A_215 = vector.broadcast %shift_right_logical3A_214 : i32 to vector<16xi32>
        %shift_right_logical3A_216 = arith.shrui %bitcast3A_213, %shift_right_logical3A_215 : vector<16xi32>
        %eq3A_217 = vector.broadcast %convert_element_type3A_64 : i32 to vector<16xi32>
        %eq3A_218 = arith.cmpi eq, %shift_right_logical3A_216, %eq3A_217 : vector<16xi32>
        %shift_right_logical3A_219 = arith.constant 10 : i32
        %shift_right_logical3A_220 = vector.broadcast %shift_right_logical3A_219 : i32 to vector<16xi32>
        %shift_right_logical3A_221 = arith.shrui %bitcast3A_213, %shift_right_logical3A_220 : vector<16xi32>
        %and3A_222 = arith.constant 1023 : i32
        %and3A_223 = vector.broadcast %and3A_222 : i32 to vector<16xi32>
        %and3A_224 = arith.andi %shift_right_logical3A_221, %and3A_223 : vector<16xi32>
        tpu.vector_store_idx %arg11[%and3A_224], %broadcast_in_dim3A_1 masked %eq3A_218 {add = true} : memref<1024xf32, #tpu.memory_space<vmem>>[vector<16xi32>], vector<16xf32>, vector<16xi1>
        %mul3A_225 = arith.constant 16 : i32
        %mul3A_226 = arith.muli %scan3A_143, %mul3A_225 : i32
        %add3A_227 = arith.constant 4 : i32
        %add3A_228 = arith.addi %mul3A_226, %add3A_227 : i32
        %mul3A_229 = arith.constant 16 : i32
        %mul3A_230 = arith.muli %add3A_228, %mul3A_229 : i32
        %multiple_of3A_231 = tpu.assume_multiple %mul3A_230, 16 : i32
        %get3A_232 = arith.index_cast %multiple_of3A_231 : i32 to index
        %get3A_233 = tpu.vector_load %arg8[%get3A_232] {strides = array<i32>} : memref<20480xf32, #tpu.memory_space<vmem>>, vector<16xf32>,
        %bitcast3A_234 = vector.bitcast %get3A_233 : vector<16xf32> to vector<16xi32>
        %shift_right_logical3A_235 = arith.constant 20 : i32
        %shift_right_logical3A_236 = vector.broadcast %shift_right_logical3A_235 : i32 to vector<16xi32>
        %shift_right_logical3A_237 = arith.shrui %bitcast3A_234, %shift_right_logical3A_236 : vector<16xi32>
        %eq3A_238 = vector.broadcast %convert_element_type3A_64 : i32 to vector<16xi32>
        %eq3A_239 = arith.cmpi eq, %shift_right_logical3A_237, %eq3A_238 : vector<16xi32>
        %shift_right_logical3A_240 = arith.constant 10 : i32
        %shift_right_logical3A_241 = vector.broadcast %shift_right_logical3A_240 : i32 to vector<16xi32>
        %shift_right_logical3A_242 = arith.shrui %bitcast3A_234, %shift_right_logical3A_241 : vector<16xi32>
        %and3A_243 = arith.constant 1023 : i32
        %and3A_244 = vector.broadcast %and3A_243 : i32 to vector<16xi32>
        %and3A_245 = arith.andi %shift_right_logical3A_242, %and3A_244 : vector<16xi32>
        tpu.vector_store_idx %arg11[%and3A_245], %broadcast_in_dim3A_1 masked %eq3A_239 {add = true} : memref<1024xf32, #tpu.memory_space<vmem>>[vector<16xi32>], vector<16xf32>, vector<16xi1>
        %mul3A_246 = arith.constant 16 : i32
        %mul3A_247 = arith.muli %scan3A_143, %mul3A_246 : i32
        %add3A_248 = arith.constant 5 : i32
        %add3A_249 = arith.addi %mul3A_247, %add3A_248 : i32
        %mul3A_250 = arith.constant 16 : i32
        %mul3A_251 = arith.muli %add3A_249, %mul3A_250 : i32
        %multiple_of3A_252 = tpu.assume_multiple %mul3A_251, 16 : i32
        %get3A_253 = arith.index_cast %multiple_of3A_252 : i32 to index
        %get3A_254 = tpu.vector_load %arg8[%get3A_253] {strides = array<i32>} : memref<20480xf32, #tpu.memory_space<vmem>>, vector<16xf32>,
        %bitcast3A_255 = vector.bitcast %get3A_254 : vector<16xf32> to vector<16xi32>
        %shift_right_logical3A_256 = arith.constant 20 : i32
        %shift_right_logical3A_257 = vector.broadcast %shift_right_logical3A_256 : i32 to vector<16xi32>
        %shift_right_logical3A_258 = arith.shrui %bitcast3A_255, %shift_right_logical3A_257 : vector<16xi32>
        %eq3A_259 = vector.broadcast %convert_element_type3A_64 : i32 to vector<16xi32>
        %eq3A_260 = arith.cmpi eq, %shift_right_logical3A_258, %eq3A_259 : vector<16xi32>
        %shift_right_logical3A_261 = arith.constant 10 : i32
        %shift_right_logical3A_262 = vector.broadcast %shift_right_logical3A_261 : i32 to vector<16xi32>
        %shift_right_logical3A_263 = arith.shrui %bitcast3A_255, %shift_right_logical3A_262 : vector<16xi32>
        %and3A_264 = arith.constant 1023 : i32
        %and3A_265 = vector.broadcast %and3A_264 : i32 to vector<16xi32>
        %and3A_266 = arith.andi %shift_right_logical3A_263, %and3A_265 : vector<16xi32>
        tpu.vector_store_idx %arg11[%and3A_266], %broadcast_in_dim3A_1 masked %eq3A_260 {add = true} : memref<1024xf32, #tpu.memory_space<vmem>>[vector<16xi32>], vector<16xf32>, vector<16xi1>
        %mul3A_267 = arith.constant 16 : i32
        %mul3A_268 = arith.muli %scan3A_143, %mul3A_267 : i32
        %add3A_269 = arith.constant 6 : i32
        %add3A_270 = arith.addi %mul3A_268, %add3A_269 : i32
        %mul3A_271 = arith.constant 16 : i32
        %mul3A_272 = arith.muli %add3A_270, %mul3A_271 : i32
        %multiple_of3A_273 = tpu.assume_multiple %mul3A_272, 16 : i32
        %get3A_274 = arith.index_cast %multiple_of3A_273 : i32 to index
        %get3A_275 = tpu.vector_load %arg8[%get3A_274] {strides = array<i32>} : memref<20480xf32, #tpu.memory_space<vmem>>, vector<16xf32>,
        %bitcast3A_276 = vector.bitcast %get3A_275 : vector<16xf32> to vector<16xi32>
        %shift_right_logical3A_277 = arith.constant 20 : i32
        %shift_right_logical3A_278 = vector.broadcast %shift_right_logical3A_277 : i32 to vector<16xi32>
        %shift_right_logical3A_279 = arith.shrui %bitcast3A_276, %shift_right_logical3A_278 : vector<16xi32>
        %eq3A_280 = vector.broadcast %convert_element_type3A_64 : i32 to vector<16xi32>
        %eq3A_281 = arith.cmpi eq, %shift_right_logical3A_279, %eq3A_280 : vector<16xi32>
        %shift_right_logical3A_282 = arith.constant 10 : i32
        %shift_right_logical3A_283 = vector.broadcast %shift_right_logical3A_282 : i32 to vector<16xi32>
        %shift_right_logical3A_284 = arith.shrui %bitcast3A_276, %shift_right_logical3A_283 : vector<16xi32>
        %and3A_285 = arith.constant 1023 : i32
        %and3A_286 = vector.broadcast %and3A_285 : i32 to vector<16xi32>
        %and3A_287 = arith.andi %shift_right_logical3A_284, %and3A_286 : vector<16xi32>
        tpu.vector_store_idx %arg11[%and3A_287], %broadcast_in_dim3A_1 masked %eq3A_281 {add = true} : memref<1024xf32, #tpu.memory_space<vmem>>[vector<16xi32>], vector<16xf32>, vector<16xi1>
        %mul3A_288 = arith.constant 16 : i32
        %mul3A_289 = arith.muli %scan3A_143, %mul3A_288 : i32
        %add3A_290 = arith.constant 7 : i32
        %add3A_291 = arith.addi %mul3A_289, %add3A_290 : i32
        %mul3A_292 = arith.constant 16 : i32
        %mul3A_293 = arith.muli %add3A_291, %mul3A_292 : i32
        %multiple_of3A_294 = tpu.assume_multiple %mul3A_293, 16 : i32
        %get3A_295 = arith.index_cast %multiple_of3A_294 : i32 to index
        %get3A_296 = tpu.vector_load %arg8[%get3A_295] {strides = array<i32>} : memref<20480xf32, #tpu.memory_space<vmem>>, vector<16xf32>,
        %bitcast3A_297 = vector.bitcast %get3A_296 : vector<16xf32> to vector<16xi32>
        %shift_right_logical3A_298 = arith.constant 20 : i32
        %shift_right_logical3A_299 = vector.broadcast %shift_right_logical3A_298 : i32 to vector<16xi32>
        %shift_right_logical3A_300 = arith.shrui %bitcast3A_297, %shift_right_logical3A_299 : vector<16xi32>
        %eq3A_301 = vector.broadcast %convert_element_type3A_64 : i32 to vector<16xi32>
        %eq3A_302 = arith.cmpi eq, %shift_right_logical3A_300, %eq3A_301 : vector<16xi32>
        %shift_right_logical3A_303 = arith.constant 10 : i32
        %shift_right_logical3A_304 = vector.broadcast %shift_right_logical3A_303 : i32 to vector<16xi32>
        %shift_right_logical3A_305 = arith.shrui %bitcast3A_297, %shift_right_logical3A_304 : vector<16xi32>
        %and3A_306 = arith.constant 1023 : i32
        %and3A_307 = vector.broadcast %and3A_306 : i32 to vector<16xi32>
        %and3A_308 = arith.andi %shift_right_logical3A_305, %and3A_307 : vector<16xi32>
        tpu.vector_store_idx %arg11[%and3A_308], %broadcast_in_dim3A_1 masked %eq3A_302 {add = true} : memref<1024xf32, #tpu.memory_space<vmem>>[vector<16xi32>], vector<16xf32>, vector<16xi1>
        %mul3A_309 = arith.constant 16 : i32
        %mul3A_310 = arith.muli %scan3A_143, %mul3A_309 : i32
        %add3A_311 = arith.constant 8 : i32
        %add3A_312 = arith.addi %mul3A_310, %add3A_311 : i32
        %mul3A_313 = arith.constant 16 : i32
        %mul3A_314 = arith.muli %add3A_312, %mul3A_313 : i32
        %multiple_of3A_315 = tpu.assume_multiple %mul3A_314, 16 : i32
        %get3A_316 = arith.index_cast %multiple_of3A_315 : i32 to index
        %get3A_317 = tpu.vector_load %arg8[%get3A_316] {strides = array<i32>} : memref<20480xf32, #tpu.memory_space<vmem>>, vector<16xf32>,
        %bitcast3A_318 = vector.bitcast %get3A_317 : vector<16xf32> to vector<16xi32>
        %shift_right_logical3A_319 = arith.constant 20 : i32
        %shift_right_logical3A_320 = vector.broadcast %shift_right_logical3A_319 : i32 to vector<16xi32>
        %shift_right_logical3A_321 = arith.shrui %bitcast3A_318, %shift_right_logical3A_320 : vector<16xi32>
        %eq3A_322 = vector.broadcast %convert_element_type3A_64 : i32 to vector<16xi32>
        %eq3A_323 = arith.cmpi eq, %shift_right_logical3A_321, %eq3A_322 : vector<16xi32>
        %shift_right_logical3A_324 = arith.constant 10 : i32
        %shift_right_logical3A_325 = vector.broadcast %shift_right_logical3A_324 : i32 to vector<16xi32>
        %shift_right_logical3A_326 = arith.shrui %bitcast3A_318, %shift_right_logical3A_325 : vector<16xi32>
        %and3A_327 = arith.constant 1023 : i32
        %and3A_328 = vector.broadcast %and3A_327 : i32 to vector<16xi32>
        %and3A_329 = arith.andi %shift_right_logical3A_326, %and3A_328 : vector<16xi32>
        tpu.vector_store_idx %arg11[%and3A_329], %broadcast_in_dim3A_1 masked %eq3A_323 {add = true} : memref<1024xf32, #tpu.memory_space<vmem>>[vector<16xi32>], vector<16xf32>, vector<16xi1>
        %mul3A_330 = arith.constant 16 : i32
        %mul3A_331 = arith.muli %scan3A_143, %mul3A_330 : i32
        %add3A_332 = arith.constant 9 : i32
        %add3A_333 = arith.addi %mul3A_331, %add3A_332 : i32
        %mul3A_334 = arith.constant 16 : i32
        %mul3A_335 = arith.muli %add3A_333, %mul3A_334 : i32
        %multiple_of3A_336 = tpu.assume_multiple %mul3A_335, 16 : i32
        %get3A_337 = arith.index_cast %multiple_of3A_336 : i32 to index
        %get3A_338 = tpu.vector_load %arg8[%get3A_337] {strides = array<i32>} : memref<20480xf32, #tpu.memory_space<vmem>>, vector<16xf32>,
        %bitcast3A_339 = vector.bitcast %get3A_338 : vector<16xf32> to vector<16xi32>
        %shift_right_logical3A_340 = arith.constant 20 : i32
        %shift_right_logical3A_341 = vector.broadcast %shift_right_logical3A_340 : i32 to vector<16xi32>
        %shift_right_logical3A_342 = arith.shrui %bitcast3A_339, %shift_right_logical3A_341 : vector<16xi32>
        %eq3A_343 = vector.broadcast %convert_element_type3A_64 : i32 to vector<16xi32>
        %eq3A_344 = arith.cmpi eq, %shift_right_logical3A_342, %eq3A_343 : vector<16xi32>
        %shift_right_logical3A_345 = arith.constant 10 : i32
        %shift_right_logical3A_346 = vector.broadcast %shift_right_logical3A_345 : i32 to vector<16xi32>
        %shift_right_logical3A_347 = arith.shrui %bitcast3A_339, %shift_right_logical3A_346 : vector<16xi32>
        %and3A_348 = arith.constant 1023 : i32
        %and3A_349 = vector.broadcast %and3A_348 : i32 to vector<16xi32>
        %and3A_350 = arith.andi %shift_right_logical3A_347, %and3A_349 : vector<16xi32>
        tpu.vector_store_idx %arg11[%and3A_350], %broadcast_in_dim3A_1 masked %eq3A_344 {add = true} : memref<1024xf32, #tpu.memory_space<vmem>>[vector<16xi32>], vector<16xf32>, vector<16xi1>
        %mul3A_351 = arith.constant 16 : i32
        %mul3A_352 = arith.muli %scan3A_143, %mul3A_351 : i32
        %add3A_353 = arith.constant 10 : i32
        %add3A_354 = arith.addi %mul3A_352, %add3A_353 : i32
        %mul3A_355 = arith.constant 16 : i32
        %mul3A_356 = arith.muli %add3A_354, %mul3A_355 : i32
        %multiple_of3A_357 = tpu.assume_multiple %mul3A_356, 16 : i32
        %get3A_358 = arith.index_cast %multiple_of3A_357 : i32 to index
        %get3A_359 = tpu.vector_load %arg8[%get3A_358] {strides = array<i32>} : memref<20480xf32, #tpu.memory_space<vmem>>, vector<16xf32>,
        %bitcast3A_360 = vector.bitcast %get3A_359 : vector<16xf32> to vector<16xi32>
        %shift_right_logical3A_361 = arith.constant 20 : i32
        %shift_right_logical3A_362 = vector.broadcast %shift_right_logical3A_361 : i32 to vector<16xi32>
        %shift_right_logical3A_363 = arith.shrui %bitcast3A_360, %shift_right_logical3A_362 : vector<16xi32>
        %eq3A_364 = vector.broadcast %convert_element_type3A_64 : i32 to vector<16xi32>
        %eq3A_365 = arith.cmpi eq, %shift_right_logical3A_363, %eq3A_364 : vector<16xi32>
        %shift_right_logical3A_366 = arith.constant 10 : i32
        %shift_right_logical3A_367 = vector.broadcast %shift_right_logical3A_366 : i32 to vector<16xi32>
        %shift_right_logical3A_368 = arith.shrui %bitcast3A_360, %shift_right_logical3A_367 : vector<16xi32>
        %and3A_369 = arith.constant 1023 : i32
        %and3A_370 = vector.broadcast %and3A_369 : i32 to vector<16xi32>
        %and3A_371 = arith.andi %shift_right_logical3A_368, %and3A_370 : vector<16xi32>
        tpu.vector_store_idx %arg11[%and3A_371], %broadcast_in_dim3A_1 masked %eq3A_365 {add = true} : memref<1024xf32, #tpu.memory_space<vmem>>[vector<16xi32>], vector<16xf32>, vector<16xi1>
        %mul3A_372 = arith.constant 16 : i32
        %mul3A_373 = arith.muli %scan3A_143, %mul3A_372 : i32
        %add3A_374 = arith.constant 11 : i32
        %add3A_375 = arith.addi %mul3A_373, %add3A_374 : i32
        %mul3A_376 = arith.constant 16 : i32
        %mul3A_377 = arith.muli %add3A_375, %mul3A_376 : i32
        %multiple_of3A_378 = tpu.assume_multiple %mul3A_377, 16 : i32
        %get3A_379 = arith.index_cast %multiple_of3A_378 : i32 to index
        %get3A_380 = tpu.vector_load %arg8[%get3A_379] {strides = array<i32>} : memref<20480xf32, #tpu.memory_space<vmem>>, vector<16xf32>,
        %bitcast3A_381 = vector.bitcast %get3A_380 : vector<16xf32> to vector<16xi32>
        %shift_right_logical3A_382 = arith.constant 20 : i32
        %shift_right_logical3A_383 = vector.broadcast %shift_right_logical3A_382 : i32 to vector<16xi32>
        %shift_right_logical3A_384 = arith.shrui %bitcast3A_381, %shift_right_logical3A_383 : vector<16xi32>
        %eq3A_385 = vector.broadcast %convert_element_type3A_64 : i32 to vector<16xi32>
        %eq3A_386 = arith.cmpi eq, %shift_right_logical3A_384, %eq3A_385 : vector<16xi32>
        %shift_right_logical3A_387 = arith.constant 10 : i32
        %shift_right_logical3A_388 = vector.broadcast %shift_right_logical3A_387 : i32 to vector<16xi32>
        %shift_right_logical3A_389 = arith.shrui %bitcast3A_381, %shift_right_logical3A_388 : vector<16xi32>
        %and3A_390 = arith.constant 1023 : i32
        %and3A_391 = vector.broadcast %and3A_390 : i32 to vector<16xi32>
        %and3A_392 = arith.andi %shift_right_logical3A_389, %and3A_391 : vector<16xi32>
        tpu.vector_store_idx %arg11[%and3A_392], %broadcast_in_dim3A_1 masked %eq3A_386 {add = true} : memref<1024xf32, #tpu.memory_space<vmem>>[vector<16xi32>], vector<16xf32>, vector<16xi1>
        %mul3A_393 = arith.constant 16 : i32
        %mul3A_394 = arith.muli %scan3A_143, %mul3A_393 : i32
        %add3A_395 = arith.constant 12 : i32
        %add3A_396 = arith.addi %mul3A_394, %add3A_395 : i32
        %mul3A_397 = arith.constant 16 : i32
        %mul3A_398 = arith.muli %add3A_396, %mul3A_397 : i32
        %multiple_of3A_399 = tpu.assume_multiple %mul3A_398, 16 : i32
        %get3A_400 = arith.index_cast %multiple_of3A_399 : i32 to index
        %get3A_401 = tpu.vector_load %arg8[%get3A_400] {strides = array<i32>} : memref<20480xf32, #tpu.memory_space<vmem>>, vector<16xf32>,
        %bitcast3A_402 = vector.bitcast %get3A_401 : vector<16xf32> to vector<16xi32>
        %shift_right_logical3A_403 = arith.constant 20 : i32
        %shift_right_logical3A_404 = vector.broadcast %shift_right_logical3A_403 : i32 to vector<16xi32>
        %shift_right_logical3A_405 = arith.shrui %bitcast3A_402, %shift_right_logical3A_404 : vector<16xi32>
        %eq3A_406 = vector.broadcast %convert_element_type3A_64 : i32 to vector<16xi32>
        %eq3A_407 = arith.cmpi eq, %shift_right_logical3A_405, %eq3A_406 : vector<16xi32>
        %shift_right_logical3A_408 = arith.constant 10 : i32
        %shift_right_logical3A_409 = vector.broadcast %shift_right_logical3A_408 : i32 to vector<16xi32>
        %shift_right_logical3A_410 = arith.shrui %bitcast3A_402, %shift_right_logical3A_409 : vector<16xi32>
        %and3A_411 = arith.constant 1023 : i32
        %and3A_412 = vector.broadcast %and3A_411 : i32 to vector<16xi32>
        %and3A_413 = arith.andi %shift_right_logical3A_410, %and3A_412 : vector<16xi32>
        tpu.vector_store_idx %arg11[%and3A_413], %broadcast_in_dim3A_1 masked %eq3A_407 {add = true} : memref<1024xf32, #tpu.memory_space<vmem>>[vector<16xi32>], vector<16xf32>, vector<16xi1>
        %mul3A_414 = arith.constant 16 : i32
        %mul3A_415 = arith.muli %scan3A_143, %mul3A_414 : i32
        %add3A_416 = arith.constant 13 : i32
        %add3A_417 = arith.addi %mul3A_415, %add3A_416 : i32
        %mul3A_418 = arith.constant 16 : i32
        %mul3A_419 = arith.muli %add3A_417, %mul3A_418 : i32
        %multiple_of3A_420 = tpu.assume_multiple %mul3A_419, 16 : i32
        %get3A_421 = arith.index_cast %multiple_of3A_420 : i32 to index
        %get3A_422 = tpu.vector_load %arg8[%get3A_421] {strides = array<i32>} : memref<20480xf32, #tpu.memory_space<vmem>>, vector<16xf32>,
        %bitcast3A_423 = vector.bitcast %get3A_422 : vector<16xf32> to vector<16xi32>
        %shift_right_logical3A_424 = arith.constant 20 : i32
        %shift_right_logical3A_425 = vector.broadcast %shift_right_logical3A_424 : i32 to vector<16xi32>
        %shift_right_logical3A_426 = arith.shrui %bitcast3A_423, %shift_right_logical3A_425 : vector<16xi32>
        %eq3A_427 = vector.broadcast %convert_element_type3A_64 : i32 to vector<16xi32>
        %eq3A_428 = arith.cmpi eq, %shift_right_logical3A_426, %eq3A_427 : vector<16xi32>
        %shift_right_logical3A_429 = arith.constant 10 : i32
        %shift_right_logical3A_430 = vector.broadcast %shift_right_logical3A_429 : i32 to vector<16xi32>
        %shift_right_logical3A_431 = arith.shrui %bitcast3A_423, %shift_right_logical3A_430 : vector<16xi32>
        %and3A_432 = arith.constant 1023 : i32
        %and3A_433 = vector.broadcast %and3A_432 : i32 to vector<16xi32>
        %and3A_434 = arith.andi %shift_right_logical3A_431, %and3A_433 : vector<16xi32>
        tpu.vector_store_idx %arg11[%and3A_434], %broadcast_in_dim3A_1 masked %eq3A_428 {add = true} : memref<1024xf32, #tpu.memory_space<vmem>>[vector<16xi32>], vector<16xf32>, vector<16xi1>
        %mul3A_435 = arith.constant 16 : i32
        %mul3A_436 = arith.muli %scan3A_143, %mul3A_435 : i32
        %add3A_437 = arith.constant 14 : i32
        %add3A_438 = arith.addi %mul3A_436, %add3A_437 : i32
        %mul3A_439 = arith.constant 16 : i32
        %mul3A_440 = arith.muli %add3A_438, %mul3A_439 : i32
        %multiple_of3A_441 = tpu.assume_multiple %mul3A_440, 16 : i32
        %get3A_442 = arith.index_cast %multiple_of3A_441 : i32 to index
        %get3A_443 = tpu.vector_load %arg8[%get3A_442] {strides = array<i32>} : memref<20480xf32, #tpu.memory_space<vmem>>, vector<16xf32>,
        %bitcast3A_444 = vector.bitcast %get3A_443 : vector<16xf32> to vector<16xi32>
        %shift_right_logical3A_445 = arith.constant 20 : i32
        %shift_right_logical3A_446 = vector.broadcast %shift_right_logical3A_445 : i32 to vector<16xi32>
        %shift_right_logical3A_447 = arith.shrui %bitcast3A_444, %shift_right_logical3A_446 : vector<16xi32>
        %eq3A_448 = vector.broadcast %convert_element_type3A_64 : i32 to vector<16xi32>
        %eq3A_449 = arith.cmpi eq, %shift_right_logical3A_447, %eq3A_448 : vector<16xi32>
        %shift_right_logical3A_450 = arith.constant 10 : i32
        %shift_right_logical3A_451 = vector.broadcast %shift_right_logical3A_450 : i32 to vector<16xi32>
        %shift_right_logical3A_452 = arith.shrui %bitcast3A_444, %shift_right_logical3A_451 : vector<16xi32>
        %and3A_453 = arith.constant 1023 : i32
        %and3A_454 = vector.broadcast %and3A_453 : i32 to vector<16xi32>
        %and3A_455 = arith.andi %shift_right_logical3A_452, %and3A_454 : vector<16xi32>
        tpu.vector_store_idx %arg11[%and3A_455], %broadcast_in_dim3A_1 masked %eq3A_449 {add = true} : memref<1024xf32, #tpu.memory_space<vmem>>[vector<16xi32>], vector<16xf32>, vector<16xi1>
        %mul3A_456 = arith.constant 16 : i32
        %mul3A_457 = arith.muli %scan3A_143, %mul3A_456 : i32
        %add3A_458 = arith.constant 15 : i32
        %add3A_459 = arith.addi %mul3A_457, %add3A_458 : i32
        %mul3A_460 = arith.constant 16 : i32
        %mul3A_461 = arith.muli %add3A_459, %mul3A_460 : i32
        %multiple_of3A_462 = tpu.assume_multiple %mul3A_461, 16 : i32
        %get3A_463 = arith.index_cast %multiple_of3A_462 : i32 to index
        %get3A_464 = tpu.vector_load %arg8[%get3A_463] {strides = array<i32>} : memref<20480xf32, #tpu.memory_space<vmem>>, vector<16xf32>,
        %bitcast3A_465 = vector.bitcast %get3A_464 : vector<16xf32> to vector<16xi32>
        %shift_right_logical3A_466 = arith.constant 20 : i32
        %shift_right_logical3A_467 = vector.broadcast %shift_right_logical3A_466 : i32 to vector<16xi32>
        %shift_right_logical3A_468 = arith.shrui %bitcast3A_465, %shift_right_logical3A_467 : vector<16xi32>
        %eq3A_469 = vector.broadcast %convert_element_type3A_64 : i32 to vector<16xi32>
        %eq3A_470 = arith.cmpi eq, %shift_right_logical3A_468, %eq3A_469 : vector<16xi32>
        %shift_right_logical3A_471 = arith.constant 10 : i32
        %shift_right_logical3A_472 = vector.broadcast %shift_right_logical3A_471 : i32 to vector<16xi32>
        %shift_right_logical3A_473 = arith.shrui %bitcast3A_465, %shift_right_logical3A_472 : vector<16xi32>
        %and3A_474 = arith.constant 1023 : i32
        %and3A_475 = vector.broadcast %and3A_474 : i32 to vector<16xi32>
        %and3A_476 = arith.andi %shift_right_logical3A_473, %and3A_475 : vector<16xi32>
        tpu.vector_store_idx %arg11[%and3A_476], %broadcast_in_dim3A_1 masked %eq3A_470 {add = true} : memref<1024xf32, #tpu.memory_space<vmem>>[vector<16xi32>], vector<16xf32>, vector<16xi1>
        %scan3A_477 = arith.constant 0 : i32
        scf.yield %scan3A_477 : i32
      }
      %scan3A_71 = arith.constant 80 : i32
      %sub3A = arith.subf %min3A_26, %scan3A_62#2 : f32
      %scan3A_72 = arith.constant 0.000000e+00 : f32
      %scan3A_73 = arith.constant 0.000000e+00 : f32
      %scan3A_74 = arith.constant 0.000000e+00 : f32
      %scan3A_75 = arith.constant 0 : i32
      %scan3A_76 = arith.constant 64 : i32
      %scan3A_77 = arith.addi %scan3A_75, %scan3A_76 : i32
      %scan3A_78 = arith.constant 1 : i32
      %scan3A_79:3 = scf.for %scan3A_143 = %scan3A_75 to %scan3A_77 step %scan3A_78 iter_args(%scan3A_144 = %scan3A_72, %scan3A_145 = %scan3A_73, %scan3A_146 = %scan3A_74) -> (f32, f32, f32)  : i32 {
        %sub3A_147 = arith.constant 63 : i32
        %sub3A_148 = arith.subi %sub3A_147, %scan3A_143 : i32
        %mul3A_149 = arith.constant 16 : i32
        %mul3A_150 = arith.muli %sub3A_148, %mul3A_149 : i32
        %multiple_of3A = tpu.assume_multiple %mul3A_150, 16 : i32
        %get3A = arith.index_cast %multiple_of3A : i32 to index
        %get3A_151 = tpu.vector_load %arg11[%get3A] {strides = array<i32>} : memref<1024xf32, #tpu.memory_space<vmem>>, vector<16xf32>,
        %broadcast_in_dim3A_152 = arith.constant true
        %broadcast_in_dim3A_153 = vector.broadcast %broadcast_in_dim3A_152 : i1 to vector<16xi1>
        %masked_cumsum3A = tpu.scan <sum>, %get3A_151 masked %broadcast_in_dim3A_153 : vector<16xf32>, vector<16xi1> -> vector<16xf32>
        %reduce_sum3A_154 = arith.constant true
        %reduce_sum3A_155 = vector.broadcast %reduce_sum3A_154 : i1 to vector<16xi1>
        %reduce_sum3A_156 = tpu.scan <sum>, %get3A_151 masked %reduce_sum3A_155 : vector<16xf32>, vector<16xi1> -> vector<16xf32>
        %reduce_sum3A_157 = vector.extract %reduce_sum3A_156[15] : f32 from vector<16xf32>
        %sub3A_158 = vector.broadcast %reduce_sum3A_157 : f32 to vector<16xf32>
        %sub3A_159 = arith.subf %sub3A_158, %masked_cumsum3A : vector<16xf32>
        %add3A_160 = vector.broadcast %scan3A_144 : f32 to vector<16xf32>
        %add3A_161 = arith.addf %add3A_160, %sub3A_159 : vector<16xf32>
        %lt3A_162 = vector.broadcast %sub3A : f32 to vector<16xf32>
        %lt3A_163 = arith.cmpf olt, %add3A_161, %lt3A_162 : vector<16xf32>
        %add3A_164 = arith.addf %add3A_161, %get3A_151 : vector<16xf32>
        %ge3A = vector.broadcast %sub3A : f32 to vector<16xf32>
        %ge3A_165 = arith.cmpf oge, %add3A_164, %ge3A : vector<16xf32>
        %and3A = arith.andi %lt3A_163, %ge3A_165 : vector<16xi1>
        %convert_element_type3A_166 = arith.extui %and3A : vector<16xi1> to vector<16xi32>
        %convert_element_type3A_167 = arith.sitofp %convert_element_type3A_166 : vector<16xi32> to vector<16xf32>
        %convert_element_type3A_168 = arith.sitofp %sub3A_148 : i32 to f32
        %mul3A_169 = arith.constant 1.600000e+01 : f32
        %mul3A_170 = arith.mulf %convert_element_type3A_168, %mul3A_169 : f32
        %add3A_171 = vector.broadcast %mul3A_170 : f32 to vector<16xf32>
        %add3A_172 = arith.addf %add3A_171, %convert_element_type3A : vector<16xf32>
        %mul3A_173 = arith.mulf %convert_element_type3A_167, %add3A_172 : vector<16xf32>
        %reduce_sum3A_174 = arith.constant true
        %reduce_sum3A_175 = vector.broadcast %reduce_sum3A_174 : i1 to vector<16xi1>
        %reduce_sum3A_176 = tpu.scan <sum>, %mul3A_173 masked %reduce_sum3A_175 : vector<16xf32>, vector<16xi1> -> vector<16xf32>
        %reduce_sum3A_177 = vector.extract %reduce_sum3A_176[15] : f32 from vector<16xf32>
        %add3A_178 = arith.addf %scan3A_145, %reduce_sum3A_177 : f32
        %mul3A_179 = arith.mulf %convert_element_type3A_167, %add3A_161 : vector<16xf32>
        %reduce_sum3A_180 = arith.constant true
        %reduce_sum3A_181 = vector.broadcast %reduce_sum3A_180 : i1 to vector<16xi1>
        %reduce_sum3A_182 = tpu.scan <sum>, %mul3A_179 masked %reduce_sum3A_181 : vector<16xf32>, vector<16xi1> -> vector<16xf32>
        %reduce_sum3A_183 = vector.extract %reduce_sum3A_182[15] : f32 from vector<16xf32>
        %add3A_184 = arith.addf %scan3A_146, %reduce_sum3A_183 : f32
        %add3A_185 = arith.addf %scan3A_144, %reduce_sum3A_157 : f32
        scf.yield %add3A_185, %add3A_178, %add3A_184 : f32, f32, f32
      }
      %scan3A_80 = arith.constant 64 : i32
      %convert_element_type3A_81 = arith.fptosi %scan3A_79#1 : f32 to i32
      %shift_left3A = arith.constant 10 : i32
      %shift_left3A_82 = arith.shli %convert_element_type3A_64, %shift_left3A : i32
      %or3A = arith.ori %shift_left3A_82, %convert_element_type3A_81 : i32
      %scan3A_83 = arith.constant 0 : i32
      %scan3A_84 = arith.constant 0 : i32
      %scan3A_85 = arith.constant 80 : i32
      %scan3A_86 = arith.addi %scan3A_84, %scan3A_85 : i32
      %scan3A_87 = arith.constant 1 : i32
      %scan3A_88 = scf.for %scan3A_143 = %scan3A_84 to %scan3A_86 step %scan3A_87 iter_args(%scan3A_144 = %scan3A_83) -> (i32)  : i32 {
        %mul3A_145 = arith.constant 16 : i32
        %mul3A_146 = arith.muli %scan3A_143, %mul3A_145 : i32
        %add3A_147 = arith.constant 0 : i32
        %add3A_148 = arith.addi %mul3A_146, %add3A_147 : i32
        %mul3A_149 = arith.constant 16 : i32
        %mul3A_150 = arith.muli %add3A_148, %mul3A_149 : i32
        %multiple_of3A = tpu.assume_multiple %mul3A_150, 16 : i32
        %get3A = arith.index_cast %multiple_of3A : i32 to index
        %get3A_151 = tpu.vector_load %arg8[%get3A] {strides = array<i32>} : memref<20480xf32, #tpu.memory_space<vmem>>, vector<16xf32>,
        %bitcast3A_152 = vector.bitcast %get3A_151 : vector<16xf32> to vector<16xi32>
        %shift_right_logical3A = arith.constant 10 : i32
        %shift_right_logical3A_153 = vector.broadcast %shift_right_logical3A : i32 to vector<16xi32>
        %shift_right_logical3A_154 = arith.shrui %bitcast3A_152, %shift_right_logical3A_153 : vector<16xi32>
        %eq3A_155 = vector.broadcast %or3A : i32 to vector<16xi32>
        %eq3A_156 = arith.cmpi eq, %shift_right_logical3A_154, %eq3A_155 : vector<16xi32>
        %and3A = arith.constant 1023 : i32
        %and3A_157 = vector.broadcast %and3A : i32 to vector<16xi32>
        %and3A_158 = arith.andi %bitcast3A_152, %and3A_157 : vector<16xi32>
        tpu.vector_store_idx %arg12[%and3A_158], %broadcast_in_dim3A_1 masked %eq3A_156 {add = true} : memref<1024xf32, #tpu.memory_space<vmem>>[vector<16xi32>], vector<16xf32>, vector<16xi1>
        %mul3A_159 = arith.constant 16 : i32
        %mul3A_160 = arith.muli %scan3A_143, %mul3A_159 : i32
        %add3A_161 = arith.constant 1 : i32
        %add3A_162 = arith.addi %mul3A_160, %add3A_161 : i32
        %mul3A_163 = arith.constant 16 : i32
        %mul3A_164 = arith.muli %add3A_162, %mul3A_163 : i32
        %multiple_of3A_165 = tpu.assume_multiple %mul3A_164, 16 : i32
        %get3A_166 = arith.index_cast %multiple_of3A_165 : i32 to index
        %get3A_167 = tpu.vector_load %arg8[%get3A_166] {strides = array<i32>} : memref<20480xf32, #tpu.memory_space<vmem>>, vector<16xf32>,
        %bitcast3A_168 = vector.bitcast %get3A_167 : vector<16xf32> to vector<16xi32>
        %shift_right_logical3A_169 = arith.constant 10 : i32
        %shift_right_logical3A_170 = vector.broadcast %shift_right_logical3A_169 : i32 to vector<16xi32>
        %shift_right_logical3A_171 = arith.shrui %bitcast3A_168, %shift_right_logical3A_170 : vector<16xi32>
        %eq3A_172 = vector.broadcast %or3A : i32 to vector<16xi32>
        %eq3A_173 = arith.cmpi eq, %shift_right_logical3A_171, %eq3A_172 : vector<16xi32>
        %and3A_174 = arith.constant 1023 : i32
        %and3A_175 = vector.broadcast %and3A_174 : i32 to vector<16xi32>
        %and3A_176 = arith.andi %bitcast3A_168, %and3A_175 : vector<16xi32>
        tpu.vector_store_idx %arg12[%and3A_176], %broadcast_in_dim3A_1 masked %eq3A_173 {add = true} : memref<1024xf32, #tpu.memory_space<vmem>>[vector<16xi32>], vector<16xf32>, vector<16xi1>
        %mul3A_177 = arith.constant 16 : i32
        %mul3A_178 = arith.muli %scan3A_143, %mul3A_177 : i32
        %add3A_179 = arith.constant 2 : i32
        %add3A_180 = arith.addi %mul3A_178, %add3A_179 : i32
        %mul3A_181 = arith.constant 16 : i32
        %mul3A_182 = arith.muli %add3A_180, %mul3A_181 : i32
        %multiple_of3A_183 = tpu.assume_multiple %mul3A_182, 16 : i32
        %get3A_184 = arith.index_cast %multiple_of3A_183 : i32 to index
        %get3A_185 = tpu.vector_load %arg8[%get3A_184] {strides = array<i32>} : memref<20480xf32, #tpu.memory_space<vmem>>, vector<16xf32>,
        %bitcast3A_186 = vector.bitcast %get3A_185 : vector<16xf32> to vector<16xi32>
        %shift_right_logical3A_187 = arith.constant 10 : i32
        %shift_right_logical3A_188 = vector.broadcast %shift_right_logical3A_187 : i32 to vector<16xi32>
        %shift_right_logical3A_189 = arith.shrui %bitcast3A_186, %shift_right_logical3A_188 : vector<16xi32>
        %eq3A_190 = vector.broadcast %or3A : i32 to vector<16xi32>
        %eq3A_191 = arith.cmpi eq, %shift_right_logical3A_189, %eq3A_190 : vector<16xi32>
        %and3A_192 = arith.constant 1023 : i32
        %and3A_193 = vector.broadcast %and3A_192 : i32 to vector<16xi32>
        %and3A_194 = arith.andi %bitcast3A_186, %and3A_193 : vector<16xi32>
        tpu.vector_store_idx %arg12[%and3A_194], %broadcast_in_dim3A_1 masked %eq3A_191 {add = true} : memref<1024xf32, #tpu.memory_space<vmem>>[vector<16xi32>], vector<16xf32>, vector<16xi1>
        %mul3A_195 = arith.constant 16 : i32
        %mul3A_196 = arith.muli %scan3A_143, %mul3A_195 : i32
        %add3A_197 = arith.constant 3 : i32
        %add3A_198 = arith.addi %mul3A_196, %add3A_197 : i32
        %mul3A_199 = arith.constant 16 : i32
        %mul3A_200 = arith.muli %add3A_198, %mul3A_199 : i32
        %multiple_of3A_201 = tpu.assume_multiple %mul3A_200, 16 : i32
        %get3A_202 = arith.index_cast %multiple_of3A_201 : i32 to index
        %get3A_203 = tpu.vector_load %arg8[%get3A_202] {strides = array<i32>} : memref<20480xf32, #tpu.memory_space<vmem>>, vector<16xf32>,
        %bitcast3A_204 = vector.bitcast %get3A_203 : vector<16xf32> to vector<16xi32>
        %shift_right_logical3A_205 = arith.constant 10 : i32
        %shift_right_logical3A_206 = vector.broadcast %shift_right_logical3A_205 : i32 to vector<16xi32>
        %shift_right_logical3A_207 = arith.shrui %bitcast3A_204, %shift_right_logical3A_206 : vector<16xi32>
        %eq3A_208 = vector.broadcast %or3A : i32 to vector<16xi32>
        %eq3A_209 = arith.cmpi eq, %shift_right_logical3A_207, %eq3A_208 : vector<16xi32>
        %and3A_210 = arith.constant 1023 : i32
        %and3A_211 = vector.broadcast %and3A_210 : i32 to vector<16xi32>
        %and3A_212 = arith.andi %bitcast3A_204, %and3A_211 : vector<16xi32>
        tpu.vector_store_idx %arg12[%and3A_212], %broadcast_in_dim3A_1 masked %eq3A_209 {add = true} : memref<1024xf32, #tpu.memory_space<vmem>>[vector<16xi32>], vector<16xf32>, vector<16xi1>
        %mul3A_213 = arith.constant 16 : i32
        %mul3A_214 = arith.muli %scan3A_143, %mul3A_213 : i32
        %add3A_215 = arith.constant 4 : i32
        %add3A_216 = arith.addi %mul3A_214, %add3A_215 : i32
        %mul3A_217 = arith.constant 16 : i32
        %mul3A_218 = arith.muli %add3A_216, %mul3A_217 : i32
        %multiple_of3A_219 = tpu.assume_multiple %mul3A_218, 16 : i32
        %get3A_220 = arith.index_cast %multiple_of3A_219 : i32 to index
        %get3A_221 = tpu.vector_load %arg8[%get3A_220] {strides = array<i32>} : memref<20480xf32, #tpu.memory_space<vmem>>, vector<16xf32>,
        %bitcast3A_222 = vector.bitcast %get3A_221 : vector<16xf32> to vector<16xi32>
        %shift_right_logical3A_223 = arith.constant 10 : i32
        %shift_right_logical3A_224 = vector.broadcast %shift_right_logical3A_223 : i32 to vector<16xi32>
        %shift_right_logical3A_225 = arith.shrui %bitcast3A_222, %shift_right_logical3A_224 : vector<16xi32>
        %eq3A_226 = vector.broadcast %or3A : i32 to vector<16xi32>
        %eq3A_227 = arith.cmpi eq, %shift_right_logical3A_225, %eq3A_226 : vector<16xi32>
        %and3A_228 = arith.constant 1023 : i32
        %and3A_229 = vector.broadcast %and3A_228 : i32 to vector<16xi32>
        %and3A_230 = arith.andi %bitcast3A_222, %and3A_229 : vector<16xi32>
        tpu.vector_store_idx %arg12[%and3A_230], %broadcast_in_dim3A_1 masked %eq3A_227 {add = true} : memref<1024xf32, #tpu.memory_space<vmem>>[vector<16xi32>], vector<16xf32>, vector<16xi1>
        %mul3A_231 = arith.constant 16 : i32
        %mul3A_232 = arith.muli %scan3A_143, %mul3A_231 : i32
        %add3A_233 = arith.constant 5 : i32
        %add3A_234 = arith.addi %mul3A_232, %add3A_233 : i32
        %mul3A_235 = arith.constant 16 : i32
        %mul3A_236 = arith.muli %add3A_234, %mul3A_235 : i32
        %multiple_of3A_237 = tpu.assume_multiple %mul3A_236, 16 : i32
        %get3A_238 = arith.index_cast %multiple_of3A_237 : i32 to index
        %get3A_239 = tpu.vector_load %arg8[%get3A_238] {strides = array<i32>} : memref<20480xf32, #tpu.memory_space<vmem>>, vector<16xf32>,
        %bitcast3A_240 = vector.bitcast %get3A_239 : vector<16xf32> to vector<16xi32>
        %shift_right_logical3A_241 = arith.constant 10 : i32
        %shift_right_logical3A_242 = vector.broadcast %shift_right_logical3A_241 : i32 to vector<16xi32>
        %shift_right_logical3A_243 = arith.shrui %bitcast3A_240, %shift_right_logical3A_242 : vector<16xi32>
        %eq3A_244 = vector.broadcast %or3A : i32 to vector<16xi32>
        %eq3A_245 = arith.cmpi eq, %shift_right_logical3A_243, %eq3A_244 : vector<16xi32>
        %and3A_246 = arith.constant 1023 : i32
        %and3A_247 = vector.broadcast %and3A_246 : i32 to vector<16xi32>
        %and3A_248 = arith.andi %bitcast3A_240, %and3A_247 : vector<16xi32>
        tpu.vector_store_idx %arg12[%and3A_248], %broadcast_in_dim3A_1 masked %eq3A_245 {add = true} : memref<1024xf32, #tpu.memory_space<vmem>>[vector<16xi32>], vector<16xf32>, vector<16xi1>
        %mul3A_249 = arith.constant 16 : i32
        %mul3A_250 = arith.muli %scan3A_143, %mul3A_249 : i32
        %add3A_251 = arith.constant 6 : i32
        %add3A_252 = arith.addi %mul3A_250, %add3A_251 : i32
        %mul3A_253 = arith.constant 16 : i32
        %mul3A_254 = arith.muli %add3A_252, %mul3A_253 : i32
        %multiple_of3A_255 = tpu.assume_multiple %mul3A_254, 16 : i32
        %get3A_256 = arith.index_cast %multiple_of3A_255 : i32 to index
        %get3A_257 = tpu.vector_load %arg8[%get3A_256] {strides = array<i32>} : memref<20480xf32, #tpu.memory_space<vmem>>, vector<16xf32>,
        %bitcast3A_258 = vector.bitcast %get3A_257 : vector<16xf32> to vector<16xi32>
        %shift_right_logical3A_259 = arith.constant 10 : i32
        %shift_right_logical3A_260 = vector.broadcast %shift_right_logical3A_259 : i32 to vector<16xi32>
        %shift_right_logical3A_261 = arith.shrui %bitcast3A_258, %shift_right_logical3A_260 : vector<16xi32>
        %eq3A_262 = vector.broadcast %or3A : i32 to vector<16xi32>
        %eq3A_263 = arith.cmpi eq, %shift_right_logical3A_261, %eq3A_262 : vector<16xi32>
        %and3A_264 = arith.constant 1023 : i32
        %and3A_265 = vector.broadcast %and3A_264 : i32 to vector<16xi32>
        %and3A_266 = arith.andi %bitcast3A_258, %and3A_265 : vector<16xi32>
        tpu.vector_store_idx %arg12[%and3A_266], %broadcast_in_dim3A_1 masked %eq3A_263 {add = true} : memref<1024xf32, #tpu.memory_space<vmem>>[vector<16xi32>], vector<16xf32>, vector<16xi1>
        %mul3A_267 = arith.constant 16 : i32
        %mul3A_268 = arith.muli %scan3A_143, %mul3A_267 : i32
        %add3A_269 = arith.constant 7 : i32
        %add3A_270 = arith.addi %mul3A_268, %add3A_269 : i32
        %mul3A_271 = arith.constant 16 : i32
        %mul3A_272 = arith.muli %add3A_270, %mul3A_271 : i32
        %multiple_of3A_273 = tpu.assume_multiple %mul3A_272, 16 : i32
        %get3A_274 = arith.index_cast %multiple_of3A_273 : i32 to index
        %get3A_275 = tpu.vector_load %arg8[%get3A_274] {strides = array<i32>} : memref<20480xf32, #tpu.memory_space<vmem>>, vector<16xf32>,
        %bitcast3A_276 = vector.bitcast %get3A_275 : vector<16xf32> to vector<16xi32>
        %shift_right_logical3A_277 = arith.constant 10 : i32
        %shift_right_logical3A_278 = vector.broadcast %shift_right_logical3A_277 : i32 to vector<16xi32>
        %shift_right_logical3A_279 = arith.shrui %bitcast3A_276, %shift_right_logical3A_278 : vector<16xi32>
        %eq3A_280 = vector.broadcast %or3A : i32 to vector<16xi32>
        %eq3A_281 = arith.cmpi eq, %shift_right_logical3A_279, %eq3A_280 : vector<16xi32>
        %and3A_282 = arith.constant 1023 : i32
        %and3A_283 = vector.broadcast %and3A_282 : i32 to vector<16xi32>
        %and3A_284 = arith.andi %bitcast3A_276, %and3A_283 : vector<16xi32>
        tpu.vector_store_idx %arg12[%and3A_284], %broadcast_in_dim3A_1 masked %eq3A_281 {add = true} : memref<1024xf32, #tpu.memory_space<vmem>>[vector<16xi32>], vector<16xf32>, vector<16xi1>
        %mul3A_285 = arith.constant 16 : i32
        %mul3A_286 = arith.muli %scan3A_143, %mul3A_285 : i32
        %add3A_287 = arith.constant 8 : i32
        %add3A_288 = arith.addi %mul3A_286, %add3A_287 : i32
        %mul3A_289 = arith.constant 16 : i32
        %mul3A_290 = arith.muli %add3A_288, %mul3A_289 : i32
        %multiple_of3A_291 = tpu.assume_multiple %mul3A_290, 16 : i32
        %get3A_292 = arith.index_cast %multiple_of3A_291 : i32 to index
        %get3A_293 = tpu.vector_load %arg8[%get3A_292] {strides = array<i32>} : memref<20480xf32, #tpu.memory_space<vmem>>, vector<16xf32>,
        %bitcast3A_294 = vector.bitcast %get3A_293 : vector<16xf32> to vector<16xi32>
        %shift_right_logical3A_295 = arith.constant 10 : i32
        %shift_right_logical3A_296 = vector.broadcast %shift_right_logical3A_295 : i32 to vector<16xi32>
        %shift_right_logical3A_297 = arith.shrui %bitcast3A_294, %shift_right_logical3A_296 : vector<16xi32>
        %eq3A_298 = vector.broadcast %or3A : i32 to vector<16xi32>
        %eq3A_299 = arith.cmpi eq, %shift_right_logical3A_297, %eq3A_298 : vector<16xi32>
        %and3A_300 = arith.constant 1023 : i32
        %and3A_301 = vector.broadcast %and3A_300 : i32 to vector<16xi32>
        %and3A_302 = arith.andi %bitcast3A_294, %and3A_301 : vector<16xi32>
        tpu.vector_store_idx %arg12[%and3A_302], %broadcast_in_dim3A_1 masked %eq3A_299 {add = true} : memref<1024xf32, #tpu.memory_space<vmem>>[vector<16xi32>], vector<16xf32>, vector<16xi1>
        %mul3A_303 = arith.constant 16 : i32
        %mul3A_304 = arith.muli %scan3A_143, %mul3A_303 : i32
        %add3A_305 = arith.constant 9 : i32
        %add3A_306 = arith.addi %mul3A_304, %add3A_305 : i32
        %mul3A_307 = arith.constant 16 : i32
        %mul3A_308 = arith.muli %add3A_306, %mul3A_307 : i32
        %multiple_of3A_309 = tpu.assume_multiple %mul3A_308, 16 : i32
        %get3A_310 = arith.index_cast %multiple_of3A_309 : i32 to index
        %get3A_311 = tpu.vector_load %arg8[%get3A_310] {strides = array<i32>} : memref<20480xf32, #tpu.memory_space<vmem>>, vector<16xf32>,
        %bitcast3A_312 = vector.bitcast %get3A_311 : vector<16xf32> to vector<16xi32>
        %shift_right_logical3A_313 = arith.constant 10 : i32
        %shift_right_logical3A_314 = vector.broadcast %shift_right_logical3A_313 : i32 to vector<16xi32>
        %shift_right_logical3A_315 = arith.shrui %bitcast3A_312, %shift_right_logical3A_314 : vector<16xi32>
        %eq3A_316 = vector.broadcast %or3A : i32 to vector<16xi32>
        %eq3A_317 = arith.cmpi eq, %shift_right_logical3A_315, %eq3A_316 : vector<16xi32>
        %and3A_318 = arith.constant 1023 : i32
        %and3A_319 = vector.broadcast %and3A_318 : i32 to vector<16xi32>
        %and3A_320 = arith.andi %bitcast3A_312, %and3A_319 : vector<16xi32>
        tpu.vector_store_idx %arg12[%and3A_320], %broadcast_in_dim3A_1 masked %eq3A_317 {add = true} : memref<1024xf32, #tpu.memory_space<vmem>>[vector<16xi32>], vector<16xf32>, vector<16xi1>
        %mul3A_321 = arith.constant 16 : i32
        %mul3A_322 = arith.muli %scan3A_143, %mul3A_321 : i32
        %add3A_323 = arith.constant 10 : i32
        %add3A_324 = arith.addi %mul3A_322, %add3A_323 : i32
        %mul3A_325 = arith.constant 16 : i32
        %mul3A_326 = arith.muli %add3A_324, %mul3A_325 : i32
        %multiple_of3A_327 = tpu.assume_multiple %mul3A_326, 16 : i32
        %get3A_328 = arith.index_cast %multiple_of3A_327 : i32 to index
        %get3A_329 = tpu.vector_load %arg8[%get3A_328] {strides = array<i32>} : memref<20480xf32, #tpu.memory_space<vmem>>, vector<16xf32>,
        %bitcast3A_330 = vector.bitcast %get3A_329 : vector<16xf32> to vector<16xi32>
        %shift_right_logical3A_331 = arith.constant 10 : i32
        %shift_right_logical3A_332 = vector.broadcast %shift_right_logical3A_331 : i32 to vector<16xi32>
        %shift_right_logical3A_333 = arith.shrui %bitcast3A_330, %shift_right_logical3A_332 : vector<16xi32>
        %eq3A_334 = vector.broadcast %or3A : i32 to vector<16xi32>
        %eq3A_335 = arith.cmpi eq, %shift_right_logical3A_333, %eq3A_334 : vector<16xi32>
        %and3A_336 = arith.constant 1023 : i32
        %and3A_337 = vector.broadcast %and3A_336 : i32 to vector<16xi32>
        %and3A_338 = arith.andi %bitcast3A_330, %and3A_337 : vector<16xi32>
        tpu.vector_store_idx %arg12[%and3A_338], %broadcast_in_dim3A_1 masked %eq3A_335 {add = true} : memref<1024xf32, #tpu.memory_space<vmem>>[vector<16xi32>], vector<16xf32>, vector<16xi1>
        %mul3A_339 = arith.constant 16 : i32
        %mul3A_340 = arith.muli %scan3A_143, %mul3A_339 : i32
        %add3A_341 = arith.constant 11 : i32
        %add3A_342 = arith.addi %mul3A_340, %add3A_341 : i32
        %mul3A_343 = arith.constant 16 : i32
        %mul3A_344 = arith.muli %add3A_342, %mul3A_343 : i32
        %multiple_of3A_345 = tpu.assume_multiple %mul3A_344, 16 : i32
        %get3A_346 = arith.index_cast %multiple_of3A_345 : i32 to index
        %get3A_347 = tpu.vector_load %arg8[%get3A_346] {strides = array<i32>} : memref<20480xf32, #tpu.memory_space<vmem>>, vector<16xf32>,
        %bitcast3A_348 = vector.bitcast %get3A_347 : vector<16xf32> to vector<16xi32>
        %shift_right_logical3A_349 = arith.constant 10 : i32
        %shift_right_logical3A_350 = vector.broadcast %shift_right_logical3A_349 : i32 to vector<16xi32>
        %shift_right_logical3A_351 = arith.shrui %bitcast3A_348, %shift_right_logical3A_350 : vector<16xi32>
        %eq3A_352 = vector.broadcast %or3A : i32 to vector<16xi32>
        %eq3A_353 = arith.cmpi eq, %shift_right_logical3A_351, %eq3A_352 : vector<16xi32>
        %and3A_354 = arith.constant 1023 : i32
        %and3A_355 = vector.broadcast %and3A_354 : i32 to vector<16xi32>
        %and3A_356 = arith.andi %bitcast3A_348, %and3A_355 : vector<16xi32>
        tpu.vector_store_idx %arg12[%and3A_356], %broadcast_in_dim3A_1 masked %eq3A_353 {add = true} : memref<1024xf32, #tpu.memory_space<vmem>>[vector<16xi32>], vector<16xf32>, vector<16xi1>
        %mul3A_357 = arith.constant 16 : i32
        %mul3A_358 = arith.muli %scan3A_143, %mul3A_357 : i32
        %add3A_359 = arith.constant 12 : i32
        %add3A_360 = arith.addi %mul3A_358, %add3A_359 : i32
        %mul3A_361 = arith.constant 16 : i32
        %mul3A_362 = arith.muli %add3A_360, %mul3A_361 : i32
        %multiple_of3A_363 = tpu.assume_multiple %mul3A_362, 16 : i32
        %get3A_364 = arith.index_cast %multiple_of3A_363 : i32 to index
        %get3A_365 = tpu.vector_load %arg8[%get3A_364] {strides = array<i32>} : memref<20480xf32, #tpu.memory_space<vmem>>, vector<16xf32>,
        %bitcast3A_366 = vector.bitcast %get3A_365 : vector<16xf32> to vector<16xi32>
        %shift_right_logical3A_367 = arith.constant 10 : i32
        %shift_right_logical3A_368 = vector.broadcast %shift_right_logical3A_367 : i32 to vector<16xi32>
        %shift_right_logical3A_369 = arith.shrui %bitcast3A_366, %shift_right_logical3A_368 : vector<16xi32>
        %eq3A_370 = vector.broadcast %or3A : i32 to vector<16xi32>
        %eq3A_371 = arith.cmpi eq, %shift_right_logical3A_369, %eq3A_370 : vector<16xi32>
        %and3A_372 = arith.constant 1023 : i32
        %and3A_373 = vector.broadcast %and3A_372 : i32 to vector<16xi32>
        %and3A_374 = arith.andi %bitcast3A_366, %and3A_373 : vector<16xi32>
        tpu.vector_store_idx %arg12[%and3A_374], %broadcast_in_dim3A_1 masked %eq3A_371 {add = true} : memref<1024xf32, #tpu.memory_space<vmem>>[vector<16xi32>], vector<16xf32>, vector<16xi1>
        %mul3A_375 = arith.constant 16 : i32
        %mul3A_376 = arith.muli %scan3A_143, %mul3A_375 : i32
        %add3A_377 = arith.constant 13 : i32
        %add3A_378 = arith.addi %mul3A_376, %add3A_377 : i32
        %mul3A_379 = arith.constant 16 : i32
        %mul3A_380 = arith.muli %add3A_378, %mul3A_379 : i32
        %multiple_of3A_381 = tpu.assume_multiple %mul3A_380, 16 : i32
        %get3A_382 = arith.index_cast %multiple_of3A_381 : i32 to index
        %get3A_383 = tpu.vector_load %arg8[%get3A_382] {strides = array<i32>} : memref<20480xf32, #tpu.memory_space<vmem>>, vector<16xf32>,
        %bitcast3A_384 = vector.bitcast %get3A_383 : vector<16xf32> to vector<16xi32>
        %shift_right_logical3A_385 = arith.constant 10 : i32
        %shift_right_logical3A_386 = vector.broadcast %shift_right_logical3A_385 : i32 to vector<16xi32>
        %shift_right_logical3A_387 = arith.shrui %bitcast3A_384, %shift_right_logical3A_386 : vector<16xi32>
        %eq3A_388 = vector.broadcast %or3A : i32 to vector<16xi32>
        %eq3A_389 = arith.cmpi eq, %shift_right_logical3A_387, %eq3A_388 : vector<16xi32>
        %and3A_390 = arith.constant 1023 : i32
        %and3A_391 = vector.broadcast %and3A_390 : i32 to vector<16xi32>
        %and3A_392 = arith.andi %bitcast3A_384, %and3A_391 : vector<16xi32>
        tpu.vector_store_idx %arg12[%and3A_392], %broadcast_in_dim3A_1 masked %eq3A_389 {add = true} : memref<1024xf32, #tpu.memory_space<vmem>>[vector<16xi32>], vector<16xf32>, vector<16xi1>
        %mul3A_393 = arith.constant 16 : i32
        %mul3A_394 = arith.muli %scan3A_143, %mul3A_393 : i32
        %add3A_395 = arith.constant 14 : i32
        %add3A_396 = arith.addi %mul3A_394, %add3A_395 : i32
        %mul3A_397 = arith.constant 16 : i32
        %mul3A_398 = arith.muli %add3A_396, %mul3A_397 : i32
        %multiple_of3A_399 = tpu.assume_multiple %mul3A_398, 16 : i32
        %get3A_400 = arith.index_cast %multiple_of3A_399 : i32 to index
        %get3A_401 = tpu.vector_load %arg8[%get3A_400] {strides = array<i32>} : memref<20480xf32, #tpu.memory_space<vmem>>, vector<16xf32>,
        %bitcast3A_402 = vector.bitcast %get3A_401 : vector<16xf32> to vector<16xi32>
        %shift_right_logical3A_403 = arith.constant 10 : i32
        %shift_right_logical3A_404 = vector.broadcast %shift_right_logical3A_403 : i32 to vector<16xi32>
        %shift_right_logical3A_405 = arith.shrui %bitcast3A_402, %shift_right_logical3A_404 : vector<16xi32>
        %eq3A_406 = vector.broadcast %or3A : i32 to vector<16xi32>
        %eq3A_407 = arith.cmpi eq, %shift_right_logical3A_405, %eq3A_406 : vector<16xi32>
        %and3A_408 = arith.constant 1023 : i32
        %and3A_409 = vector.broadcast %and3A_408 : i32 to vector<16xi32>
        %and3A_410 = arith.andi %bitcast3A_402, %and3A_409 : vector<16xi32>
        tpu.vector_store_idx %arg12[%and3A_410], %broadcast_in_dim3A_1 masked %eq3A_407 {add = true} : memref<1024xf32, #tpu.memory_space<vmem>>[vector<16xi32>], vector<16xf32>, vector<16xi1>
        %mul3A_411 = arith.constant 16 : i32
        %mul3A_412 = arith.muli %scan3A_143, %mul3A_411 : i32
        %add3A_413 = arith.constant 15 : i32
        %add3A_414 = arith.addi %mul3A_412, %add3A_413 : i32
        %mul3A_415 = arith.constant 16 : i32
        %mul3A_416 = arith.muli %add3A_414, %mul3A_415 : i32
        %multiple_of3A_417 = tpu.assume_multiple %mul3A_416, 16 : i32
        %get3A_418 = arith.index_cast %multiple_of3A_417 : i32 to index
        %get3A_419 = tpu.vector_load %arg8[%get3A_418] {strides = array<i32>} : memref<20480xf32, #tpu.memory_space<vmem>>, vector<16xf32>,
        %bitcast3A_420 = vector.bitcast %get3A_419 : vector<16xf32> to vector<16xi32>
        %shift_right_logical3A_421 = arith.constant 10 : i32
        %shift_right_logical3A_422 = vector.broadcast %shift_right_logical3A_421 : i32 to vector<16xi32>
        %shift_right_logical3A_423 = arith.shrui %bitcast3A_420, %shift_right_logical3A_422 : vector<16xi32>
        %eq3A_424 = vector.broadcast %or3A : i32 to vector<16xi32>
        %eq3A_425 = arith.cmpi eq, %shift_right_logical3A_423, %eq3A_424 : vector<16xi32>
        %and3A_426 = arith.constant 1023 : i32
        %and3A_427 = vector.broadcast %and3A_426 : i32 to vector<16xi32>
        %and3A_428 = arith.andi %bitcast3A_420, %and3A_427 : vector<16xi32>
        tpu.vector_store_idx %arg12[%and3A_428], %broadcast_in_dim3A_1 masked %eq3A_425 {add = true} : memref<1024xf32, #tpu.memory_space<vmem>>[vector<16xi32>], vector<16xf32>, vector<16xi1>
        %scan3A_429 = arith.constant 0 : i32
        scf.yield %scan3A_429 : i32
      }
      %scan3A_89 = arith.constant 80 : i32
      %sub3A_90 = arith.subf %min3A_26, %scan3A_62#2 : f32
      %sub3A_91 = arith.subf %sub3A_90, %scan3A_79#2 : f32
      %scan3A_92 = arith.constant 0.000000e+00 : f32
      %scan3A_93 = arith.constant 0.000000e+00 : f32
      %scan3A_94 = arith.constant 0.000000e+00 : f32
      %scan3A_95 = arith.constant 0 : i32
      %scan3A_96 = arith.constant 64 : i32
      %scan3A_97 = arith.addi %scan3A_95, %scan3A_96 : i32
      %scan3A_98 = arith.constant 1 : i32
      %scan3A_99:3 = scf.for %scan3A_143 = %scan3A_95 to %scan3A_97 step %scan3A_98 iter_args(%scan3A_144 = %scan3A_92, %scan3A_145 = %scan3A_93, %scan3A_146 = %scan3A_94) -> (f32, f32, f32)  : i32 {
        %sub3A_147 = arith.constant 63 : i32
        %sub3A_148 = arith.subi %sub3A_147, %scan3A_143 : i32
        %mul3A_149 = arith.constant 16 : i32
        %mul3A_150 = arith.muli %sub3A_148, %mul3A_149 : i32
        %multiple_of3A = tpu.assume_multiple %mul3A_150, 16 : i32
        %get3A = arith.index_cast %multiple_of3A : i32 to index
        %get3A_151 = tpu.vector_load %arg12[%get3A] {strides = array<i32>} : memref<1024xf32, #tpu.memory_space<vmem>>, vector<16xf32>,
        %broadcast_in_dim3A_152 = arith.constant true
        %broadcast_in_dim3A_153 = vector.broadcast %broadcast_in_dim3A_152 : i1 to vector<16xi1>
        %masked_cumsum3A = tpu.scan <sum>, %get3A_151 masked %broadcast_in_dim3A_153 : vector<16xf32>, vector<16xi1> -> vector<16xf32>
        %reduce_sum3A_154 = arith.constant true
        %reduce_sum3A_155 = vector.broadcast %reduce_sum3A_154 : i1 to vector<16xi1>
        %reduce_sum3A_156 = tpu.scan <sum>, %get3A_151 masked %reduce_sum3A_155 : vector<16xf32>, vector<16xi1> -> vector<16xf32>
        %reduce_sum3A_157 = vector.extract %reduce_sum3A_156[15] : f32 from vector<16xf32>
        %sub3A_158 = vector.broadcast %reduce_sum3A_157 : f32 to vector<16xf32>
        %sub3A_159 = arith.subf %sub3A_158, %masked_cumsum3A : vector<16xf32>
        %add3A_160 = vector.broadcast %scan3A_144 : f32 to vector<16xf32>
        %add3A_161 = arith.addf %add3A_160, %sub3A_159 : vector<16xf32>
        %lt3A_162 = vector.broadcast %sub3A_91 : f32 to vector<16xf32>
        %lt3A_163 = arith.cmpf olt, %add3A_161, %lt3A_162 : vector<16xf32>
        %add3A_164 = arith.addf %add3A_161, %get3A_151 : vector<16xf32>
        %ge3A = vector.broadcast %sub3A_91 : f32 to vector<16xf32>
        %ge3A_165 = arith.cmpf oge, %add3A_164, %ge3A : vector<16xf32>
        %and3A = arith.andi %lt3A_163, %ge3A_165 : vector<16xi1>
        %convert_element_type3A_166 = arith.extui %and3A : vector<16xi1> to vector<16xi32>
        %convert_element_type3A_167 = arith.sitofp %convert_element_type3A_166 : vector<16xi32> to vector<16xf32>
        %convert_element_type3A_168 = arith.sitofp %sub3A_148 : i32 to f32
        %mul3A_169 = arith.constant 1.600000e+01 : f32
        %mul3A_170 = arith.mulf %convert_element_type3A_168, %mul3A_169 : f32
        %add3A_171 = vector.broadcast %mul3A_170 : f32 to vector<16xf32>
        %add3A_172 = arith.addf %add3A_171, %convert_element_type3A : vector<16xf32>
        %mul3A_173 = arith.mulf %convert_element_type3A_167, %add3A_172 : vector<16xf32>
        %reduce_sum3A_174 = arith.constant true
        %reduce_sum3A_175 = vector.broadcast %reduce_sum3A_174 : i1 to vector<16xi1>
        %reduce_sum3A_176 = tpu.scan <sum>, %mul3A_173 masked %reduce_sum3A_175 : vector<16xf32>, vector<16xi1> -> vector<16xf32>
        %reduce_sum3A_177 = vector.extract %reduce_sum3A_176[15] : f32 from vector<16xf32>
        %add3A_178 = arith.addf %scan3A_145, %reduce_sum3A_177 : f32
        %mul3A_179 = arith.mulf %convert_element_type3A_167, %add3A_161 : vector<16xf32>
        %reduce_sum3A_180 = arith.constant true
        %reduce_sum3A_181 = vector.broadcast %reduce_sum3A_180 : i1 to vector<16xi1>
        %reduce_sum3A_182 = tpu.scan <sum>, %mul3A_179 masked %reduce_sum3A_181 : vector<16xf32>, vector<16xi1> -> vector<16xf32>
        %reduce_sum3A_183 = vector.extract %reduce_sum3A_182[15] : f32 from vector<16xf32>
        %add3A_184 = arith.addf %scan3A_146, %reduce_sum3A_183 : f32
        %add3A_185 = arith.addf %scan3A_144, %reduce_sum3A_157 : f32
        scf.yield %add3A_185, %add3A_178, %add3A_184 : f32, f32, f32
      }
      %scan3A_100 = arith.constant 64 : i32
      %convert_element_type3A_101 = arith.fptosi %scan3A_99#1 : f32 to i32
      %shift_left3A_102 = arith.constant 10 : i32
      %shift_left3A_103 = arith.shli %or3A, %shift_left3A_102 : i32
      %or3A_104 = arith.ori %shift_left3A_103, %convert_element_type3A_101 : i32
      %broadcast_in_dim3A_105 = arith.constant 1 : i32
      %broadcast_in_dim3A_106 = vector.broadcast %broadcast_in_dim3A_105 : i32 to vector<16xi32>
      %mul3A_107 = vector.broadcast %or3A_104 : i32 to vector<16xi32>
      %mul3A_108 = arith.muli %broadcast_in_dim3A_106, %mul3A_107 : vector<16xi32>
      %bitcast3A = vector.bitcast %mul3A_108 : vector<16xi32> to vector<16xf32>
      %reduce_max3A = arith.constant true
      %reduce_max3A_109 = vector.broadcast %reduce_max3A : i1 to vector<16xi1>
      %reduce_max3A_110 = tpu.scan <max>, %bitcast3A masked %reduce_max3A_109 : vector<16xf32>, vector<16xi1> -> vector<16xf32>
      %reduce_max3A_111 = vector.extract %reduce_max3A_110[15] : f32 from vector<16xf32>
      %scan3A_112 = arith.constant 0 : i32
      %scan3A_113 = arith.constant 80 : i32
      %scan3A_114 = arith.addi %scan3A_112, %scan3A_113 : i32
      %scan3A_115 = arith.constant 1 : i32
      %scan3A_116:2 = scf.for %scan3A_143 = %scan3A_112 to %scan3A_114 step %scan3A_115 iter_args(%scan3A_144 = %broadcast_in_dim3A_3, %scan3A_145 = %broadcast_in_dim3A_3) -> (vector<16xf32>, vector<16xf32>)  : i32 {
        %mul3A_146 = arith.constant 16 : i32
        %mul3A_147 = arith.muli %scan3A_143, %mul3A_146 : i32
        %add3A_148 = arith.constant 0 : i32
        %add3A_149 = arith.addi %mul3A_147, %add3A_148 : i32
        %mul3A_150 = arith.constant 16 : i32
        %mul3A_151 = arith.muli %add3A_149, %mul3A_150 : i32
        %multiple_of3A = tpu.assume_multiple %mul3A_151, 16 : i32
        %get3A = arith.index_cast %multiple_of3A : i32 to index
        %get3A_152 = tpu.vector_load %arg8[%get3A] {strides = array<i32>} : memref<20480xf32, #tpu.memory_space<vmem>>, vector<16xf32>,
        %gt3A_153 = arith.cmpf ogt, %get3A_152, %bitcast3A : vector<16xf32>
        %jit3A_154 = arith.constant 1.000000e+00 : f32
        %jit3A_155 = arith.constant 0.000000e+00 : f32
        %broadcast_in_dim3A_156 = vector.broadcast %jit3A_154 : f32 to vector<16xf32>
        %broadcast_in_dim3A_157 = vector.broadcast %jit3A_155 : f32 to vector<16xf32>
        %select_n3A_158 = arith.select %gt3A_153, %broadcast_in_dim3A_156, %broadcast_in_dim3A_157 : vector<16xi1>, vector<16xf32>
        %add3A_159 = arith.addf %scan3A_144, %select_n3A_158 : vector<16xf32>
        %jit3A_160 = arith.constant 0.000000e+00 : f32
        %broadcast_in_dim3A_161 = vector.broadcast %jit3A_160 : f32 to vector<16xf32>
        %select_n3A_162 = arith.select %gt3A_153, %get3A_152, %broadcast_in_dim3A_161 : vector<16xi1>, vector<16xf32>
        %add3A_163 = arith.addf %scan3A_145, %select_n3A_162 : vector<16xf32>
        %mul3A_164 = arith.constant 16 : i32
        %mul3A_165 = arith.muli %scan3A_143, %mul3A_164 : i32
        %add3A_166 = arith.constant 1 : i32
        %add3A_167 = arith.addi %mul3A_165, %add3A_166 : i32
        %mul3A_168 = arith.constant 16 : i32
        %mul3A_169 = arith.muli %add3A_167, %mul3A_168 : i32
        %multiple_of3A_170 = tpu.assume_multiple %mul3A_169, 16 : i32
        %get3A_171 = arith.index_cast %multiple_of3A_170 : i32 to index
        %get3A_172 = tpu.vector_load %arg8[%get3A_171] {strides = array<i32>} : memref<20480xf32, #tpu.memory_space<vmem>>, vector<16xf32>,
        %gt3A_173 = arith.cmpf ogt, %get3A_172, %bitcast3A : vector<16xf32>
        %jit3A_174 = arith.constant 1.000000e+00 : f32
        %jit3A_175 = arith.constant 0.000000e+00 : f32
        %broadcast_in_dim3A_176 = vector.broadcast %jit3A_174 : f32 to vector<16xf32>
        %broadcast_in_dim3A_177 = vector.broadcast %jit3A_175 : f32 to vector<16xf32>
        %select_n3A_178 = arith.select %gt3A_173, %broadcast_in_dim3A_176, %broadcast_in_dim3A_177 : vector<16xi1>, vector<16xf32>
        %add3A_179 = arith.addf %add3A_159, %select_n3A_178 : vector<16xf32>
        %jit3A_180 = arith.constant 0.000000e+00 : f32
        %broadcast_in_dim3A_181 = vector.broadcast %jit3A_180 : f32 to vector<16xf32>
        %select_n3A_182 = arith.select %gt3A_173, %get3A_172, %broadcast_in_dim3A_181 : vector<16xi1>, vector<16xf32>
        %add3A_183 = arith.addf %add3A_163, %select_n3A_182 : vector<16xf32>
        %mul3A_184 = arith.constant 16 : i32
        %mul3A_185 = arith.muli %scan3A_143, %mul3A_184 : i32
        %add3A_186 = arith.constant 2 : i32
        %add3A_187 = arith.addi %mul3A_185, %add3A_186 : i32
        %mul3A_188 = arith.constant 16 : i32
        %mul3A_189 = arith.muli %add3A_187, %mul3A_188 : i32
        %multiple_of3A_190 = tpu.assume_multiple %mul3A_189, 16 : i32
        %get3A_191 = arith.index_cast %multiple_of3A_190 : i32 to index
        %get3A_192 = tpu.vector_load %arg8[%get3A_191] {strides = array<i32>} : memref<20480xf32, #tpu.memory_space<vmem>>, vector<16xf32>,
        %gt3A_193 = arith.cmpf ogt, %get3A_192, %bitcast3A : vector<16xf32>
        %jit3A_194 = arith.constant 1.000000e+00 : f32
        %jit3A_195 = arith.constant 0.000000e+00 : f32
        %broadcast_in_dim3A_196 = vector.broadcast %jit3A_194 : f32 to vector<16xf32>
        %broadcast_in_dim3A_197 = vector.broadcast %jit3A_195 : f32 to vector<16xf32>
        %select_n3A_198 = arith.select %gt3A_193, %broadcast_in_dim3A_196, %broadcast_in_dim3A_197 : vector<16xi1>, vector<16xf32>
        %add3A_199 = arith.addf %add3A_179, %select_n3A_198 : vector<16xf32>
        %jit3A_200 = arith.constant 0.000000e+00 : f32
        %broadcast_in_dim3A_201 = vector.broadcast %jit3A_200 : f32 to vector<16xf32>
        %select_n3A_202 = arith.select %gt3A_193, %get3A_192, %broadcast_in_dim3A_201 : vector<16xi1>, vector<16xf32>
        %add3A_203 = arith.addf %add3A_183, %select_n3A_202 : vector<16xf32>
        %mul3A_204 = arith.constant 16 : i32
        %mul3A_205 = arith.muli %scan3A_143, %mul3A_204 : i32
        %add3A_206 = arith.constant 3 : i32
        %add3A_207 = arith.addi %mul3A_205, %add3A_206 : i32
        %mul3A_208 = arith.constant 16 : i32
        %mul3A_209 = arith.muli %add3A_207, %mul3A_208 : i32
        %multiple_of3A_210 = tpu.assume_multiple %mul3A_209, 16 : i32
        %get3A_211 = arith.index_cast %multiple_of3A_210 : i32 to index
        %get3A_212 = tpu.vector_load %arg8[%get3A_211] {strides = array<i32>} : memref<20480xf32, #tpu.memory_space<vmem>>, vector<16xf32>,
        %gt3A_213 = arith.cmpf ogt, %get3A_212, %bitcast3A : vector<16xf32>
        %jit3A_214 = arith.constant 1.000000e+00 : f32
        %jit3A_215 = arith.constant 0.000000e+00 : f32
        %broadcast_in_dim3A_216 = vector.broadcast %jit3A_214 : f32 to vector<16xf32>
        %broadcast_in_dim3A_217 = vector.broadcast %jit3A_215 : f32 to vector<16xf32>
        %select_n3A_218 = arith.select %gt3A_213, %broadcast_in_dim3A_216, %broadcast_in_dim3A_217 : vector<16xi1>, vector<16xf32>
        %add3A_219 = arith.addf %add3A_199, %select_n3A_218 : vector<16xf32>
        %jit3A_220 = arith.constant 0.000000e+00 : f32
        %broadcast_in_dim3A_221 = vector.broadcast %jit3A_220 : f32 to vector<16xf32>
        %select_n3A_222 = arith.select %gt3A_213, %get3A_212, %broadcast_in_dim3A_221 : vector<16xi1>, vector<16xf32>
        %add3A_223 = arith.addf %add3A_203, %select_n3A_222 : vector<16xf32>
        %mul3A_224 = arith.constant 16 : i32
        %mul3A_225 = arith.muli %scan3A_143, %mul3A_224 : i32
        %add3A_226 = arith.constant 4 : i32
        %add3A_227 = arith.addi %mul3A_225, %add3A_226 : i32
        %mul3A_228 = arith.constant 16 : i32
        %mul3A_229 = arith.muli %add3A_227, %mul3A_228 : i32
        %multiple_of3A_230 = tpu.assume_multiple %mul3A_229, 16 : i32
        %get3A_231 = arith.index_cast %multiple_of3A_230 : i32 to index
        %get3A_232 = tpu.vector_load %arg8[%get3A_231] {strides = array<i32>} : memref<20480xf32, #tpu.memory_space<vmem>>, vector<16xf32>,
        %gt3A_233 = arith.cmpf ogt, %get3A_232, %bitcast3A : vector<16xf32>
        %jit3A_234 = arith.constant 1.000000e+00 : f32
        %jit3A_235 = arith.constant 0.000000e+00 : f32
        %broadcast_in_dim3A_236 = vector.broadcast %jit3A_234 : f32 to vector<16xf32>
        %broadcast_in_dim3A_237 = vector.broadcast %jit3A_235 : f32 to vector<16xf32>
        %select_n3A_238 = arith.select %gt3A_233, %broadcast_in_dim3A_236, %broadcast_in_dim3A_237 : vector<16xi1>, vector<16xf32>
        %add3A_239 = arith.addf %add3A_219, %select_n3A_238 : vector<16xf32>
        %jit3A_240 = arith.constant 0.000000e+00 : f32
        %broadcast_in_dim3A_241 = vector.broadcast %jit3A_240 : f32 to vector<16xf32>
        %select_n3A_242 = arith.select %gt3A_233, %get3A_232, %broadcast_in_dim3A_241 : vector<16xi1>, vector<16xf32>
        %add3A_243 = arith.addf %add3A_223, %select_n3A_242 : vector<16xf32>
        %mul3A_244 = arith.constant 16 : i32
        %mul3A_245 = arith.muli %scan3A_143, %mul3A_244 : i32
        %add3A_246 = arith.constant 5 : i32
        %add3A_247 = arith.addi %mul3A_245, %add3A_246 : i32
        %mul3A_248 = arith.constant 16 : i32
        %mul3A_249 = arith.muli %add3A_247, %mul3A_248 : i32
        %multiple_of3A_250 = tpu.assume_multiple %mul3A_249, 16 : i32
        %get3A_251 = arith.index_cast %multiple_of3A_250 : i32 to index
        %get3A_252 = tpu.vector_load %arg8[%get3A_251] {strides = array<i32>} : memref<20480xf32, #tpu.memory_space<vmem>>, vector<16xf32>,
        %gt3A_253 = arith.cmpf ogt, %get3A_252, %bitcast3A : vector<16xf32>
        %jit3A_254 = arith.constant 1.000000e+00 : f32
        %jit3A_255 = arith.constant 0.000000e+00 : f32
        %broadcast_in_dim3A_256 = vector.broadcast %jit3A_254 : f32 to vector<16xf32>
        %broadcast_in_dim3A_257 = vector.broadcast %jit3A_255 : f32 to vector<16xf32>
        %select_n3A_258 = arith.select %gt3A_253, %broadcast_in_dim3A_256, %broadcast_in_dim3A_257 : vector<16xi1>, vector<16xf32>
        %add3A_259 = arith.addf %add3A_239, %select_n3A_258 : vector<16xf32>
        %jit3A_260 = arith.constant 0.000000e+00 : f32
        %broadcast_in_dim3A_261 = vector.broadcast %jit3A_260 : f32 to vector<16xf32>
        %select_n3A_262 = arith.select %gt3A_253, %get3A_252, %broadcast_in_dim3A_261 : vector<16xi1>, vector<16xf32>
        %add3A_263 = arith.addf %add3A_243, %select_n3A_262 : vector<16xf32>
        %mul3A_264 = arith.constant 16 : i32
        %mul3A_265 = arith.muli %scan3A_143, %mul3A_264 : i32
        %add3A_266 = arith.constant 6 : i32
        %add3A_267 = arith.addi %mul3A_265, %add3A_266 : i32
        %mul3A_268 = arith.constant 16 : i32
        %mul3A_269 = arith.muli %add3A_267, %mul3A_268 : i32
        %multiple_of3A_270 = tpu.assume_multiple %mul3A_269, 16 : i32
        %get3A_271 = arith.index_cast %multiple_of3A_270 : i32 to index
        %get3A_272 = tpu.vector_load %arg8[%get3A_271] {strides = array<i32>} : memref<20480xf32, #tpu.memory_space<vmem>>, vector<16xf32>,
        %gt3A_273 = arith.cmpf ogt, %get3A_272, %bitcast3A : vector<16xf32>
        %jit3A_274 = arith.constant 1.000000e+00 : f32
        %jit3A_275 = arith.constant 0.000000e+00 : f32
        %broadcast_in_dim3A_276 = vector.broadcast %jit3A_274 : f32 to vector<16xf32>
        %broadcast_in_dim3A_277 = vector.broadcast %jit3A_275 : f32 to vector<16xf32>
        %select_n3A_278 = arith.select %gt3A_273, %broadcast_in_dim3A_276, %broadcast_in_dim3A_277 : vector<16xi1>, vector<16xf32>
        %add3A_279 = arith.addf %add3A_259, %select_n3A_278 : vector<16xf32>
        %jit3A_280 = arith.constant 0.000000e+00 : f32
        %broadcast_in_dim3A_281 = vector.broadcast %jit3A_280 : f32 to vector<16xf32>
        %select_n3A_282 = arith.select %gt3A_273, %get3A_272, %broadcast_in_dim3A_281 : vector<16xi1>, vector<16xf32>
        %add3A_283 = arith.addf %add3A_263, %select_n3A_282 : vector<16xf32>
        %mul3A_284 = arith.constant 16 : i32
        %mul3A_285 = arith.muli %scan3A_143, %mul3A_284 : i32
        %add3A_286 = arith.constant 7 : i32
        %add3A_287 = arith.addi %mul3A_285, %add3A_286 : i32
        %mul3A_288 = arith.constant 16 : i32
        %mul3A_289 = arith.muli %add3A_287, %mul3A_288 : i32
        %multiple_of3A_290 = tpu.assume_multiple %mul3A_289, 16 : i32
        %get3A_291 = arith.index_cast %multiple_of3A_290 : i32 to index
        %get3A_292 = tpu.vector_load %arg8[%get3A_291] {strides = array<i32>} : memref<20480xf32, #tpu.memory_space<vmem>>, vector<16xf32>,
        %gt3A_293 = arith.cmpf ogt, %get3A_292, %bitcast3A : vector<16xf32>
        %jit3A_294 = arith.constant 1.000000e+00 : f32
        %jit3A_295 = arith.constant 0.000000e+00 : f32
        %broadcast_in_dim3A_296 = vector.broadcast %jit3A_294 : f32 to vector<16xf32>
        %broadcast_in_dim3A_297 = vector.broadcast %jit3A_295 : f32 to vector<16xf32>
        %select_n3A_298 = arith.select %gt3A_293, %broadcast_in_dim3A_296, %broadcast_in_dim3A_297 : vector<16xi1>, vector<16xf32>
        %add3A_299 = arith.addf %add3A_279, %select_n3A_298 : vector<16xf32>
        %jit3A_300 = arith.constant 0.000000e+00 : f32
        %broadcast_in_dim3A_301 = vector.broadcast %jit3A_300 : f32 to vector<16xf32>
        %select_n3A_302 = arith.select %gt3A_293, %get3A_292, %broadcast_in_dim3A_301 : vector<16xi1>, vector<16xf32>
        %add3A_303 = arith.addf %add3A_283, %select_n3A_302 : vector<16xf32>
        %mul3A_304 = arith.constant 16 : i32
        %mul3A_305 = arith.muli %scan3A_143, %mul3A_304 : i32
        %add3A_306 = arith.constant 8 : i32
        %add3A_307 = arith.addi %mul3A_305, %add3A_306 : i32
        %mul3A_308 = arith.constant 16 : i32
        %mul3A_309 = arith.muli %add3A_307, %mul3A_308 : i32
        %multiple_of3A_310 = tpu.assume_multiple %mul3A_309, 16 : i32
        %get3A_311 = arith.index_cast %multiple_of3A_310 : i32 to index
        %get3A_312 = tpu.vector_load %arg8[%get3A_311] {strides = array<i32>} : memref<20480xf32, #tpu.memory_space<vmem>>, vector<16xf32>,
        %gt3A_313 = arith.cmpf ogt, %get3A_312, %bitcast3A : vector<16xf32>
        %jit3A_314 = arith.constant 1.000000e+00 : f32
        %jit3A_315 = arith.constant 0.000000e+00 : f32
        %broadcast_in_dim3A_316 = vector.broadcast %jit3A_314 : f32 to vector<16xf32>
        %broadcast_in_dim3A_317 = vector.broadcast %jit3A_315 : f32 to vector<16xf32>
        %select_n3A_318 = arith.select %gt3A_313, %broadcast_in_dim3A_316, %broadcast_in_dim3A_317 : vector<16xi1>, vector<16xf32>
        %add3A_319 = arith.addf %add3A_299, %select_n3A_318 : vector<16xf32>
        %jit3A_320 = arith.constant 0.000000e+00 : f32
        %broadcast_in_dim3A_321 = vector.broadcast %jit3A_320 : f32 to vector<16xf32>
        %select_n3A_322 = arith.select %gt3A_313, %get3A_312, %broadcast_in_dim3A_321 : vector<16xi1>, vector<16xf32>
        %add3A_323 = arith.addf %add3A_303, %select_n3A_322 : vector<16xf32>
        %mul3A_324 = arith.constant 16 : i32
        %mul3A_325 = arith.muli %scan3A_143, %mul3A_324 : i32
        %add3A_326 = arith.constant 9 : i32
        %add3A_327 = arith.addi %mul3A_325, %add3A_326 : i32
        %mul3A_328 = arith.constant 16 : i32
        %mul3A_329 = arith.muli %add3A_327, %mul3A_328 : i32
        %multiple_of3A_330 = tpu.assume_multiple %mul3A_329, 16 : i32
        %get3A_331 = arith.index_cast %multiple_of3A_330 : i32 to index
        %get3A_332 = tpu.vector_load %arg8[%get3A_331] {strides = array<i32>} : memref<20480xf32, #tpu.memory_space<vmem>>, vector<16xf32>,
        %gt3A_333 = arith.cmpf ogt, %get3A_332, %bitcast3A : vector<16xf32>
        %jit3A_334 = arith.constant 1.000000e+00 : f32
        %jit3A_335 = arith.constant 0.000000e+00 : f32
        %broadcast_in_dim3A_336 = vector.broadcast %jit3A_334 : f32 to vector<16xf32>
        %broadcast_in_dim3A_337 = vector.broadcast %jit3A_335 : f32 to vector<16xf32>
        %select_n3A_338 = arith.select %gt3A_333, %broadcast_in_dim3A_336, %broadcast_in_dim3A_337 : vector<16xi1>, vector<16xf32>
        %add3A_339 = arith.addf %add3A_319, %select_n3A_338 : vector<16xf32>
        %jit3A_340 = arith.constant 0.000000e+00 : f32
        %broadcast_in_dim3A_341 = vector.broadcast %jit3A_340 : f32 to vector<16xf32>
        %select_n3A_342 = arith.select %gt3A_333, %get3A_332, %broadcast_in_dim3A_341 : vector<16xi1>, vector<16xf32>
        %add3A_343 = arith.addf %add3A_323, %select_n3A_342 : vector<16xf32>
        %mul3A_344 = arith.constant 16 : i32
        %mul3A_345 = arith.muli %scan3A_143, %mul3A_344 : i32
        %add3A_346 = arith.constant 10 : i32
        %add3A_347 = arith.addi %mul3A_345, %add3A_346 : i32
        %mul3A_348 = arith.constant 16 : i32
        %mul3A_349 = arith.muli %add3A_347, %mul3A_348 : i32
        %multiple_of3A_350 = tpu.assume_multiple %mul3A_349, 16 : i32
        %get3A_351 = arith.index_cast %multiple_of3A_350 : i32 to index
        %get3A_352 = tpu.vector_load %arg8[%get3A_351] {strides = array<i32>} : memref<20480xf32, #tpu.memory_space<vmem>>, vector<16xf32>,
        %gt3A_353 = arith.cmpf ogt, %get3A_352, %bitcast3A : vector<16xf32>
        %jit3A_354 = arith.constant 1.000000e+00 : f32
        %jit3A_355 = arith.constant 0.000000e+00 : f32
        %broadcast_in_dim3A_356 = vector.broadcast %jit3A_354 : f32 to vector<16xf32>
        %broadcast_in_dim3A_357 = vector.broadcast %jit3A_355 : f32 to vector<16xf32>
        %select_n3A_358 = arith.select %gt3A_353, %broadcast_in_dim3A_356, %broadcast_in_dim3A_357 : vector<16xi1>, vector<16xf32>
        %add3A_359 = arith.addf %add3A_339, %select_n3A_358 : vector<16xf32>
        %jit3A_360 = arith.constant 0.000000e+00 : f32
        %broadcast_in_dim3A_361 = vector.broadcast %jit3A_360 : f32 to vector<16xf32>
        %select_n3A_362 = arith.select %gt3A_353, %get3A_352, %broadcast_in_dim3A_361 : vector<16xi1>, vector<16xf32>
        %add3A_363 = arith.addf %add3A_343, %select_n3A_362 : vector<16xf32>
        %mul3A_364 = arith.constant 16 : i32
        %mul3A_365 = arith.muli %scan3A_143, %mul3A_364 : i32
        %add3A_366 = arith.constant 11 : i32
        %add3A_367 = arith.addi %mul3A_365, %add3A_366 : i32
        %mul3A_368 = arith.constant 16 : i32
        %mul3A_369 = arith.muli %add3A_367, %mul3A_368 : i32
        %multiple_of3A_370 = tpu.assume_multiple %mul3A_369, 16 : i32
        %get3A_371 = arith.index_cast %multiple_of3A_370 : i32 to index
        %get3A_372 = tpu.vector_load %arg8[%get3A_371] {strides = array<i32>} : memref<20480xf32, #tpu.memory_space<vmem>>, vector<16xf32>,
        %gt3A_373 = arith.cmpf ogt, %get3A_372, %bitcast3A : vector<16xf32>
        %jit3A_374 = arith.constant 1.000000e+00 : f32
        %jit3A_375 = arith.constant 0.000000e+00 : f32
        %broadcast_in_dim3A_376 = vector.broadcast %jit3A_374 : f32 to vector<16xf32>
        %broadcast_in_dim3A_377 = vector.broadcast %jit3A_375 : f32 to vector<16xf32>
        %select_n3A_378 = arith.select %gt3A_373, %broadcast_in_dim3A_376, %broadcast_in_dim3A_377 : vector<16xi1>, vector<16xf32>
        %add3A_379 = arith.addf %add3A_359, %select_n3A_378 : vector<16xf32>
        %jit3A_380 = arith.constant 0.000000e+00 : f32
        %broadcast_in_dim3A_381 = vector.broadcast %jit3A_380 : f32 to vector<16xf32>
        %select_n3A_382 = arith.select %gt3A_373, %get3A_372, %broadcast_in_dim3A_381 : vector<16xi1>, vector<16xf32>
        %add3A_383 = arith.addf %add3A_363, %select_n3A_382 : vector<16xf32>
        %mul3A_384 = arith.constant 16 : i32
        %mul3A_385 = arith.muli %scan3A_143, %mul3A_384 : i32
        %add3A_386 = arith.constant 12 : i32
        %add3A_387 = arith.addi %mul3A_385, %add3A_386 : i32
        %mul3A_388 = arith.constant 16 : i32
        %mul3A_389 = arith.muli %add3A_387, %mul3A_388 : i32
        %multiple_of3A_390 = tpu.assume_multiple %mul3A_389, 16 : i32
        %get3A_391 = arith.index_cast %multiple_of3A_390 : i32 to index
        %get3A_392 = tpu.vector_load %arg8[%get3A_391] {strides = array<i32>} : memref<20480xf32, #tpu.memory_space<vmem>>, vector<16xf32>,
        %gt3A_393 = arith.cmpf ogt, %get3A_392, %bitcast3A : vector<16xf32>
        %jit3A_394 = arith.constant 1.000000e+00 : f32
        %jit3A_395 = arith.constant 0.000000e+00 : f32
        %broadcast_in_dim3A_396 = vector.broadcast %jit3A_394 : f32 to vector<16xf32>
        %broadcast_in_dim3A_397 = vector.broadcast %jit3A_395 : f32 to vector<16xf32>
        %select_n3A_398 = arith.select %gt3A_393, %broadcast_in_dim3A_396, %broadcast_in_dim3A_397 : vector<16xi1>, vector<16xf32>
        %add3A_399 = arith.addf %add3A_379, %select_n3A_398 : vector<16xf32>
        %jit3A_400 = arith.constant 0.000000e+00 : f32
        %broadcast_in_dim3A_401 = vector.broadcast %jit3A_400 : f32 to vector<16xf32>
        %select_n3A_402 = arith.select %gt3A_393, %get3A_392, %broadcast_in_dim3A_401 : vector<16xi1>, vector<16xf32>
        %add3A_403 = arith.addf %add3A_383, %select_n3A_402 : vector<16xf32>
        %mul3A_404 = arith.constant 16 : i32
        %mul3A_405 = arith.muli %scan3A_143, %mul3A_404 : i32
        %add3A_406 = arith.constant 13 : i32
        %add3A_407 = arith.addi %mul3A_405, %add3A_406 : i32
        %mul3A_408 = arith.constant 16 : i32
        %mul3A_409 = arith.muli %add3A_407, %mul3A_408 : i32
        %multiple_of3A_410 = tpu.assume_multiple %mul3A_409, 16 : i32
        %get3A_411 = arith.index_cast %multiple_of3A_410 : i32 to index
        %get3A_412 = tpu.vector_load %arg8[%get3A_411] {strides = array<i32>} : memref<20480xf32, #tpu.memory_space<vmem>>, vector<16xf32>,
        %gt3A_413 = arith.cmpf ogt, %get3A_412, %bitcast3A : vector<16xf32>
        %jit3A_414 = arith.constant 1.000000e+00 : f32
        %jit3A_415 = arith.constant 0.000000e+00 : f32
        %broadcast_in_dim3A_416 = vector.broadcast %jit3A_414 : f32 to vector<16xf32>
        %broadcast_in_dim3A_417 = vector.broadcast %jit3A_415 : f32 to vector<16xf32>
        %select_n3A_418 = arith.select %gt3A_413, %broadcast_in_dim3A_416, %broadcast_in_dim3A_417 : vector<16xi1>, vector<16xf32>
        %add3A_419 = arith.addf %add3A_399, %select_n3A_418 : vector<16xf32>
        %jit3A_420 = arith.constant 0.000000e+00 : f32
        %broadcast_in_dim3A_421 = vector.broadcast %jit3A_420 : f32 to vector<16xf32>
        %select_n3A_422 = arith.select %gt3A_413, %get3A_412, %broadcast_in_dim3A_421 : vector<16xi1>, vector<16xf32>
        %add3A_423 = arith.addf %add3A_403, %select_n3A_422 : vector<16xf32>
        %mul3A_424 = arith.constant 16 : i32
        %mul3A_425 = arith.muli %scan3A_143, %mul3A_424 : i32
        %add3A_426 = arith.constant 14 : i32
        %add3A_427 = arith.addi %mul3A_425, %add3A_426 : i32
        %mul3A_428 = arith.constant 16 : i32
        %mul3A_429 = arith.muli %add3A_427, %mul3A_428 : i32
        %multiple_of3A_430 = tpu.assume_multiple %mul3A_429, 16 : i32
        %get3A_431 = arith.index_cast %multiple_of3A_430 : i32 to index
        %get3A_432 = tpu.vector_load %arg8[%get3A_431] {strides = array<i32>} : memref<20480xf32, #tpu.memory_space<vmem>>, vector<16xf32>,
        %gt3A_433 = arith.cmpf ogt, %get3A_432, %bitcast3A : vector<16xf32>
        %jit3A_434 = arith.constant 1.000000e+00 : f32
        %jit3A_435 = arith.constant 0.000000e+00 : f32
        %broadcast_in_dim3A_436 = vector.broadcast %jit3A_434 : f32 to vector<16xf32>
        %broadcast_in_dim3A_437 = vector.broadcast %jit3A_435 : f32 to vector<16xf32>
        %select_n3A_438 = arith.select %gt3A_433, %broadcast_in_dim3A_436, %broadcast_in_dim3A_437 : vector<16xi1>, vector<16xf32>
        %add3A_439 = arith.addf %add3A_419, %select_n3A_438 : vector<16xf32>
        %jit3A_440 = arith.constant 0.000000e+00 : f32
        %broadcast_in_dim3A_441 = vector.broadcast %jit3A_440 : f32 to vector<16xf32>
        %select_n3A_442 = arith.select %gt3A_433, %get3A_432, %broadcast_in_dim3A_441 : vector<16xi1>, vector<16xf32>
        %add3A_443 = arith.addf %add3A_423, %select_n3A_442 : vector<16xf32>
        %mul3A_444 = arith.constant 16 : i32
        %mul3A_445 = arith.muli %scan3A_143, %mul3A_444 : i32
        %add3A_446 = arith.constant 15 : i32
        %add3A_447 = arith.addi %mul3A_445, %add3A_446 : i32
        %mul3A_448 = arith.constant 16 : i32
        %mul3A_449 = arith.muli %add3A_447, %mul3A_448 : i32
        %multiple_of3A_450 = tpu.assume_multiple %mul3A_449, 16 : i32
        %get3A_451 = arith.index_cast %multiple_of3A_450 : i32 to index
        %get3A_452 = tpu.vector_load %arg8[%get3A_451] {strides = array<i32>} : memref<20480xf32, #tpu.memory_space<vmem>>, vector<16xf32>,
        %gt3A_453 = arith.cmpf ogt, %get3A_452, %bitcast3A : vector<16xf32>
        %jit3A_454 = arith.constant 1.000000e+00 : f32
        %jit3A_455 = arith.constant 0.000000e+00 : f32
        %broadcast_in_dim3A_456 = vector.broadcast %jit3A_454 : f32 to vector<16xf32>
        %broadcast_in_dim3A_457 = vector.broadcast %jit3A_455 : f32 to vector<16xf32>
        %select_n3A_458 = arith.select %gt3A_453, %broadcast_in_dim3A_456, %broadcast_in_dim3A_457 : vector<16xi1>, vector<16xf32>
        %add3A_459 = arith.addf %add3A_439, %select_n3A_458 : vector<16xf32>
        %jit3A_460 = arith.constant 0.000000e+00 : f32
        %broadcast_in_dim3A_461 = vector.broadcast %jit3A_460 : f32 to vector<16xf32>
        %select_n3A_462 = arith.select %gt3A_453, %get3A_452, %broadcast_in_dim3A_461 : vector<16xi1>, vector<16xf32>
        %add3A_463 = arith.addf %add3A_443, %select_n3A_462 : vector<16xf32>
        scf.yield %add3A_459, %add3A_463 : vector<16xf32>, vector<16xf32>
      }
      %scan3A_117 = arith.constant 80 : i32
      %reduce_sum3A_118 = arith.constant true
      %reduce_sum3A_119 = vector.broadcast %reduce_sum3A_118 : i1 to vector<16xi1>
      %reduce_sum3A_120 = tpu.scan <sum>, %scan3A_116#0 masked %reduce_sum3A_119 : vector<16xf32>, vector<16xi1> -> vector<16xf32>
      %reduce_sum3A_121 = vector.extract %reduce_sum3A_120[15] : f32 from vector<16xf32>
      %reduce_sum3A_122 = arith.constant true
      %reduce_sum3A_123 = vector.broadcast %reduce_sum3A_122 : i1 to vector<16xi1>
      %reduce_sum3A_124 = tpu.scan <sum>, %scan3A_116#1 masked %reduce_sum3A_123 : vector<16xf32>, vector<16xi1> -> vector<16xf32>
      %reduce_sum3A_125 = vector.extract %reduce_sum3A_124[15] : f32 from vector<16xf32>
      %gt3A = arith.constant 0.000000e+00 : f32
      %gt3A_126 = arith.cmpf ogt, %min3A_26, %gt3A : f32
      %sub3A_127 = arith.subf %min3A_26, %reduce_sum3A_121 : f32
      %mul3A_128 = arith.mulf %sub3A_127, %reduce_max3A_111 : f32
      %add3A_129 = arith.addf %reduce_sum3A_125, %mul3A_128 : f32
      %jit3A = arith.constant 0.000000e+00 : f32
      %select_n3A = arith.select %gt3A_126, %add3A_129, %jit3A : f32
      %eq3A_130 = arith.constant 0.000000e+00 : f32
      %eq3A_131 = vector.broadcast %eq3A_130 : f32 to vector<16xf32>
      %eq3A_132 = arith.cmpf oeq, %convert_element_type3A, %eq3A_131 : vector<16xf32>
      %eq3A_133 = arith.constant 1.000000e+00 : f32
      %eq3A_134 = vector.broadcast %eq3A_133 : f32 to vector<16xf32>
      %eq3A_135 = arith.cmpf oeq, %convert_element_type3A, %eq3A_134 : vector<16xf32>
      %jit3A_136 = arith.constant 0.000000e+00 : f32
      %broadcast_in_dim3A_137 = vector.broadcast %reduce_sum3A_23 : f32 to vector<16xf32>
      %broadcast_in_dim3A_138 = vector.broadcast %jit3A_136 : f32 to vector<16xf32>
      %select_n3A_139 = arith.select %eq3A_135, %broadcast_in_dim3A_137, %broadcast_in_dim3A_138 : vector<16xi1>, vector<16xf32>
      %broadcast_in_dim3A_140 = vector.broadcast %select_n3A : f32 to vector<16xf32>
      %select_n3A_141 = arith.select %eq3A_132, %broadcast_in_dim3A_140, %select_n3A_139 : vector<16xi1>, vector<16xf32>
      %swap3A = arith.constant 0 : index
      %swap3A_142 = tpu.vector_load %arg13[%swap3A] {strides = array<i32>} : memref<16xf32, #tpu.memory_space<vmem>>, vector<16xf32>,
      tpu.vector_store %arg13[%swap3A], %select_n3A_141 {strides = array<i32>} : memref<16xf32, #tpu.memory_space<vmem>>, vector<16xf32>,
      "tpu.region"() ({
        %run_scoped3A = tpu.sem_alloc : memref<!tpu.dma_semaphore, #tpu.memory_space<semaphore_mem>>
        %dma_start3A = arith.constant 0 : i32
        %dma_start3A_143 = tpu.memref_slice %arg6[%add3A, %dma_start3A] : memref<16x16xf32, #tpu.memory_space<hbm>> -> memref<1x16xf32, #tpu.memory_space<hbm>>
        %dma_start3A_144 = tpu.memref_squeeze %dma_start3A_143 : memref<1x16xf32, #tpu.memory_space<hbm>> -> memref<16xf32, #tpu.memory_space<hbm>>
        %dma_start3A_145 = arith.constant 0 : i32
        %dma_start3A_146 = tpu.memref_slice %arg6[%add3A, %dma_start3A_145] : memref<16x16xf32, #tpu.memory_space<hbm>> -> memref<1x16xf32, #tpu.memory_space<hbm>>
        %dma_start3A_147 = tpu.memref_squeeze %dma_start3A_146 : memref<1x16xf32, #tpu.memory_space<hbm>> -> memref<16xf32, #tpu.memory_space<hbm>>
        tpu.enqueue_dma source(%arg13 : memref<16xf32, #tpu.memory_space<vmem>>) target(%dma_start3A_147 : memref<16xf32, #tpu.memory_space<hbm>>) target_semaphore(%run_scoped3A : memref<!tpu.dma_semaphore, #tpu.memory_space<semaphore_mem>>)
        %dma_wait3A = arith.constant 0 : i32
        %dma_wait3A_148 = tpu.memref_slice %arg6[%add3A, %dma_wait3A] : memref<16x16xf32, #tpu.memory_space<hbm>> -> memref<1x16xf32, #tpu.memory_space<hbm>>
        %dma_wait3A_149 = tpu.memref_squeeze %dma_wait3A_148 : memref<1x16xf32, #tpu.memory_space<hbm>> -> memref<16xf32, #tpu.memory_space<hbm>>
        %dma_wait3A_150 = arith.constant 0 : i32
        %dma_wait3A_151 = tpu.memref_slice %arg6[%add3A, %dma_wait3A_150] : memref<16x16xf32, #tpu.memory_space<hbm>> -> memref<1x16xf32, #tpu.memory_space<hbm>>
        %dma_wait3A_152 = tpu.memref_squeeze %dma_wait3A_151 : memref<1x16xf32, #tpu.memory_space<hbm>> -> memref<16xf32, #tpu.memory_space<hbm>>
        tpu.wait_dma2 semaphore(%run_scoped3A : memref<!tpu.dma_semaphore, #tpu.memory_space<semaphore_mem>>) src(%arg13 : memref<16xf32, #tpu.memory_space<vmem>>) dst(%dma_wait3A_152 : memref<16xf32, #tpu.memory_space<hbm>>)
        tpu.yield
      }) : () -> ()
    } else {
    }
    %eq3A = arith.constant 16 : i32
    %eq3A_7 = arith.cmpi eq, %add3A, %eq3A : i32
    %convert_element_type3A_8 = arith.extui %eq3A_7 : i1 to i32
    %cond3A_9 = arith.constant 0 : i32
    %cond3A_10 = arith.cmpi ne, %convert_element_type3A_8, %cond3A_9 : i32
    scf.if %cond3A_10 {
      %run_scoped3A = arith.constant 0 : i32
      "tpu.region"() ({
        %run_scoped3A_23 = tpu.sem_alloc : memref<!tpu.dma_semaphore, #tpu.memory_space<semaphore_mem>>
        %dma_start3A = arith.constant 0 : i32
        %dma_start3A_24 = tpu.memref_slice %arg4[%run_scoped3A, %dma_start3A] : memref<1x4096xf32, #tpu.memory_space<hbm>> -> memref<1x4096xf32, #tpu.memory_space<hbm>>
        %dma_start3A_25 = tpu.memref_squeeze %dma_start3A_24 : memref<1x4096xf32, #tpu.memory_space<hbm>> -> memref<4096xf32, #tpu.memory_space<hbm>>
        %dma_start3A_26 = arith.constant 0 : i32
        %dma_start3A_27 = tpu.memref_slice %arg4[%run_scoped3A, %dma_start3A_26] : memref<1x4096xf32, #tpu.memory_space<hbm>> -> memref<1x4096xf32, #tpu.memory_space<hbm>>
        %dma_start3A_28 = tpu.memref_squeeze %dma_start3A_27 : memref<1x4096xf32, #tpu.memory_space<hbm>> -> memref<4096xf32, #tpu.memory_space<hbm>>
        tpu.enqueue_dma source(%dma_start3A_28 : memref<4096xf32, #tpu.memory_space<hbm>>) target(%arg9 : memref<4096xf32, #tpu.memory_space<vmem>>) target_semaphore(%run_scoped3A_23 : memref<!tpu.dma_semaphore, #tpu.memory_space<semaphore_mem>>)
        %dma_wait3A = arith.constant 0 : i32
        %dma_wait3A_29 = tpu.memref_slice %arg4[%run_scoped3A, %dma_wait3A] : memref<1x4096xf32, #tpu.memory_space<hbm>> -> memref<1x4096xf32, #tpu.memory_space<hbm>>
        %dma_wait3A_30 = tpu.memref_squeeze %dma_wait3A_29 : memref<1x4096xf32, #tpu.memory_space<hbm>> -> memref<4096xf32, #tpu.memory_space<hbm>>
        %dma_wait3A_31 = arith.constant 0 : i32
        %dma_wait3A_32 = tpu.memref_slice %arg4[%run_scoped3A, %dma_wait3A_31] : memref<1x4096xf32, #tpu.memory_space<hbm>> -> memref<1x4096xf32, #tpu.memory_space<hbm>>
        %dma_wait3A_33 = tpu.memref_squeeze %dma_wait3A_32 : memref<1x4096xf32, #tpu.memory_space<hbm>> -> memref<4096xf32, #tpu.memory_space<hbm>>
        tpu.wait_dma2 semaphore(%run_scoped3A_23 : memref<!tpu.dma_semaphore, #tpu.memory_space<semaphore_mem>>) src(%dma_wait3A_33 : memref<4096xf32, #tpu.memory_space<hbm>>) dst(%arg9 : memref<4096xf32, #tpu.memory_space<vmem>>)
        tpu.yield
      }) : () -> ()
      %scan3A = arith.constant 0 : i32
      %scan3A_16 = arith.constant 256 : i32
      %scan3A_17 = arith.addi %scan3A, %scan3A_16 : i32
      %scan3A_18 = arith.constant 1 : i32
      %scan3A_19 = scf.for %scan3A_23 = %scan3A to %scan3A_17 step %scan3A_18 iter_args(%scan3A_24 = %broadcast_in_dim3A_3) -> (vector<16xf32>)  : i32 {
        %mul3A_25 = arith.constant 16 : i32
        %mul3A_26 = arith.muli %scan3A_23, %mul3A_25 : i32
        %multiple_of3A = tpu.assume_multiple %mul3A_26, 16 : i32
        %get3A = arith.index_cast %multiple_of3A : i32 to index
        %get3A_27 = tpu.vector_load %arg9[%get3A] {strides = array<i32>} : memref<4096xf32, #tpu.memory_space<vmem>>, vector<16xf32>,
        %add3A_28 = arith.addf %scan3A_24, %get3A_27 : vector<16xf32>
        scf.yield %add3A_28 : vector<16xf32>
      }
      %scan3A_20 = arith.constant 256 : i32
      %swap3A = arith.constant 0 : index
      %swap3A_21 = tpu.vector_load %arg13[%swap3A] {strides = array<i32>} : memref<16xf32, #tpu.memory_space<vmem>>, vector<16xf32>,
      tpu.vector_store %arg13[%swap3A], %scan3A_19 {strides = array<i32>} : memref<16xf32, #tpu.memory_space<vmem>>, vector<16xf32>,
      %run_scoped3A_22 = arith.constant 0 : i32
      "tpu.region"() ({
        %run_scoped3A_23 = tpu.sem_alloc : memref<!tpu.dma_semaphore, #tpu.memory_space<semaphore_mem>>
        %dma_start3A = arith.constant 0 : i32
        %dma_start3A_24 = tpu.memref_slice %arg7[%run_scoped3A_22, %dma_start3A] : memref<2x16xf32, #tpu.memory_space<hbm>> -> memref<1x16xf32, #tpu.memory_space<hbm>>
        %dma_start3A_25 = tpu.memref_squeeze %dma_start3A_24 : memref<1x16xf32, #tpu.memory_space<hbm>> -> memref<16xf32, #tpu.memory_space<hbm>>
        %dma_start3A_26 = arith.constant 0 : i32
        %dma_start3A_27 = tpu.memref_slice %arg7[%run_scoped3A_22, %dma_start3A_26] : memref<2x16xf32, #tpu.memory_space<hbm>> -> memref<1x16xf32, #tpu.memory_space<hbm>>
        %dma_start3A_28 = tpu.memref_squeeze %dma_start3A_27 : memref<1x16xf32, #tpu.memory_space<hbm>> -> memref<16xf32, #tpu.memory_space<hbm>>
        tpu.enqueue_dma source(%arg13 : memref<16xf32, #tpu.memory_space<vmem>>) target(%dma_start3A_28 : memref<16xf32, #tpu.memory_space<hbm>>) target_semaphore(%run_scoped3A_23 : memref<!tpu.dma_semaphore, #tpu.memory_space<semaphore_mem>>)
        %dma_wait3A = arith.constant 0 : i32
        %dma_wait3A_29 = tpu.memref_slice %arg7[%run_scoped3A_22, %dma_wait3A] : memref<2x16xf32, #tpu.memory_space<hbm>> -> memref<1x16xf32, #tpu.memory_space<hbm>>
        %dma_wait3A_30 = tpu.memref_squeeze %dma_wait3A_29 : memref<1x16xf32, #tpu.memory_space<hbm>> -> memref<16xf32, #tpu.memory_space<hbm>>
        %dma_wait3A_31 = arith.constant 0 : i32
        %dma_wait3A_32 = tpu.memref_slice %arg7[%run_scoped3A_22, %dma_wait3A_31] : memref<2x16xf32, #tpu.memory_space<hbm>> -> memref<1x16xf32, #tpu.memory_space<hbm>>
        %dma_wait3A_33 = tpu.memref_squeeze %dma_wait3A_32 : memref<1x16xf32, #tpu.memory_space<hbm>> -> memref<16xf32, #tpu.memory_space<hbm>>
        tpu.wait_dma2 semaphore(%run_scoped3A_23 : memref<!tpu.dma_semaphore, #tpu.memory_space<semaphore_mem>>) src(%arg13 : memref<16xf32, #tpu.memory_space<vmem>>) dst(%dma_wait3A_33 : memref<16xf32, #tpu.memory_space<hbm>>)
        tpu.yield
      }) : () -> ()
    } else {
    }
    %eq3A_11 = arith.constant 17 : i32
    %eq3A_12 = arith.cmpi eq, %add3A, %eq3A_11 : i32
    %convert_element_type3A_13 = arith.extui %eq3A_12 : i1 to i32
    %cond3A_14 = arith.constant 0 : i32
    %cond3A_15 = arith.cmpi ne, %convert_element_type3A_13, %cond3A_14 : i32
    scf.if %cond3A_15 {
      %run_scoped3A = arith.constant 0 : i32
      "tpu.region"() ({
        %run_scoped3A_23 = tpu.sem_alloc : memref<!tpu.dma_semaphore, #tpu.memory_space<semaphore_mem>>
        %dma_start3A = arith.constant 0 : i32
        %dma_start3A_24 = tpu.memref_slice %arg5[%run_scoped3A, %dma_start3A] : memref<1x4096xf32, #tpu.memory_space<hbm>> -> memref<1x4096xf32, #tpu.memory_space<hbm>>
        %dma_start3A_25 = tpu.memref_squeeze %dma_start3A_24 : memref<1x4096xf32, #tpu.memory_space<hbm>> -> memref<4096xf32, #tpu.memory_space<hbm>>
        %dma_start3A_26 = arith.constant 0 : i32
        %dma_start3A_27 = tpu.memref_slice %arg5[%run_scoped3A, %dma_start3A_26] : memref<1x4096xf32, #tpu.memory_space<hbm>> -> memref<1x4096xf32, #tpu.memory_space<hbm>>
        %dma_start3A_28 = tpu.memref_squeeze %dma_start3A_27 : memref<1x4096xf32, #tpu.memory_space<hbm>> -> memref<4096xf32, #tpu.memory_space<hbm>>
        tpu.enqueue_dma source(%dma_start3A_28 : memref<4096xf32, #tpu.memory_space<hbm>>) target(%arg9 : memref<4096xf32, #tpu.memory_space<vmem>>) target_semaphore(%run_scoped3A_23 : memref<!tpu.dma_semaphore, #tpu.memory_space<semaphore_mem>>)
        %dma_wait3A = arith.constant 0 : i32
        %dma_wait3A_29 = tpu.memref_slice %arg5[%run_scoped3A, %dma_wait3A] : memref<1x4096xf32, #tpu.memory_space<hbm>> -> memref<1x4096xf32, #tpu.memory_space<hbm>>
        %dma_wait3A_30 = tpu.memref_squeeze %dma_wait3A_29 : memref<1x4096xf32, #tpu.memory_space<hbm>> -> memref<4096xf32, #tpu.memory_space<hbm>>
        %dma_wait3A_31 = arith.constant 0 : i32
        %dma_wait3A_32 = tpu.memref_slice %arg5[%run_scoped3A, %dma_wait3A_31] : memref<1x4096xf32, #tpu.memory_space<hbm>> -> memref<1x4096xf32, #tpu.memory_space<hbm>>
        %dma_wait3A_33 = tpu.memref_squeeze %dma_wait3A_32 : memref<1x4096xf32, #tpu.memory_space<hbm>> -> memref<4096xf32, #tpu.memory_space<hbm>>
        tpu.wait_dma2 semaphore(%run_scoped3A_23 : memref<!tpu.dma_semaphore, #tpu.memory_space<semaphore_mem>>) src(%dma_wait3A_33 : memref<4096xf32, #tpu.memory_space<hbm>>) dst(%arg9 : memref<4096xf32, #tpu.memory_space<vmem>>)
        tpu.yield
      }) : () -> ()
      %scan3A = arith.constant 0 : i32
      %scan3A_16 = arith.constant 256 : i32
      %scan3A_17 = arith.addi %scan3A, %scan3A_16 : i32
      %scan3A_18 = arith.constant 1 : i32
      %scan3A_19 = scf.for %scan3A_23 = %scan3A to %scan3A_17 step %scan3A_18 iter_args(%scan3A_24 = %broadcast_in_dim3A_3) -> (vector<16xf32>)  : i32 {
        %mul3A_25 = arith.constant 16 : i32
        %mul3A_26 = arith.muli %scan3A_23, %mul3A_25 : i32
        %multiple_of3A = tpu.assume_multiple %mul3A_26, 16 : i32
        %get3A = arith.index_cast %multiple_of3A : i32 to index
        %get3A_27 = tpu.vector_load %arg9[%get3A] {strides = array<i32>} : memref<4096xf32, #tpu.memory_space<vmem>>, vector<16xf32>,
        %add3A_28 = arith.addf %scan3A_24, %get3A_27 : vector<16xf32>
        scf.yield %add3A_28 : vector<16xf32>
      }
      %scan3A_20 = arith.constant 256 : i32
      %swap3A = arith.constant 0 : index
      %swap3A_21 = tpu.vector_load %arg13[%swap3A] {strides = array<i32>} : memref<16xf32, #tpu.memory_space<vmem>>, vector<16xf32>,
      tpu.vector_store %arg13[%swap3A], %scan3A_19 {strides = array<i32>} : memref<16xf32, #tpu.memory_space<vmem>>, vector<16xf32>,
      %run_scoped3A_22 = arith.constant 1 : i32
      "tpu.region"() ({
        %run_scoped3A_23 = tpu.sem_alloc : memref<!tpu.dma_semaphore, #tpu.memory_space<semaphore_mem>>
        %dma_start3A = arith.constant 0 : i32
        %dma_start3A_24 = tpu.memref_slice %arg7[%run_scoped3A_22, %dma_start3A] : memref<2x16xf32, #tpu.memory_space<hbm>> -> memref<1x16xf32, #tpu.memory_space<hbm>>
        %dma_start3A_25 = tpu.memref_squeeze %dma_start3A_24 : memref<1x16xf32, #tpu.memory_space<hbm>> -> memref<16xf32, #tpu.memory_space<hbm>>
        %dma_start3A_26 = arith.constant 0 : i32
        %dma_start3A_27 = tpu.memref_slice %arg7[%run_scoped3A_22, %dma_start3A_26] : memref<2x16xf32, #tpu.memory_space<hbm>> -> memref<1x16xf32, #tpu.memory_space<hbm>>
        %dma_start3A_28 = tpu.memref_squeeze %dma_start3A_27 : memref<1x16xf32, #tpu.memory_space<hbm>> -> memref<16xf32, #tpu.memory_space<hbm>>
        tpu.enqueue_dma source(%arg13 : memref<16xf32, #tpu.memory_space<vmem>>) target(%dma_start3A_28 : memref<16xf32, #tpu.memory_space<hbm>>) target_semaphore(%run_scoped3A_23 : memref<!tpu.dma_semaphore, #tpu.memory_space<semaphore_mem>>)
        %dma_wait3A = arith.constant 0 : i32
        %dma_wait3A_29 = tpu.memref_slice %arg7[%run_scoped3A_22, %dma_wait3A] : memref<2x16xf32, #tpu.memory_space<hbm>> -> memref<1x16xf32, #tpu.memory_space<hbm>>
        %dma_wait3A_30 = tpu.memref_squeeze %dma_wait3A_29 : memref<1x16xf32, #tpu.memory_space<hbm>> -> memref<16xf32, #tpu.memory_space<hbm>>
        %dma_wait3A_31 = arith.constant 0 : i32
        %dma_wait3A_32 = tpu.memref_slice %arg7[%run_scoped3A_22, %dma_wait3A_31] : memref<2x16xf32, #tpu.memory_space<hbm>> -> memref<1x16xf32, #tpu.memory_space<hbm>>
        %dma_wait3A_33 = tpu.memref_squeeze %dma_wait3A_32 : memref<1x16xf32, #tpu.memory_space<hbm>> -> memref<16xf32, #tpu.memory_space<hbm>>
        tpu.wait_dma2 semaphore(%run_scoped3A_23 : memref<!tpu.dma_semaphore, #tpu.memory_space<semaphore_mem>>) src(%arg13 : memref<16xf32, #tpu.memory_space<vmem>>) dst(%dma_wait3A_33 : memref<16xf32, #tpu.memory_space<hbm>>)
        tpu.yield
      }) : () -> ()
    } else {
    }
    return
  }
}

module attributes {stable_mosaic.version = 14 : i64} {
  func.func @_main_kernel(%arg0: i32, %arg1: i32, %arg2: i32, %arg3: memref<4x4096xf32, #tpu.memory_space<vmem>>, %arg4: memref<1x32x4xf32, #tpu.memory_space<vmem>>, %arg5: memref<1x5x32xf32, #tpu.memory_space<vmem>>, %arg6: memref<1x21x4096xf32, #tpu.memory_space<vmem>>, %arg7: memref<1x4x4096xf32, #tpu.memory_space<vmem>>, %arg8: memref<1x1x1x4096xf32, #tpu.memory_space<vmem>>, %arg9: memref<1x1x4096xf32, #tpu.memory_space<vmem>>, %arg10: memref<1x1x4096xf32, #tpu.memory_space<vmem>>, %arg11: memref<1x1x4096xf32, #tpu.memory_space<vmem>>, %arg12: memref<5x32x4096xf32, #tpu.memory_space<vmem>>, %arg13: memref<32x1xf32, #tpu.memory_space<vmem>>) attributes {dimension_semantics = [#tpu.dimension_semantics<arbitrary>, #tpu.dimension_semantics<arbitrary>, #tpu.dimension_semantics<arbitrary>], iteration_bounds = array<i64: 16, 2, 5>, scalar_prefetch = 0 : i64, scratch_operands = 2 : i64, tpu.core_type = #tpu.core_type<tc>, window_params = [{transform_indices = @transform_0, window_bounds = array<i64: 4, 4096>}, {transform_indices = @transform_1, window_bounds = array<i64: 1, 32, 4>}, {transform_indices = @transform_2, window_bounds = array<i64: 1, 5, 32>}, {transform_indices = @transform_3, window_bounds = array<i64: 1, 21, 4096>}, {transform_indices = @transform_4, window_bounds = array<i64: 1, 4, 4096>}, {transform_indices = @transform_5, window_bounds = array<i64: 1, 1, 1, 4096>}, {transform_indices = @transform_6, window_bounds = array<i64: 1, 1, 4096>}, {pipeline_mode = #tpu.pipeline_mode<synchronous>, transform_indices = @transform_7, window_bounds = array<i64: 1, 1, 4096>}, {pipeline_mode = #tpu.pipeline_mode<synchronous>, transform_indices = @transform_8, window_bounds = array<i64: 1, 1, 4096>}]} {
    %eq3A = arith.constant 0 : i32
    %eq3A_0 = arith.cmpi eq, %arg1, %eq3A : i32
    %convert_element_type3A = arith.extui %eq3A_0 : i1 to i32
    %cond3A = arith.constant 0 : i32
    %cond3A_1 = arith.cmpi ne, %convert_element_type3A, %cond3A : i32
    scf.if %cond3A_1 {
      %get3A = arith.constant 0 : index
      %get3A_7 = arith.constant 0 : index
      %get3A_8 = vector.load %arg3[%get3A, %get3A_7] : memref<4x4096xf32, #tpu.memory_space<vmem>>, vector<1x4096xf32>
      %get3A_9 = arith.constant 1 : index
      %get3A_10 = arith.constant 0 : index
      %get3A_11 = vector.load %arg3[%get3A_9, %get3A_10] : memref<4x4096xf32, #tpu.memory_space<vmem>>, vector<1x4096xf32>
      %get3A_12 = arith.constant 2 : index
      %get3A_13 = arith.constant 0 : index
      %get3A_14 = vector.load %arg3[%get3A_12, %get3A_13] : memref<4x4096xf32, #tpu.memory_space<vmem>>, vector<1x4096xf32>
      %get3A_15 = arith.constant 3 : index
      %get3A_16 = arith.constant 0 : index
      %get3A_17 = vector.load %arg3[%get3A_15, %get3A_16] : memref<4x4096xf32, #tpu.memory_space<vmem>>, vector<1x4096xf32>
      %get3A_18 = arith.constant 0 : index
      %get3A_19 = arith.constant 0 : index
      %get3A_20 = arith.constant 0 : index
      %get3A_21 = vector.load %arg4[%get3A_18, %get3A_19, %get3A_20] : memref<1x32x4xf32, #tpu.memory_space<vmem>>, vector<1x32x4xf32>
      %get3A_22 = vector.shape_cast %get3A_21 : vector<1x32x4xf32> to vector<32x4xf32>
      %slice3A = vector.extract_strided_slice %get3A_22 {offsets = [0, 0], sizes = [32, 1], strides = [1, 1]} : vector<32x4xf32> to vector<32x1xf32>
      %slice3A_23 = vector.extract_strided_slice %get3A_22 {offsets = [0, 1], sizes = [32, 1], strides = [1, 1]} : vector<32x4xf32> to vector<32x1xf32>
      %slice3A_24 = vector.extract_strided_slice %get3A_22 {offsets = [0, 2], sizes = [32, 1], strides = [1, 1]} : vector<32x4xf32> to vector<32x1xf32>
      %slice3A_25 = vector.extract_strided_slice %get3A_22 {offsets = [0, 3], sizes = [32, 1], strides = [1, 1]} : vector<32x4xf32> to vector<32x1xf32>
      %sub3A = arith.subf %slice3A_24, %slice3A : vector<32x1xf32>
      %sub3A_26 = arith.subf %slice3A_25, %slice3A_23 : vector<32x1xf32>
      %mul3A = arith.mulf %sub3A, %sub3A_26 : vector<32x1xf32>
      %sub3A_27 = arith.subf %get3A_14, %get3A_8 : vector<1x4096xf32>
      %sub3A_28 = arith.subf %get3A_17, %get3A_11 : vector<1x4096xf32>
      %mul3A_29 = arith.mulf %sub3A_27, %sub3A_28 : vector<1x4096xf32>
      %min3A = vector.broadcast %slice3A_24 : vector<32x1xf32> to vector<32x4096xf32>
      %min3A_30 = vector.broadcast %get3A_14 : vector<1x4096xf32> to vector<32x4096xf32>
      %min3A_31 = arith.minimumf %min3A, %min3A_30 : vector<32x4096xf32>
      %max3A = vector.broadcast %slice3A : vector<32x1xf32> to vector<32x4096xf32>
      %max3A_32 = vector.broadcast %get3A_8 : vector<1x4096xf32> to vector<32x4096xf32>
      %max3A_33 = arith.maximumf %max3A, %max3A_32 : vector<32x4096xf32>
      %sub3A_34 = arith.subf %min3A_31, %max3A_33 : vector<32x4096xf32>
      %max3A_35 = arith.constant 0.000000e+00 : f32
      %max3A_36 = vector.broadcast %max3A_35 : f32 to vector<32x4096xf32>
      %max3A_37 = arith.maximumf %sub3A_34, %max3A_36 : vector<32x4096xf32>
      %min3A_38 = vector.broadcast %slice3A_25 : vector<32x1xf32> to vector<32x4096xf32>
      %min3A_39 = vector.broadcast %get3A_17 : vector<1x4096xf32> to vector<32x4096xf32>
      %min3A_40 = arith.minimumf %min3A_38, %min3A_39 : vector<32x4096xf32>
      %max3A_41 = vector.broadcast %slice3A_23 : vector<32x1xf32> to vector<32x4096xf32>
      %max3A_42 = vector.broadcast %get3A_11 : vector<1x4096xf32> to vector<32x4096xf32>
      %max3A_43 = arith.maximumf %max3A_41, %max3A_42 : vector<32x4096xf32>
      %sub3A_44 = arith.subf %min3A_40, %max3A_43 : vector<32x4096xf32>
      %max3A_45 = arith.constant 0.000000e+00 : f32
      %max3A_46 = vector.broadcast %max3A_45 : f32 to vector<32x4096xf32>
      %max3A_47 = arith.maximumf %sub3A_44, %max3A_46 : vector<32x4096xf32>
      %mul3A_48 = arith.mulf %max3A_37, %max3A_47 : vector<32x4096xf32>
      %add3A = vector.broadcast %mul3A : vector<32x1xf32> to vector<32x4096xf32>
      %add3A_49 = vector.broadcast %mul3A_29 : vector<1x4096xf32> to vector<32x4096xf32>
      %add3A_50 = arith.addf %add3A, %add3A_49 : vector<32x4096xf32>
      %sub3A_51 = arith.subf %add3A_50, %mul3A_48 : vector<32x4096xf32>
      %div3A = arith.divf %mul3A_48, %sub3A_51 : vector<32x4096xf32>
      %broadcast_in_dim3A = vector.shape_cast %div3A : vector<32x4096xf32> to vector<1x32x4096xf32>
      %swap3A = arith.index_cast %arg2 : i32 to index
      %swap3A_52 = arith.constant 0 : index
      %swap3A_53 = arith.constant 0 : index
      %swap3A_54 = vector.load %arg12[%swap3A, %swap3A_52, %swap3A_53] : memref<5x32x4096xf32, #tpu.memory_space<vmem>>, vector<1x32x4096xf32>
      tpu.vector_store %arg12[%swap3A, %swap3A_52, %swap3A_53], %broadcast_in_dim3A {strides = array<i32>} : memref<5x32x4096xf32, #tpu.memory_space<vmem>>, vector<1x32x4096xf32>,
      %reduce_max3A = arith.constant dense<0xFF800000> : vector<32xf32>
      %reduce_max3A_55 = vector.multi_reduction <maximumf>, %div3A, %reduce_max3A [1] : vector<32x4096xf32> to vector<32xf32>
      %broadcast_in_dim3A_56 = vector.shape_cast %reduce_max3A_55 : vector<32xf32> to vector<32x1xf32>
      %eq3A_57 = arith.constant 0 : i32
      %eq3A_58 = arith.cmpi eq, %arg2, %eq3A_57 : i32
      %convert_element_type3A_59 = arith.extui %eq3A_58 : i1 to i32
      %cond3A_60 = arith.constant 0 : i32
      %cond3A_61 = arith.cmpi ne, %convert_element_type3A_59, %cond3A_60 : i32
      scf.if %cond3A_61 {
        %swap3A_66 = arith.constant 0 : index
        %swap3A_67 = arith.constant 0 : index
        %swap3A_68 = vector.load %arg13[%swap3A_66, %swap3A_67] : memref<32x1xf32, #tpu.memory_space<vmem>>, vector<32x1xf32>
        tpu.vector_store %arg13[%swap3A_66, %swap3A_67], %broadcast_in_dim3A_56 {strides = array<i32>} : memref<32x1xf32, #tpu.memory_space<vmem>>, vector<32x1xf32>,
      } else {
      }
      %gt3A = arith.constant 0 : i32
      %gt3A_62 = arith.cmpi sgt, %arg2, %gt3A : i32
      %convert_element_type3A_63 = arith.extui %gt3A_62 : i1 to i32
      %cond3A_64 = arith.constant 0 : i32
      %cond3A_65 = arith.cmpi ne, %convert_element_type3A_63, %cond3A_64 : i32
      scf.if %cond3A_65 {
        %get3A_66 = arith.constant 0 : index
        %get3A_67 = arith.constant 0 : index
        %get3A_68 = vector.load %arg13[%get3A_66, %get3A_67] : memref<32x1xf32, #tpu.memory_space<vmem>>, vector<32x1xf32>
        %max3A_69 = arith.maximumf %get3A_68, %broadcast_in_dim3A_56 : vector<32x1xf32>
        %swap3A_70 = arith.constant 0 : index
        %swap3A_71 = arith.constant 0 : index
        %swap3A_72 = vector.load %arg13[%swap3A_70, %swap3A_71] : memref<32x1xf32, #tpu.memory_space<vmem>>, vector<32x1xf32>
        tpu.vector_store %arg13[%swap3A_70, %swap3A_71], %max3A_69 {strides = array<i32>} : memref<32x1xf32, #tpu.memory_space<vmem>>, vector<32x1xf32>,
      } else {
      }
    } else {
    }
    %eq3A_2 = arith.constant 1 : i32
    %eq3A_3 = arith.cmpi eq, %arg1, %eq3A_2 : i32
    %convert_element_type3A_4 = arith.extui %eq3A_3 : i1 to i32
    %cond3A_5 = arith.constant 0 : i32
    %cond3A_6 = arith.cmpi ne, %convert_element_type3A_4, %cond3A_5 : i32
    scf.if %cond3A_6 {
      %get3A = arith.index_cast %arg2 : i32 to index
      %get3A_7 = arith.constant 0 : index
      %get3A_8 = arith.constant 0 : index
      %get3A_9 = vector.load %arg12[%get3A, %get3A_7, %get3A_8] : memref<5x32x4096xf32, #tpu.memory_space<vmem>>, vector<1x32x4096xf32>
      %squeeze3A = vector.shape_cast %get3A_9 : vector<1x32x4096xf32> to vector<32x4096xf32>
      %reduce_max3A = arith.constant dense<0xFF800000> : vector<4096xf32>
      %reduce_max3A_10 = vector.multi_reduction <maximumf>, %squeeze3A, %reduce_max3A [0] : vector<32x4096xf32> to vector<4096xf32>
      %broadcast_in_dim3A = vector.shape_cast %reduce_max3A_10 : vector<4096xf32> to vector<1x4096xf32>
      %iota3A = tpu.iota {dimensions = array<i32: 0>} : vector<32x4096xi32>
      %convert_element_type3A_11 = arith.sitofp %iota3A : vector<32x4096xi32> to vector<32x4096xf32>
      %eq3A_12 = vector.broadcast %broadcast_in_dim3A : vector<1x4096xf32> to vector<32x4096xf32>
      %eq3A_13 = arith.cmpf oeq, %squeeze3A, %eq3A_12 : vector<32x4096xf32>
      %jit3A = arith.constant 3.200000e+01 : f32
      %broadcast_in_dim3A_14 = vector.broadcast %jit3A : f32 to vector<32x4096xf32>
      %select_n3A = arith.select %eq3A_13, %convert_element_type3A_11, %broadcast_in_dim3A_14 : vector<32x4096xi1>, vector<32x4096xf32>
      %reduce_min3A = arith.constant dense<0x7F800000> : vector<4096xf32>
      %reduce_min3A_15 = vector.multi_reduction <minimumf>, %select_n3A, %reduce_min3A [0] : vector<32x4096xf32> to vector<4096xf32>
      %broadcast_in_dim3A_16 = vector.shape_cast %reduce_min3A_15 : vector<4096xf32> to vector<1x4096xf32>
      %lt3A = arith.constant 3.000000e-01 : f32
      %lt3A_17 = vector.broadcast %lt3A : f32 to vector<1x4096xf32>
      %lt3A_18 = arith.cmpf olt, %broadcast_in_dim3A, %lt3A_17 : vector<1x4096xf32>
      %jit3A_19 = arith.constant -1.000000e+00 : f32
      %broadcast_in_dim3A_20 = vector.broadcast %jit3A_19 : f32 to vector<1x4096xf32>
      %select_n3A_21 = arith.select %lt3A_18, %broadcast_in_dim3A_20, %broadcast_in_dim3A_16 : vector<1x4096xi1>, vector<1x4096xf32>
      %ge3A = arith.constant 3.000000e-01 : f32
      %ge3A_22 = vector.broadcast %ge3A : f32 to vector<1x4096xf32>
      %ge3A_23 = arith.cmpf oge, %broadcast_in_dim3A, %ge3A_22 : vector<1x4096xf32>
      %lt3A_24 = arith.constant 0.899999976 : f32
      %lt3A_25 = vector.broadcast %lt3A_24 : f32 to vector<1x4096xf32>
      %lt3A_26 = arith.cmpf olt, %broadcast_in_dim3A, %lt3A_25 : vector<1x4096xf32>
      %and3A = arith.andi %ge3A_23, %lt3A_26 : vector<1x4096xi1>
      %jit3A_27 = arith.constant -2.000000e+00 : f32
      %broadcast_in_dim3A_28 = vector.broadcast %jit3A_27 : f32 to vector<1x4096xf32>
      %select_n3A_29 = arith.select %and3A, %broadcast_in_dim3A_28, %select_n3A_21 : vector<1x4096xi1>, vector<1x4096xf32>
      %get3A_30 = arith.constant 0 : index
      %get3A_31 = arith.constant 0 : index
      %get3A_32 = vector.load %arg13[%get3A_30, %get3A_31] : memref<32x1xf32, #tpu.memory_space<vmem>>, vector<32x1xf32>
      %eq3A_33 = vector.broadcast %get3A_32 : vector<32x1xf32> to vector<32x4096xf32>
      %eq3A_34 = arith.cmpf oeq, %squeeze3A, %eq3A_33 : vector<32x4096xf32>
      %convert_element_type3A_35 = arith.extui %eq3A_34 : vector<32x4096xi1> to vector<32x4096xi32>
      %convert_element_type3A_36 = arith.sitofp %convert_element_type3A_35 : vector<32x4096xi32> to vector<32x4096xf32>
      %reduce_max3A_37 = arith.constant dense<0xFF800000> : vector<4096xf32>
      %reduce_max3A_38 = vector.multi_reduction <maximumf>, %convert_element_type3A_36, %reduce_max3A_37 [0] : vector<32x4096xf32> to vector<4096xf32>
      %broadcast_in_dim3A_39 = vector.shape_cast %reduce_max3A_38 : vector<4096xf32> to vector<1x4096xf32>
      %gt3A = arith.constant 0.000000e+00 : f32
      %gt3A_40 = vector.broadcast %gt3A : f32 to vector<1x4096xf32>
      %gt3A_41 = arith.cmpf ogt, %broadcast_in_dim3A_39, %gt3A_40 : vector<1x4096xf32>
      %select_n3A_42 = arith.select %gt3A_41, %broadcast_in_dim3A_16, %select_n3A_29 : vector<1x4096xi1>, vector<1x4096xf32>
      %iota3A_43 = tpu.iota {dimensions = array<i32: 1>} : vector<1x4096xi32>
      %mul3A = arith.constant 4096 : i32
      %mul3A_44 = arith.muli %arg2, %mul3A : i32
      %add3A = vector.broadcast %mul3A_44 : i32 to vector<1x4096xi32>
      %add3A_45 = arith.addi %add3A, %iota3A_43 : vector<1x4096xi32>
      %ge3A_46 = arith.constant 20000 : i32
      %ge3A_47 = vector.broadcast %ge3A_46 : i32 to vector<1x4096xi32>
      %ge3A_48 = arith.cmpi sge, %add3A_45, %ge3A_47 : vector<1x4096xi32>
      %jit3A_49 = arith.constant -1.000000e+00 : f32
      %broadcast_in_dim3A_50 = vector.broadcast %jit3A_49 : f32 to vector<1x4096xf32>
      %select_n3A_51 = arith.select %ge3A_48, %broadcast_in_dim3A_50, %select_n3A_42 : vector<1x4096xi1>, vector<1x4096xf32>
      %max3A = arith.constant 0.000000e+00 : f32
      %max3A_52 = vector.broadcast %max3A : f32 to vector<1x4096xf32>
      %max3A_53 = arith.maximumf %select_n3A_51, %max3A_52 : vector<1x4096xf32>
      %eq3A_54 = vector.broadcast %max3A_53 : vector<1x4096xf32> to vector<32x4096xf32>
      %eq3A_55 = arith.cmpf oeq, %convert_element_type3A_11, %eq3A_54 : vector<32x4096xf32>
      %convert_element_type3A_56 = arith.extui %eq3A_55 : vector<32x4096xi1> to vector<32x4096xi32>
      %convert_element_type3A_57 = arith.sitofp %convert_element_type3A_56 : vector<32x4096xi32> to vector<32x4096xf32>
      %get3A_58 = arith.constant 0 : index
      %get3A_59 = arith.constant 0 : index
      %get3A_60 = arith.constant 0 : index
      %get3A_61 = vector.load %arg5[%get3A_58, %get3A_59, %get3A_60] : memref<1x5x32xf32, #tpu.memory_space<vmem>>, vector<1x5x32xf32>
      %get3A_62 = vector.shape_cast %get3A_61 : vector<1x5x32xf32> to vector<5x32xf32>
      %dot_general3A = arith.constant dense<0.000000e+00> : vector<5x4096xf32>
      %dot_general3A_63 = tpu.matmul %get3A_62, %convert_element_type3A_57, %dot_general3A {dimension_numbers = #tpu.dot_dimension_numbers<[1], [0], [0], [1], [0, 0, 1, 1], [], []>, transpose_lhs_hint = false} : vector<5x32xf32>, vector<32x4096xf32>, vector<5x4096xf32> -> vector<5x4096xf32>
      %slice3A = vector.extract_strided_slice %dot_general3A_63 {offsets = [4, 0], sizes = [1, 4096], strides = [1, 1]} : vector<5x4096xf32> to vector<1x4096xf32>
      %lt3A_64 = arith.constant 0.000000e+00 : f32
      %lt3A_65 = vector.broadcast %lt3A_64 : f32 to vector<1x4096xf32>
      %lt3A_66 = arith.cmpf olt, %select_n3A_51, %lt3A_65 : vector<1x4096xf32>
      %jit3A_67 = arith.constant 0.000000e+00 : f32
      %broadcast_in_dim3A_68 = vector.broadcast %jit3A_67 : f32 to vector<1x4096xf32>
      %select_n3A_69 = arith.select %lt3A_66, %broadcast_in_dim3A_68, %slice3A : vector<1x4096xi1>, vector<1x4096xf32>
      %gt3A_70 = arith.constant 0.000000e+00 : f32
      %gt3A_71 = vector.broadcast %gt3A_70 : f32 to vector<1x4096xf32>
      %gt3A_72 = arith.cmpf ogt, %select_n3A_69, %gt3A_71 : vector<1x4096xf32>
      %convert_element_type3A_73 = arith.extui %gt3A_72 : vector<1x4096xi1> to vector<1x4096xi32>
      %convert_element_type3A_74 = arith.sitofp %convert_element_type3A_73 : vector<1x4096xi32> to vector<1x4096xf32>
      %get3A_75 = arith.constant 0 : index
      %get3A_76 = arith.constant 0 : index
      %get3A_77 = vector.load %arg3[%get3A_75, %get3A_76] : memref<4x4096xf32, #tpu.memory_space<vmem>>, vector<1x4096xf32>
      %get3A_78 = arith.constant 1 : index
      %get3A_79 = arith.constant 0 : index
      %get3A_80 = vector.load %arg3[%get3A_78, %get3A_79] : memref<4x4096xf32, #tpu.memory_space<vmem>>, vector<1x4096xf32>
      %get3A_81 = arith.constant 2 : index
      %get3A_82 = arith.constant 0 : index
      %get3A_83 = vector.load %arg3[%get3A_81, %get3A_82] : memref<4x4096xf32, #tpu.memory_space<vmem>>, vector<1x4096xf32>
      %get3A_84 = arith.constant 3 : index
      %get3A_85 = arith.constant 0 : index
      %get3A_86 = vector.load %arg3[%get3A_84, %get3A_85] : memref<4x4096xf32, #tpu.memory_space<vmem>>, vector<1x4096xf32>
      %sub3A = arith.subf %get3A_83, %get3A_77 : vector<1x4096xf32>
      %sub3A_87 = arith.subf %get3A_86, %get3A_80 : vector<1x4096xf32>
      %add3A_88 = arith.addf %get3A_77, %get3A_83 : vector<1x4096xf32>
      %mul3A_89 = arith.constant 5.000000e-01 : f32
      %mul3A_90 = vector.broadcast %mul3A_89 : f32 to vector<1x4096xf32>
      %mul3A_91 = arith.mulf %add3A_88, %mul3A_90 : vector<1x4096xf32>
      %add3A_92 = arith.addf %get3A_80, %get3A_86 : vector<1x4096xf32>
      %mul3A_93 = arith.constant 5.000000e-01 : f32
      %mul3A_94 = vector.broadcast %mul3A_93 : f32 to vector<1x4096xf32>
      %mul3A_95 = arith.mulf %add3A_92, %mul3A_94 : vector<1x4096xf32>
      %slice3A_96 = vector.extract_strided_slice %dot_general3A_63 {offsets = [0, 0], sizes = [1, 4096], strides = [1, 1]} : vector<5x4096xf32> to vector<1x4096xf32>
      %slice3A_97 = vector.extract_strided_slice %dot_general3A_63 {offsets = [1, 0], sizes = [1, 4096], strides = [1, 1]} : vector<5x4096xf32> to vector<1x4096xf32>
      %slice3A_98 = vector.extract_strided_slice %dot_general3A_63 {offsets = [2, 0], sizes = [1, 4096], strides = [1, 1]} : vector<5x4096xf32> to vector<1x4096xf32>
      %slice3A_99 = vector.extract_strided_slice %dot_general3A_63 {offsets = [3, 0], sizes = [1, 4096], strides = [1, 1]} : vector<5x4096xf32> to vector<1x4096xf32>
      %sub3A_100 = arith.subf %slice3A_98, %slice3A_96 : vector<1x4096xf32>
      %sub3A_101 = arith.subf %slice3A_99, %slice3A_97 : vector<1x4096xf32>
      %add3A_102 = arith.addf %slice3A_96, %slice3A_98 : vector<1x4096xf32>
      %mul3A_103 = arith.constant 5.000000e-01 : f32
      %mul3A_104 = vector.broadcast %mul3A_103 : f32 to vector<1x4096xf32>
      %mul3A_105 = arith.mulf %add3A_102, %mul3A_104 : vector<1x4096xf32>
      %add3A_106 = arith.addf %slice3A_97, %slice3A_99 : vector<1x4096xf32>
      %mul3A_107 = arith.constant 5.000000e-01 : f32
      %mul3A_108 = vector.broadcast %mul3A_107 : f32 to vector<1x4096xf32>
      %mul3A_109 = arith.mulf %add3A_106, %mul3A_108 : vector<1x4096xf32>
      %sub3A_110 = arith.subf %mul3A_105, %mul3A_91 : vector<1x4096xf32>
      %mul3A_111 = arith.constant 1.000000e-01 : f32
      %mul3A_112 = vector.broadcast %mul3A_111 : f32 to vector<1x4096xf32>
      %mul3A_113 = arith.mulf %mul3A_112, %sub3A : vector<1x4096xf32>
      %div3A = arith.divf %sub3A_110, %mul3A_113 : vector<1x4096xf32>
      %sub3A_114 = arith.subf %mul3A_109, %mul3A_95 : vector<1x4096xf32>
      %mul3A_115 = arith.constant 1.000000e-01 : f32
      %mul3A_116 = vector.broadcast %mul3A_115 : f32 to vector<1x4096xf32>
      %mul3A_117 = arith.mulf %mul3A_116, %sub3A_87 : vector<1x4096xf32>
      %div3A_118 = arith.divf %sub3A_114, %mul3A_117 : vector<1x4096xf32>
      %div3A_119 = arith.divf %sub3A_100, %sub3A : vector<1x4096xf32>
      %log3A = math.log %div3A_119 : vector<1x4096xf32>
      %div3A_120 = arith.constant 2.000000e-01 : f32
      %div3A_121 = vector.broadcast %div3A_120 : f32 to vector<1x4096xf32>
      %div3A_122 = arith.divf %log3A, %div3A_121 : vector<1x4096xf32>
      %div3A_123 = arith.divf %sub3A_101, %sub3A_87 : vector<1x4096xf32>
      %log3A_124 = math.log %div3A_123 : vector<1x4096xf32>
      %div3A_125 = arith.constant 2.000000e-01 : f32
      %div3A_126 = vector.broadcast %div3A_125 : f32 to vector<1x4096xf32>
      %div3A_127 = arith.divf %log3A_124, %div3A_126 : vector<1x4096xf32>
      %get3A_128 = arith.constant 0 : index
      %get3A_129 = arith.constant 0 : index
      %get3A_130 = arith.constant 0 : index
      %get3A_131 = vector.load %arg7[%get3A_128, %get3A_129, %get3A_130] : memref<1x4x4096xf32, #tpu.memory_space<vmem>>, vector<1x4x4096xf32>
      %get3A_132 = vector.shape_cast %get3A_131 : vector<1x4x4096xf32> to vector<4x4096xf32>
      %slice3A_133 = vector.extract_strided_slice %get3A_132 {offsets = [0, 0], sizes = [1, 4096], strides = [1, 1]} : vector<4x4096xf32> to vector<1x4096xf32>
      %sub3A_134 = arith.subf %slice3A_133, %div3A : vector<1x4096xf32>
      %abs3A = math.absf %sub3A_134 : vector<1x4096xf32>
      %lt3A_135 = arith.constant 1.000000e+00 : f32
      %lt3A_136 = vector.broadcast %lt3A_135 : f32 to vector<1x4096xf32>
      %lt3A_137 = arith.cmpf olt, %abs3A, %lt3A_136 : vector<1x4096xf32>
      %mul3A_138 = arith.constant 5.000000e-01 : f32
      %mul3A_139 = vector.broadcast %mul3A_138 : f32 to vector<1x4096xf32>
      %mul3A_140 = arith.mulf %mul3A_139, %sub3A_134 : vector<1x4096xf32>
      %mul3A_141 = arith.mulf %mul3A_140, %sub3A_134 : vector<1x4096xf32>
      %sub3A_142 = arith.constant 5.000000e-01 : f32
      %sub3A_143 = vector.broadcast %sub3A_142 : f32 to vector<1x4096xf32>
      %sub3A_144 = arith.subf %abs3A, %sub3A_143 : vector<1x4096xf32>
      %select_n3A_145 = arith.select %lt3A_137, %mul3A_141, %sub3A_144 : vector<1x4096xi1>, vector<1x4096xf32>
      %slice3A_146 = vector.extract_strided_slice %get3A_132 {offsets = [1, 0], sizes = [1, 4096], strides = [1, 1]} : vector<4x4096xf32> to vector<1x4096xf32>
      %sub3A_147 = arith.subf %slice3A_146, %div3A_118 : vector<1x4096xf32>
      %abs3A_148 = math.absf %sub3A_147 : vector<1x4096xf32>
      %lt3A_149 = arith.constant 1.000000e+00 : f32
      %lt3A_150 = vector.broadcast %lt3A_149 : f32 to vector<1x4096xf32>
      %lt3A_151 = arith.cmpf olt, %abs3A_148, %lt3A_150 : vector<1x4096xf32>
      %mul3A_152 = arith.constant 5.000000e-01 : f32
      %mul3A_153 = vector.broadcast %mul3A_152 : f32 to vector<1x4096xf32>
      %mul3A_154 = arith.mulf %mul3A_153, %sub3A_147 : vector<1x4096xf32>
      %mul3A_155 = arith.mulf %mul3A_154, %sub3A_147 : vector<1x4096xf32>
      %sub3A_156 = arith.constant 5.000000e-01 : f32
      %sub3A_157 = vector.broadcast %sub3A_156 : f32 to vector<1x4096xf32>
      %sub3A_158 = arith.subf %abs3A_148, %sub3A_157 : vector<1x4096xf32>
      %select_n3A_159 = arith.select %lt3A_151, %mul3A_155, %sub3A_158 : vector<1x4096xi1>, vector<1x4096xf32>
      %add3A_160 = arith.addf %select_n3A_145, %select_n3A_159 : vector<1x4096xf32>
      %slice3A_161 = vector.extract_strided_slice %get3A_132 {offsets = [2, 0], sizes = [1, 4096], strides = [1, 1]} : vector<4x4096xf32> to vector<1x4096xf32>
      %sub3A_162 = arith.subf %slice3A_161, %div3A_122 : vector<1x4096xf32>
      %abs3A_163 = math.absf %sub3A_162 : vector<1x4096xf32>
      %lt3A_164 = arith.constant 1.000000e+00 : f32
      %lt3A_165 = vector.broadcast %lt3A_164 : f32 to vector<1x4096xf32>
      %lt3A_166 = arith.cmpf olt, %abs3A_163, %lt3A_165 : vector<1x4096xf32>
      %mul3A_167 = arith.constant 5.000000e-01 : f32
      %mul3A_168 = vector.broadcast %mul3A_167 : f32 to vector<1x4096xf32>
      %mul3A_169 = arith.mulf %mul3A_168, %sub3A_162 : vector<1x4096xf32>
      %mul3A_170 = arith.mulf %mul3A_169, %sub3A_162 : vector<1x4096xf32>
      %sub3A_171 = arith.constant 5.000000e-01 : f32
      %sub3A_172 = vector.broadcast %sub3A_171 : f32 to vector<1x4096xf32>
      %sub3A_173 = arith.subf %abs3A_163, %sub3A_172 : vector<1x4096xf32>
      %select_n3A_174 = arith.select %lt3A_166, %mul3A_170, %sub3A_173 : vector<1x4096xi1>, vector<1x4096xf32>
      %add3A_175 = arith.addf %add3A_160, %select_n3A_174 : vector<1x4096xf32>
      %slice3A_176 = vector.extract_strided_slice %get3A_132 {offsets = [3, 0], sizes = [1, 4096], strides = [1, 1]} : vector<4x4096xf32> to vector<1x4096xf32>
      %sub3A_177 = arith.subf %slice3A_176, %div3A_127 : vector<1x4096xf32>
      %abs3A_178 = math.absf %sub3A_177 : vector<1x4096xf32>
      %lt3A_179 = arith.constant 1.000000e+00 : f32
      %lt3A_180 = vector.broadcast %lt3A_179 : f32 to vector<1x4096xf32>
      %lt3A_181 = arith.cmpf olt, %abs3A_178, %lt3A_180 : vector<1x4096xf32>
      %mul3A_182 = arith.constant 5.000000e-01 : f32
      %mul3A_183 = vector.broadcast %mul3A_182 : f32 to vector<1x4096xf32>
      %mul3A_184 = arith.mulf %mul3A_183, %sub3A_177 : vector<1x4096xf32>
      %mul3A_185 = arith.mulf %mul3A_184, %sub3A_177 : vector<1x4096xf32>
      %sub3A_186 = arith.constant 5.000000e-01 : f32
      %sub3A_187 = vector.broadcast %sub3A_186 : f32 to vector<1x4096xf32>
      %sub3A_188 = arith.subf %abs3A_178, %sub3A_187 : vector<1x4096xf32>
      %select_n3A_189 = arith.select %lt3A_181, %mul3A_185, %sub3A_188 : vector<1x4096xi1>, vector<1x4096xf32>
      %add3A_190 = arith.addf %add3A_175, %select_n3A_189 : vector<1x4096xf32>
      %mul3A_191 = arith.mulf %add3A_190, %convert_element_type3A_74 : vector<1x4096xf32>
      %get3A_192 = arith.constant 0 : index
      %get3A_193 = arith.constant 0 : index
      %get3A_194 = arith.constant 0 : index
      %get3A_195 = vector.load %arg6[%get3A_192, %get3A_193, %get3A_194] : memref<1x21x4096xf32, #tpu.memory_space<vmem>>, vector<1x21x4096xf32>
      %get3A_196 = vector.shape_cast %get3A_195 : vector<1x21x4096xf32> to vector<21x4096xf32>
      %exp3A = math.exp %get3A_196 : vector<21x4096xf32>
      %reduce_sum3A = arith.constant dense<0.000000e+00> : vector<4096xf32>
      %reduce_sum3A_197 = vector.multi_reduction <add>, %exp3A, %reduce_sum3A [0] : vector<21x4096xf32> to vector<4096xf32>
      %broadcast_in_dim3A_198 = vector.shape_cast %reduce_sum3A_197 : vector<4096xf32> to vector<1x4096xf32>
      %iota3A_199 = tpu.iota {dimensions = array<i32: 0>} : vector<21x4096xi32>
      %convert_element_type3A_200 = arith.sitofp %iota3A_199 : vector<21x4096xi32> to vector<21x4096xf32>
      %eq3A_201 = vector.broadcast %select_n3A_69 : vector<1x4096xf32> to vector<21x4096xf32>
      %eq3A_202 = arith.cmpf oeq, %convert_element_type3A_200, %eq3A_201 : vector<21x4096xf32>
      %convert_element_type3A_203 = arith.extui %eq3A_202 : vector<21x4096xi1> to vector<21x4096xi32>
      %convert_element_type3A_204 = arith.sitofp %convert_element_type3A_203 : vector<21x4096xi32> to vector<21x4096xf32>
      %mul3A_205 = arith.mulf %get3A_196, %convert_element_type3A_204 : vector<21x4096xf32>
      %reduce_sum3A_206 = arith.constant dense<0.000000e+00> : vector<4096xf32>
      %reduce_sum3A_207 = vector.multi_reduction <add>, %mul3A_205, %reduce_sum3A_206 [0] : vector<21x4096xf32> to vector<4096xf32>
      %broadcast_in_dim3A_208 = vector.shape_cast %reduce_sum3A_207 : vector<4096xf32> to vector<1x4096xf32>
      %log3A_209 = math.log %broadcast_in_dim3A_198 : vector<1x4096xf32>
      %sub3A_210 = arith.subf %log3A_209, %broadcast_in_dim3A_208 : vector<1x4096xf32>
      %eq3A_211 = arith.constant 0 : i32
      %eq3A_212 = arith.cmpi eq, %arg2, %eq3A_211 : i32
      %convert_element_type3A_213 = arith.extui %eq3A_212 : i1 to i32
      %cond3A_214 = arith.constant 0 : i32
      %cond3A_215 = arith.cmpi ne, %convert_element_type3A_213, %cond3A_214 : i32
      scf.if %cond3A_215 {
        %swap3A_246 = arith.constant 0 : index
        %swap3A_247 = arith.constant 0 : index
        %swap3A_248 = arith.constant 0 : index
        %swap3A_249 = vector.load %arg9[%swap3A_246, %swap3A_247, %swap3A_248] : memref<1x1x4096xf32, #tpu.memory_space<vmem>>, vector<1x1x4096xf32>
        %swap3A_250 = vector.shape_cast %swap3A_249 : vector<1x1x4096xf32> to vector<1x4096xf32>
        %swap3A_251 = vector.shape_cast %convert_element_type3A_74 : vector<1x4096xf32> to vector<1x1x4096xf32>
        tpu.vector_store %arg9[%swap3A_246, %swap3A_247, %swap3A_248], %swap3A_251 {strides = array<i32>} : memref<1x1x4096xf32, #tpu.memory_space<vmem>>, vector<1x1x4096xf32>,
      } else {
      }
      %gt3A_216 = arith.constant 0 : i32
      %gt3A_217 = arith.cmpi sgt, %arg2, %gt3A_216 : i32
      %convert_element_type3A_218 = arith.extui %gt3A_217 : i1 to i32
      %cond3A_219 = arith.constant 0 : i32
      %cond3A_220 = arith.cmpi ne, %convert_element_type3A_218, %cond3A_219 : i32
      scf.if %cond3A_220 {
        %get3A_246 = arith.constant 0 : index
        %get3A_247 = arith.constant 0 : index
        %get3A_248 = arith.constant 0 : index
        %get3A_249 = vector.load %arg9[%get3A_246, %get3A_247, %get3A_248] : memref<1x1x4096xf32, #tpu.memory_space<vmem>>, vector<1x1x4096xf32>
        %get3A_250 = vector.shape_cast %get3A_249 : vector<1x1x4096xf32> to vector<1x4096xf32>
        %add3A_251 = arith.addf %get3A_250, %convert_element_type3A_74 : vector<1x4096xf32>
        %swap3A_252 = arith.constant 0 : index
        %swap3A_253 = arith.constant 0 : index
        %swap3A_254 = arith.constant 0 : index
        %swap3A_255 = vector.load %arg9[%swap3A_252, %swap3A_253, %swap3A_254] : memref<1x1x4096xf32, #tpu.memory_space<vmem>>, vector<1x1x4096xf32>
        %swap3A_256 = vector.shape_cast %swap3A_255 : vector<1x1x4096xf32> to vector<1x4096xf32>
        %swap3A_257 = vector.shape_cast %add3A_251 : vector<1x4096xf32> to vector<1x1x4096xf32>
        tpu.vector_store %arg9[%swap3A_252, %swap3A_253, %swap3A_254], %swap3A_257 {strides = array<i32>} : memref<1x1x4096xf32, #tpu.memory_space<vmem>>, vector<1x1x4096xf32>,
      } else {
      }
      %eq3A_221 = arith.constant 0 : i32
      %eq3A_222 = arith.cmpi eq, %arg0, %eq3A_221 : i32
      %eq3A_223 = arith.constant 0 : i32
      %eq3A_224 = arith.cmpi eq, %arg2, %eq3A_223 : i32
      %and3A_225 = arith.andi %eq3A_222, %eq3A_224 : i1
      %convert_element_type3A_226 = arith.extui %and3A_225 : i1 to i32
      %cond3A_227 = arith.constant 0 : i32
      %cond3A_228 = arith.cmpi ne, %convert_element_type3A_226, %cond3A_227 : i32
      scf.if %cond3A_228 {
        %swap3A_246 = arith.constant 0 : index
        %swap3A_247 = arith.constant 0 : index
        %swap3A_248 = arith.constant 0 : index
        %swap3A_249 = vector.load %arg10[%swap3A_246, %swap3A_247, %swap3A_248] : memref<1x1x4096xf32, #tpu.memory_space<vmem>>, vector<1x1x4096xf32>
        %swap3A_250 = vector.shape_cast %swap3A_249 : vector<1x1x4096xf32> to vector<1x4096xf32>
        %swap3A_251 = vector.shape_cast %mul3A_191 : vector<1x4096xf32> to vector<1x1x4096xf32>
        tpu.vector_store %arg10[%swap3A_246, %swap3A_247, %swap3A_248], %swap3A_251 {strides = array<i32>} : memref<1x1x4096xf32, #tpu.memory_space<vmem>>, vector<1x1x4096xf32>,
        %mul3A_252 = arith.mulf %sub3A_210, %convert_element_type3A_74 : vector<1x4096xf32>
        %swap3A_253 = arith.constant 0 : index
        %swap3A_254 = arith.constant 0 : index
        %swap3A_255 = arith.constant 0 : index
        %swap3A_256 = vector.load %arg11[%swap3A_253, %swap3A_254, %swap3A_255] : memref<1x1x4096xf32, #tpu.memory_space<vmem>>, vector<1x1x4096xf32>
        %swap3A_257 = vector.shape_cast %swap3A_256 : vector<1x1x4096xf32> to vector<1x4096xf32>
        %swap3A_258 = vector.shape_cast %mul3A_252 : vector<1x4096xf32> to vector<1x1x4096xf32>
        tpu.vector_store %arg11[%swap3A_253, %swap3A_254, %swap3A_255], %swap3A_258 {strides = array<i32>} : memref<1x1x4096xf32, #tpu.memory_space<vmem>>, vector<1x1x4096xf32>,
      } else {
      }
      %gt3A_229 = arith.constant 0 : i32
      %gt3A_230 = arith.cmpi sgt, %arg0, %gt3A_229 : i32
      %gt3A_231 = arith.constant 0 : i32
      %gt3A_232 = arith.cmpi sgt, %arg2, %gt3A_231 : i32
      %or3A = arith.ori %gt3A_230, %gt3A_232 : i1
      %convert_element_type3A_233 = arith.extui %or3A : i1 to i32
      %cond3A_234 = arith.constant 0 : i32
      %cond3A_235 = arith.cmpi ne, %convert_element_type3A_233, %cond3A_234 : i32
      scf.if %cond3A_235 {
        %get3A_246 = arith.constant 0 : index
        %get3A_247 = arith.constant 0 : index
        %get3A_248 = arith.constant 0 : index
        %get3A_249 = vector.load %arg10[%get3A_246, %get3A_247, %get3A_248] : memref<1x1x4096xf32, #tpu.memory_space<vmem>>, vector<1x1x4096xf32>
        %get3A_250 = vector.shape_cast %get3A_249 : vector<1x1x4096xf32> to vector<1x4096xf32>
        %add3A_251 = arith.addf %get3A_250, %mul3A_191 : vector<1x4096xf32>
        %swap3A_252 = arith.constant 0 : index
        %swap3A_253 = arith.constant 0 : index
        %swap3A_254 = arith.constant 0 : index
        %swap3A_255 = vector.load %arg10[%swap3A_252, %swap3A_253, %swap3A_254] : memref<1x1x4096xf32, #tpu.memory_space<vmem>>, vector<1x1x4096xf32>
        %swap3A_256 = vector.shape_cast %swap3A_255 : vector<1x1x4096xf32> to vector<1x4096xf32>
        %swap3A_257 = vector.shape_cast %add3A_251 : vector<1x4096xf32> to vector<1x1x4096xf32>
        tpu.vector_store %arg10[%swap3A_252, %swap3A_253, %swap3A_254], %swap3A_257 {strides = array<i32>} : memref<1x1x4096xf32, #tpu.memory_space<vmem>>, vector<1x1x4096xf32>,
        %get3A_258 = arith.constant 0 : index
        %get3A_259 = arith.constant 0 : index
        %get3A_260 = arith.constant 0 : index
        %get3A_261 = vector.load %arg11[%get3A_258, %get3A_259, %get3A_260] : memref<1x1x4096xf32, #tpu.memory_space<vmem>>, vector<1x1x4096xf32>
        %get3A_262 = vector.shape_cast %get3A_261 : vector<1x1x4096xf32> to vector<1x4096xf32>
        %mul3A_263 = arith.mulf %sub3A_210, %convert_element_type3A_74 : vector<1x4096xf32>
        %add3A_264 = arith.addf %get3A_262, %mul3A_263 : vector<1x4096xf32>
        %swap3A_265 = arith.constant 0 : index
        %swap3A_266 = arith.constant 0 : index
        %swap3A_267 = arith.constant 0 : index
        %swap3A_268 = vector.load %arg11[%swap3A_265, %swap3A_266, %swap3A_267] : memref<1x1x4096xf32, #tpu.memory_space<vmem>>, vector<1x1x4096xf32>
        %swap3A_269 = vector.shape_cast %swap3A_268 : vector<1x1x4096xf32> to vector<1x4096xf32>
        %swap3A_270 = vector.shape_cast %add3A_264 : vector<1x4096xf32> to vector<1x1x4096xf32>
        tpu.vector_store %arg11[%swap3A_265, %swap3A_266, %swap3A_267], %swap3A_270 {strides = array<i32>} : memref<1x1x4096xf32, #tpu.memory_space<vmem>>, vector<1x1x4096xf32>,
      } else {
      }
      %or3A_236 = arith.ori %gt3A_72, %ge3A_48 : vector<1x4096xi1>
      %jit3A_237 = arith.constant 0.000000e+00 : f32
      %broadcast_in_dim3A_238 = vector.broadcast %jit3A_237 : f32 to vector<1x4096xf32>
      %select_n3A_239 = arith.select %or3A_236, %broadcast_in_dim3A_238, %sub3A_210 : vector<1x4096xi1>, vector<1x4096xf32>
      %swap3A = arith.constant 0 : index
      %swap3A_240 = arith.constant 0 : index
      %swap3A_241 = arith.constant 0 : index
      %swap3A_242 = arith.constant 0 : index
      %swap3A_243 = vector.load %arg8[%swap3A, %swap3A_240, %swap3A_241, %swap3A_242] : memref<1x1x1x4096xf32, #tpu.memory_space<vmem>>, vector<1x1x1x4096xf32>
      %swap3A_244 = vector.shape_cast %swap3A_243 : vector<1x1x1x4096xf32> to vector<1x4096xf32>
      %swap3A_245 = vector.shape_cast %select_n3A_239 : vector<1x4096xf32> to vector<1x1x1x4096xf32>
      tpu.vector_store %arg8[%swap3A, %swap3A_240, %swap3A_241, %swap3A_242], %swap3A_245 {strides = array<i32>} : memref<1x1x1x4096xf32, #tpu.memory_space<vmem>>, vector<1x1x1x4096xf32>,
    } else {
    }
    return
  }
  func.func @transform_0(%arg0: i32, %arg1: i32, %arg2: i32) -> (i32, i32) {
    %c0_i32 = arith.constant 0 : i32
    %c0_i32_0 = arith.constant 0 : i32
    return %c0_i32, %arg2 : i32, i32
  }
  func.func @transform_1(%arg0: i32, %arg1: i32, %arg2: i32) -> (i32, i32, i32) {
    %c0_i32 = arith.constant 0 : i32
    %c0_i32_0 = arith.constant 0 : i32
    %c0_i32_1 = arith.constant 0 : i32
    return %arg0, %c0_i32, %c0_i32_0 : i32, i32, i32
  }
  func.func @transform_2(%arg0: i32, %arg1: i32, %arg2: i32) -> (i32, i32, i32) {
    %c0_i32 = arith.constant 0 : i32
    %c0_i32_0 = arith.constant 0 : i32
    %c0_i32_1 = arith.constant 0 : i32
    return %arg0, %c0_i32, %c0_i32_0 : i32, i32, i32
  }
  func.func @transform_3(%arg0: i32, %arg1: i32, %arg2: i32) -> (i32, i32, i32) {
    %eq3A = arith.constant 0 : i32
    %eq3A_0 = arith.cmpi eq, %arg1, %eq3A : i32
    %jit3A = arith.constant 0 : i32
    %select_n3A = arith.select %eq3A_0, %jit3A, %arg2 : i32
    %c0_i32 = arith.constant 0 : i32
    %c0_i32_1 = arith.constant 0 : i32
    return %arg0, %c0_i32, %select_n3A : i32, i32, i32
  }
  func.func @transform_4(%arg0: i32, %arg1: i32, %arg2: i32) -> (i32, i32, i32) {
    %eq3A = arith.constant 0 : i32
    %eq3A_0 = arith.cmpi eq, %arg1, %eq3A : i32
    %jit3A = arith.constant 0 : i32
    %select_n3A = arith.select %eq3A_0, %jit3A, %arg2 : i32
    %c0_i32 = arith.constant 0 : i32
    %c0_i32_1 = arith.constant 0 : i32
    return %arg0, %c0_i32, %select_n3A : i32, i32, i32
  }
  func.func @transform_5(%arg0: i32, %arg1: i32, %arg2: i32) -> (i32, i32, i32, i32) {
    %c0_i32 = arith.constant 0 : i32
    %c0_i32_0 = arith.constant 0 : i32
    %c0_i32_1 = arith.constant 0 : i32
    return %arg0, %arg2, %c0_i32, %c0_i32_0 : i32, i32, i32, i32
  }
  func.func @transform_6(%arg0: i32, %arg1: i32, %arg2: i32) -> (i32, i32, i32) {
    %c0_i32 = arith.constant 0 : i32
    %c0_i32_0 = arith.constant 0 : i32
    %c0_i32_1 = arith.constant 0 : i32
    return %arg0, %c0_i32, %c0_i32_0 : i32, i32, i32
  }
  func.func @transform_7(%arg0: i32, %arg1: i32, %arg2: i32) -> (i32, i32, i32) {
    %c0_i32 = arith.constant 0 : i32
    %c0_i32_0 = arith.constant 0 : i32
    %c0_i32_1 = arith.constant 0 : i32
    %c0_i32_2 = arith.constant 0 : i32
    return %c0_i32, %c0_i32_0, %c0_i32_1 : i32, i32, i32
  }
  func.func @transform_8(%arg0: i32, %arg1: i32, %arg2: i32) -> (i32, i32, i32) {
    %c0_i32 = arith.constant 0 : i32
    %c0_i32_0 = arith.constant 0 : i32
    %c0_i32_1 = arith.constant 0 : i32
    %c0_i32_2 = arith.constant 0 : i32
    return %c0_i32, %c0_i32_0, %c0_i32_1 : i32, i32, i32
  }
}

</mosaic_0001>

<sc_bundles>
// kernel: kernel.4.cloned.1.call-start
scs
__scs_entry_jumppad:
0x0: {  	(pc) =	sbr.rel $0x88, $3  }
0x1: {  	(tag) =	ssettag $0x0;
	lr =	simm.s32 $0x1  }
0x2: {  	[smem:$0x3F9C] =	sst lr;
	_ =	strace $0xD0000000  }
0x3: {  	_ = 	snop  }
0x4: {  	_ = 	snop  }
0x5: {  	_ = 	snop  }
0x6: {  	_ = 	snop  }
0x7: {  	_ = 	snop  }
__scs_overlays_trampoline_lowered:
0x8: {  	[smem:$0x3FAB] =	sst s0  }
0x9: {  	[smem:$0x3FAC] =	sst s1  }
0xa: {  	[smem:$0x3FAD] =	sst s2  }
0xb: {  	[smem:$0x3FAE] =	sst s3  }
0xc: {  	[smem:$0x3FAF] =	sst s4  }
0xd: {  	[smem:$0x3FB0] =	sst s5  }
0xe: {  	[smem:$0x3FB1] =	sst s6  }
0xf: {  	[smem:$0x3FB2] =	sst s7  }
0x10: {  	[smem:$0x3FB3] =	sst s8  }
0x11: {  	[smem:$0x3FB4] =	sst s9;
	s0 =	simm.s32 @!p0 $0x0  }
0x12: {  	s1 =	sld [smem:$0x3F9A];
	s0 =	simm.s32 @p0 $0x1  }
0x13: {  	[smem:$0x3FB5] =	sst s0;
	s0 =	simm.s32 @!p1 $0x0  }
0x14: {  	s2 =	sld [smem:$0x3F99];
	s0 =	simm.s32 @p1 $0x1  }
0x15: {  	[smem:$0x3FB6] =	sst s0;
	s0 =	simm.s32 @!p2 $0x0  }
0x16: {  	s3 =	sld [smem:$0x3FDB];
	s0 =	simm.s32 @p2 $0x1  }
0x17: {  	s4 =	simm.s32 $0x1BF5;
	[smem:$0x3FB8] =	sst s0  }
0x18: {  	s0 =	sld [smem:$0x3F9B];
	_ =	swait.ge [sflag:s4], $0x0  }
0x19: {  	s7 =	sld [smem:$0x3F9C]  }
0x1a: {  	s8 =	sadd.s32 $0xFFFFE003, lr  }
0x1b: {  	s9 =	sadd.s32 $0xFFFFFEF7, lr;
	s5 =	simm.s32 $0xFFFFFFFF;
	p2 =	slt.u32 s8, $0xFFFFF086  }
0x1c: {  	p1 =	slt.u32 s9, $0xF7A;
	s5 =	simm.s32 @!p2 $0x0  }
0x1d: {  	s5 =	simm.s32 @p1 $0x1;
	p0 =	seq.s32 s7, s2  }
0x1e: {  	s7 =	smul.u32 @!p0 $0xF7A, s2;
	p2 =	seq.s32 @!p0 s5, $0x0  }
0x1f: {  	s9 =	smul.u32 $0xF7A, s1;
	s8 =	simm.s32 @!p0 $0x1BF5;
	p2 =	por !p2, p0  }
0x20: {  	[sflag:s8] =	ssyncset.s32 @!p0 $0xFFFFF086;
	s6 =	sadd.s32 @!p0 s3, s7;
	s7 =	simm.s32 @!p0 $0x108  }
0x21: {  	s3 =	sadd.s32 s3, s9;
	s6 =	sadd.s32 @!p0 $0x88, s6;
	s7 =	simm.s32 @p2 $0x1082  }
0x22: {  	[simem:s7], [sflag:s8] =	dma.local @!p0 [hbm:s6], $0xF7A  }
0x23: {  	s9 =	sor.u32 $0xD0000000, s2;
	s6 =	simm.s32 $0x108;
	_ =	swait.ge @!p0 [sflag:s8], $0x0  }
0x24: {  	s3 =	sadd.s32 $0x88, s3;
	s6 =	simm.s32 @!p1 $0x1082;
	[sflag:s4] =	ssyncset.s32 $0xFFFFF086  }
0x25: {  	[simem:s6], [sflag:s4] =	dma.local [hbm:s3], $0xF7A  }
0x26: {  	[smem:$0x3F9C] =	sst s1;
	(tag) =	ssettag s2;
	_ =	strace s9  }
0x27: {  	s1 =	sld [smem:$0x3FAC]  }
0x28: {  	s2 =	sld [smem:$0x3FAD]  }
0x29: {  	s4 =	sld [smem:$0x3FAF]  }
0x2a: {  	p0 =	seq.s32 s5, $0x0;
	s5 =	sld [smem:$0x3FB0]  }
0x2b: {  	s6 =	sld [smem:$0x3FB1]  }
0x2c: {  	s7 =	sld [smem:$0x3FB2]  }
0x2d: {  	s3 =	simm.s32 $0x108;
	s8 =	sld [smem:$0x3FB3]  }
0x2e: {  	s3 =	simm.s32 @!p0 $0x1082;
	s9 =	sld [smem:$0x3FB4]  }
0x2f: {  	lr =	sadd.s32 s0, s3;
	s0 =	sld [smem:$0x3FAB]  }
0x30: {  	s3 =	sld [smem:$0x3FAE]  }
0x31: {  	[smem:$0x3FB7] =	sst s10  }
0x32: {  	s10 =	sld [smem:$0x3FB5];
	_ =	sdelay $0x3  }
0x33: {  	p0 =	seq.s32 s10, $0x1;
	s10 =	sld [smem:$0x3FB7];
	_ =	sdelay $0x3  }
0x34: {  	[smem:$0x3FB7] =	sst s10  }
0x35: {  	s10 =	sld [smem:$0x3FB6];
	_ =	sdelay $0x3  }
0x36: {  	p1 =	seq.s32 s10, $0x1;
	s10 =	sld [smem:$0x3FB7];
	_ =	sdelay $0x3  }
0x37: {  	[smem:$0x3FB7] =	sst s10  }
0x38: {  	s10 =	sld [smem:$0x3FB8]  }
0x39: {  	_ = 	snop;
	(pc) =	sbr.ind lr, $3  }
0x3a: {  	_ = 	snop  }
0x3b: {  	_ = 	snop  }
0x3c: {  	p2 =	seq.s32 s10, $0x1;
	s10 =	sld [smem:$0x3FB7]  }
0x3d: {  	_ =	shalt  }
0x3e: {  	_ =	shalt  }
0x3f: {  	_ =	shalt  }
0x40: {  	_ =	shalt  }
0x41: {  	_ =	shalt  }
0x42: {  	_ =	shalt  }
0x43: {  	_ =	shalt  }
0x44: {  	_ =	shalt  }
0x45: {  	_ =	shalt  }
0x46: {  	_ =	shalt  }
0x47: {  	_ =	shalt  }
0x48: {  	_ =	shalt  }
0x49: {  	_ =	shalt  }
0x4a: {  	_ =	shalt  }
0x4b: {  	_ =	shalt  }
0x4c: {  	_ =	shalt  }
0x4d: {  	_ =	shalt  }
0x4e: {  	_ =	shalt  }
0x4f: {  	_ =	shalt  }
0x50: {  	_ =	shalt  }
0x51: {  	_ =	shalt  }
0x52: {  	_ =	shalt  }
0x53: {  	_ =	shalt  }
0x54: {  	_ =	shalt  }
0x55: {  	_ =	shalt  }
0x56: {  	_ =	shalt  }
0x57: {  	_ =	shalt  }
0x58: {  	_ =	shalt  }
0x59: {  	_ =	shalt  }
0x5a: {  	_ =	shalt  }
0x5b: {  	_ =	shalt  }
0x5c: {  	_ =	shalt  }
0x5d: {  	_ =	shalt  }
0x5e: {  	_ =	shalt  }
0x5f: {  	_ =	shalt  }
0x60: {  	_ =	shalt  }
0x61: {  	_ =	shalt  }
0x62: {  	_ =	shalt  }
0x63: {  	_ =	shalt  }
0x64: {  	_ =	shalt  }
0x65: {  	_ =	shalt  }
0x66: {  	_ =	shalt  }
0x67: {  	_ =	shalt  }
0x68: {  	_ =	shalt  }
0x69: {  	_ =	shalt  }
0x6a: {  	_ =	shalt  }
0x6b: {  	_ =	shalt  }
0x6c: {  	_ =	shalt  }
0x6d: {  	_ =	shalt  }
0x6e: {  	_ =	shalt  }
0x6f: {  	_ =	shalt  }
0x70: {  	_ =	shalt  }
0x71: {  	_ =	shalt  }
0x72: {  	_ =	shalt  }
0x73: {  	_ =	shalt  }
0x74: {  	_ =	shalt  }
0x75: {  	_ =	shalt  }
0x76: {  	_ =	shalt  }
0x77: {  	_ =	shalt  }
0x78: {  	_ =	shalt  }
0x79: {  	_ =	shalt  }
0x7a: {  	_ =	shalt  }
0x7b: {  	_ =	shalt  }
0x7c: {  	_ =	shalt  }
0x7d: {  	_ =	shalt  }
0x7e: {  	_ =	shalt  }
0x7f: {  	_ =	shalt  }
0x80: {  	_ =	shalt  }
0x81: {  	_ =	shalt  }
0x82: {  	_ =	shalt  }
0x83: {  	_ =	shalt  }
0x84: {  	_ =	shalt  }
0x85: {  	_ =	shalt  }
0x86: {  	_ =	shalt  }
0x87: {  	_ =	shalt  }
.Lfunc_end0:
.L_simem_size_0:
called_computation_lowered:
.L_overlay_start_0:
0x88: {  	s2 =	sld [smem:$0x3FD9]  }
0x89: {  	s3 =	sld [smem:$0x3FFE];
	_ =	sdelay $0x1  }
0x8a: {  	s1 =	srdreg.scid  }
0x8b: {  	s0 =	sand.u32 $0x1, s1  }
0x8c: {  	s16 =	sshll.u32 s0, $0xA;
	s2 =	sadd.s32 s3, s2  }
0x8d: {  	s2 =	sadd.s32 s2, s16  }
0x8e: {  	[smem:$0x3FC3] =	sst s2  }
0x8f: {  	_ = 	snop  }
0x90: {  	(tm) =	ssettm $0x1  }
0x91: {  	s17 =	sld [smem:$0x3FFB];
	_ =	sdelay $0x3  }
0x92: {  	_ =	strace s17  }
0x93: {  	s2 =	sld [smem:$0x3FFC];
	_ =	sdelay $0x3  }
0x94: {  	_ =	strace s2  }
0x95: {  	s2 =	sld [smem:$0x3FFD];
	_ =	sdelay $0x3  }
0x96: {  	_ =	strace s2  }
0x97: {  	_ =	strace $0x8FFFFFFF  }
0x98: {  	s18 =	sld [smem:$0x3FDB];
	_ =	sdelay $0x1  }
0x99: {  	s19 =	simm.s32 $_scs_section_size  }
0x9a: {  	s4 =	simm.s32 $_size__tile_overlayer_lowered;
	s5 =	simm.s32 $_tile_overlayer_lowered  }
0x9b: {  	s22 =	simm.s32 $0x1BFF;
	s21 =	sshll.u32 s5, $0x1;
	s2 =	sadd.s32 s19, s18  }
0x9c: {  	s6 =	simm.s32 $0x0;
	s20 =	sshll.u32 s4, $0x1;
	s4 =	sadd.s32 s21, s2  }
0x9d: {  	[timem:s6], [sflag:s22] =	dma.local [hbm:s4], s20  }
0x9e: {  	_ =	swait.ge [sflag:s22], s20  }
0x9f: {  	s3 =	ssub.s32 $0x0, s20;
	[sflag:s22] =	ssyncset.done $0x0  }
0xa0: {  	[sflag:s22] =	ssyncadd.s32 s3;
	_ =	sdelay $0x1  }
0xa1: {  	s23 =	simm.s32 $0x1B8B  }
0xa2: {  	_ =	swait.ge [sflag:s23], $0x1  }
0xa3: {  	[sflag:s23] =	ssyncset.done $0x0  }
0xa4: {  	s25 =	simm.s32 $0x1B8E;
	s24 =	sld [smem:$0x3FFE];
	[sflag:s23] =	ssyncadd.s32 $0xFFFFFFFF  }
0xa5: {  	s26 =	simm.s32 $execute0_lowered;
	[smem:$0x3FD2] =	sst s25  }
0xa6: {  	s4 =	sshll.u32 s26, $0x1;
	_ =	strace $0x80000046;
	[dreg:$0x1] =	wrdreg $0xFFFFFFFF  }
0xa7: {  	s28 =	simm.s32 $_size_execute0_lowered;
	s2 =	sadd.s32 s2, s4;
	[dreg:$0x0] =	wrdreg $0x0  }
0xa8: {  	s4 =	sshll.u32 s28, $0x1;
	[dreg:$0x2] =	wrdreg s2  }
0xa9: {  	[dreg:$0x3] =	wrdreg s4  }
0xaa: {  	[dreg:$0x4] =	wrdreg $0xC0  }
0xab: {  	_ =	task [dreg:s6], $0x5FFFF  }
0xac: {  	[dreg:$0x1] =	wrdreg $0xFFFFFFFF  }
0xad: {  	[dreg:$0x0] =	wrdreg $0x60  }
0xae: {  	[dreg:$0x2] =	wrdreg s24  }
0xaf: {  	[dreg:$0x3] =	wrdreg $0x9  }
0xb0: {  	_ =	task.clear_ibuf [dreg:s6], $0x4FFFF;
	_ =	strace $0x90000046  }
0xb1: {  	s29 =	simm.s32 $0x9;
	_ =	strace $0x80000048  }
0xb2: {  	_ =	swait.ge [sflag:s29], $0x1  }
0xb3: {  	[sflag:s29] =	ssyncadd.s32 $0xFFFFFFFF  }
0xb4: {  	_ =	strace $0x90000048  }
0xb5: {  	_ =	sfence  }
0xb6: {  	s30 =	sld [smem:$0x0];
	_ =	sdelay $0x2  }
0xb7: {  	s31 =	sshll.u32 s1, $0xD;
	s1 =	sshrl.u32 s1, $0x2  }
0xb8: {  	s3 =	sand.u32 $0x4000, s31;
	s1 =	sadd.s32 s1, s30  }
0xb9: {  	s0 =	sor.u32 s3, s0;
	s1 =	sshll.u32 s1, $0x11  }
0xba: {  	s0 =	sor.u32 s1, s0  }
0xbb: {  	s0 =	sadd.s32 $0x8F2B, s0  }
0xbc: {  	[sflag:s0] =	ssyncadd.remote.s32 $0x1  }
0xbd: {  	_ =	sfence.sel $0xFFFF  }
0xbe: {  	[dreg:$0x0] =	wrdreg $0xFFFFFFFF;
	(pc) =	sbr.abs _section_cstart, $3  }
0xbf: {  	[dreg:$0x1] =	wrdreg $0xFFFFFFFF  }
0xc0: {  	_ =	task.clear_ibuf [dreg:s6], $0x2FFFF;
	_ =	strace $0x9FFFFFFF  }
0xc1: {  	(tm) =	ssettm $0x7FFFFFFF  }
tec
execute0_lowered:
.L_overlay_start_1:
0x0: {  	(tag) =	ssettag $0x1  }
0x1: {  	s1 =	srdreg.scid;
	s0 =	stileid.u32;
	v0 =	vimm.f32 $1.500000000e+01;
	vm0 =	vcmask $0x300  }
0x2: {  	s2 =	rddreg [dreg:$0x0];
	s11 =	simm.s32 $0x80;
	s12 =	simm.s32 $0x400;
	v0 =	vsel vm0, $0x0, v0;
	vm0 =	vcmask $0x704  }
0x3: {  	vm1 =	vcmask $0xB08;
	s13 =	simm.s32 $0x1;
	s14 =	simm.s32 $0x5000;
	s15 =	simm.s32 $0x6000;
	v0 =	vsel vm0, $0x3F800000, v0  }
0x4: {  	s16 =	simm.s32 $0x6800;
	s17 =	simm.s32 $0x6C00;
	s18 =	simm.s32 $0x7000;
	v0 =	vsel vm1, $0x40000000, v0;
	vm1 =	vcmask $0xF0C  }
0x5: {  	s1 =	sand.u32 $0x1, s1;
	s3 =	sshll.u32 s0, $0x1;
	s4 =	sshrl.u32 s0, $0x2;
	v0 =	vsel vm1, $0x40400000, v0;
	vm1 =	vcmask $0x1310  }
0x6: {  	p0 =	sgt.u32 s0, $0x7;
	s19 =	sor.u32 s1, s3;
	s3 =	simm.s32 $0x0;
	v0 =	vsel vm1, $0x40800000, v0;
	vm1 =	vcmask $0x1714  }
0x7: {  	s6 =	smul.u32 $0x28000, s4;
	s7 =	sshll.u32 s4, $0xF;
	s4 =	sshll.u32 s4, $0xA;
	v0 =	vsel vm1, $0x40A00000, v0;
	vm1 =	vcmask $0x1B18  }
0x8: {  	s1 =	ssub.s32 $0x2, s1;
	s5 =	sshll.u32 s19, $0x7;
	[smem:$0x7FF] =	sst s3;
	v0 =	vsel vm1, $0x40C00000, v0;
	vm1 =	vcmask $0x1F1C  }
0x9: {  	s9 =	sshrl.u32 s1, $0x1;
	p1 =	seq.s32 s19, $0x11;
	p2 =	sne.s32 s19, $0x10;
	v0 =	vsel vm1, $0x40E00000, v0;
	vm1 =	vcmask $0x2320  }
0xa: {  	s19 =	simm.s32 $0x0;
	s5 =	sand.u32 $0x380, s5;
	_ =	strace $0x80000047;
	v0 =	vsel vm1, $0x41000000, v0;
	vm1 =	vcmask $0x2724  }
0xb: {  	s1 =	ssub.s32 s1, s9;
	s9 =	sadd.s32 $0xC610, s2;
	s6 =	sor.u32 s6, s5;
	v0 =	vsel vm1, $0x41100000, v0;
	vm1 =	vcmask $0x2B28  }
.Ltmp0:
0xc: {  	s7 =	sor.u32 s7, s5;
	s5 =	sor.u32 s4, s5;
	v0 =	vsel vm1, $0x41200000, v0;
	vm1 =	vcmask $0x2F2C;
	(pc) =	sbr.rel .LBB2_1-.Ltmp0, $4  }
0xd: {  	s4 =	sadd.s32 $0x200, s2;
	s10 =	smax.u32 s1, $0x1;
	s6 =	sshrl.u32 s6, $0x3;
	v1 =	vsel vm1, $0x41300000, v0;
	vm1 =	vcmask $0x3330  }
0xe: {  	v4 =	vlaneseq.u32;
	s7 =	sshrl.u32 s7, $0x3;
	s5 =	sshrl.u32 s5, $0x3;
	s6 =	sadd.s32 s6, s2;
	v2 =	vsel vm1, $0x41400000, v1;
	vm1 =	vcmask $0x3734  }
0xf: {  	s7 =	sadd.s32 s7, s2;
	s8 =	sadd.s32 s5, s2;
	s5 =	sadd.s32 $0xC600, s2;
	v0 =	vimm.f32 $0.0e+00;
	v3 =	vsel vm1, $0x41500000, v2;
	vm1 =	vcmask $0x3B38  }
0x10: {  	s6 =	sadd.s32 $0x400, s6;
	s7 =	sadd.s32 $0xA400, s7;
	s8 =	sadd.s32 $0xC400, s8;
	v1 =	vimm.f32 $1.000000000e+00;
	v2 =	vimm.s32 $0x0;
	v3 =	vsel vm1, $0x41600000, v3  }
.LBB2_33:
0x11: {  	_ =	swait.ge [sflag:s13], $0x80  }
0x12: {  	[sflag:s13] =	ssyncset.done $0x0  }
0x13: {  	[sflag:s13] =	ssyncadd.s32 $0xFFFFFF80  }
.LBB2_34:
0x14: {  	s19 =	sadd.s32 $0x1, s19  }
0x15: {  	p3 =	sne.s32 s19, s10  }
.Ltmp1:
0x16: {  	_ = 	snop;
	(pc) =	sbr.rel @!p3 .LBB2_35-.Ltmp1, $1  }
0x17: {  	_ =	sdelay $0x3  }
.LBB2_1:
.Ltmp2:
0x18: {  	(pc) =	sbr.rel @p0 .LBB2_25-.Ltmp2, $1  }
0x19: {  	_ =	sdelay $0x3  }
0x1a: {  	s1 =	simm.s32 $0x0  }
0x1b: {  	[tilespmem:s1], [sflag:$0x1] =	stream.strided.gather [hbm4b:s6+s11], $0x5000, s12, s11, $0x38;
	[tilespmem:$0x7080] =	vst v63  }
0x1c: {  	_ =	swait.ge [sflag:s13], $0x5000  }
0x1d: {  	[sflag:s13] =	ssyncset.done $0x0  }
0x1e: {  	[sflag:s13] =	ssyncadd.s32 $0xFFFFB000  }
0x1f: {  	[tilespmem:s14], [sflag:$0x1] =	stream.strided.gather [hbm4b:s7+s11], $0x1000, s12, s11, $0x38;
	[tilespmem:$0x7080] =	vst v63  }
0x20: {  	_ =	swait.ge [sflag:s13], $0x1000  }
0x21: {  	[sflag:s13] =	ssyncset.done $0x0  }
0x22: {  	s20 =	simm.s32 $0x0;
	[sflag:s13] =	ssyncadd.s32 $0xFFFFF000  }
0x23: {  	v5 =	vimm.f32 $0.0e+00;
	s1 =	simm.s32 $0x40;
	v6 =	vld [tilespmem:s20+$0x5000]  }
.LBB2_3:
0x24: {  	p3 =	sne.s32 s1, $0x3FC0  }
.Ltmp3:
0x25: {  	_ = 	snop;
	(pc) =	sbr.rel @p3 .LBB2_3-.Ltmp3, $3  }
0x26: {  	_ =	sdelay $0x1  }
0x27: {  	s20 =	sshra.s32 s1, $0x2;
	s1 =	sadd.s32 $0x40, s1;
	v5 =	vadd.f32 v6, v5  }
0x28: {  	v6 =	vld [tilespmem:s20+$0x5000]  }
0x29: {  	_ =	sdelay $0x3  }
0x2a: {  	s1 =	simm.s32 $0x40;
	s20 =	simm.s32 $0x0;
	v5 =	vadd.f32 v6, v5  }
.LBB2_5:
0x2b: {  	p3 =	sne.s32 s1, $0x1FC0;
	[tilespmem:s20+$0x6000] =	vst v0;
	s20 =	smov.u32 s1;
	s1 =	sadd.s32 $0x40, s1  }
.Ltmp4:
0x2c: {  	(pc) =	sbr.rel @p3 .LBB2_5-.Ltmp4, $2  }
0x2d: {  	_ =	sdelay $0x2  }
0x2e: {  	s20 =	sshra.s32 s20, $0x2  }
0x2f: {  	[tilespmem:s20+$0x6000] =	vst v0;
	s1 =	simm.s32 $0x0;
	s20 =	simm.s32 $0x40;
	s21 =	simm.s32 $0x0  }
.LBB2_7:
0x30: {  	p3 =	sne.s32 s20, $0xFC0;
	[tilespmem:s21+$0x6800] =	vst v0;
	s21 =	smov.u32 s20;
	s20 =	sadd.s32 $0x40, s20  }
.Ltmp5:
0x31: {  	(pc) =	sbr.rel @p3 .LBB2_7-.Ltmp5, $2  }
0x32: {  	_ =	sdelay $0x2  }
0x33: {  	s21 =	sshra.s32 s21, $0x2  }
0x34: {  	[tilespmem:s21+$0x6800] =	vst v0  }
.LBB2_9:
0x35: {  	p3 =	seq.s32 s1, $0xFC0  }
.Ltmp6:
0x36: {  	_ = 	snop;
	(pc) =	sbr.rel @!p3 .LBB2_9-.Ltmp6, $3  }
0x37: {  	_ =	sdelay $0x1  }
0x38: {  	s20 =	sshra.s32 s1, $0x2  }
0x39: {  	s1 =	sadd.s32 $0x40, s1;
	[tilespmem:s20+$0x6C00] =	vst v0  }
0x3a: {  	s1 =	simm.s32 $0x0  }
.LBB2_11:
0x3b: {  	s20 =	sshra.s32 s1, $0x2  }
0x3c: {  	v6 =	vld [tilespmem:s20+$0x0];
	_ =	sdelay $0x4  }
0x3d: {  	v6 =	vshrl.u32 v6, $0x14;
	_ =	sdelay $0x4  }
0x3e: {  	[tilespmem:v6+s15+$0x0] =	vst.idx.add.f32.msk $0xffff, v1  }
0x3f: {  	v6 =	vld [tilespmem:s20+$0x10];
	_ =	sdelay $0x4  }
0x40: {  	v6 =	vshrl.u32 v6, $0x14;
	_ =	sdelay $0x4  }
0x41: {  	[tilespmem:v6+s15+$0x0] =	vst.idx.add.f32.msk $0xffff, v1  }
0x42: {  	v6 =	vld [tilespmem:s20+$0x20];
	_ =	sdelay $0x4  }
0x43: {  	v6 =	vshrl.u32 v6, $0x14;
	_ =	sdelay $0x4  }
0x44: {  	[tilespmem:v6+s15+$0x0] =	vst.idx.add.f32.msk $0xffff, v1  }
0x45: {  	v6 =	vld [tilespmem:s20+$0x30];
	_ =	sdelay $0x4  }
0x46: {  	v6 =	vshrl.u32 v6, $0x14;
	_ =	sdelay $0x4  }
0x47: {  	[tilespmem:v6+s15+$0x0] =	vst.idx.add.f32.msk $0xffff, v1  }
0x48: {  	v6 =	vld [tilespmem:s20+$0x40];
	_ =	sdelay $0x4  }
0x49: {  	v6 =	vshrl.u32 v6, $0x14;
	_ =	sdelay $0x4  }
0x4a: {  	[tilespmem:v6+s15+$0x0] =	vst.idx.add.f32.msk $0xffff, v1  }
0x4b: {  	v6 =	vld [tilespmem:s20+$0x50];
	_ =	sdelay $0x4  }
0x4c: {  	v6 =	vshrl.u32 v6, $0x14;
	_ =	sdelay $0x4  }
0x4d: {  	[tilespmem:v6+s15+$0x0] =	vst.idx.add.f32.msk $0xffff, v1  }
0x4e: {  	v6 =	vld [tilespmem:s20+$0x60];
	_ =	sdelay $0x4  }
0x4f: {  	v6 =	vshrl.u32 v6, $0x14;
	_ =	sdelay $0x4  }
0x50: {  	[tilespmem:v6+s15+$0x0] =	vst.idx.add.f32.msk $0xffff, v1  }
0x51: {  	v6 =	vld [tilespmem:s20+$0x70];
	_ =	sdelay $0x4  }
0x52: {  	v6 =	vshrl.u32 v6, $0x14;
	_ =	sdelay $0x4  }
0x53: {  	[tilespmem:v6+s15+$0x0] =	vst.idx.add.f32.msk $0xffff, v1  }
0x54: {  	v6 =	vld [tilespmem:s20+$0x80];
	_ =	sdelay $0x4  }
0x55: {  	v6 =	vshrl.u32 v6, $0x14;
	_ =	sdelay $0x4  }
0x56: {  	[tilespmem:v6+s15+$0x0] =	vst.idx.add.f32.msk $0xffff, v1  }
0x57: {  	v6 =	vld [tilespmem:s20+$0x90];
	_ =	sdelay $0x4  }
0x58: {  	v6 =	vshrl.u32 v6, $0x14;
	_ =	sdelay $0x4  }
0x59: {  	[tilespmem:v6+s15+$0x0] =	vst.idx.add.f32.msk $0xffff, v1  }
0x5a: {  	v6 =	vld [tilespmem:s20+$0xA0];
	_ =	sdelay $0x4  }
0x5b: {  	v6 =	vshrl.u32 v6, $0x14;
	_ =	sdelay $0x4  }
0x5c: {  	[tilespmem:v6+s15+$0x0] =	vst.idx.add.f32.msk $0xffff, v1  }
0x5d: {  	v6 =	vld [tilespmem:s20+$0xB0];
	_ =	sdelay $0x4  }
0x5e: {  	v6 =	vshrl.u32 v6, $0x14;
	_ =	sdelay $0x4  }
0x5f: {  	[tilespmem:v6+s15+$0x0] =	vst.idx.add.f32.msk $0xffff, v1  }
0x60: {  	v6 =	vld [tilespmem:s20+$0xC0];
	_ =	sdelay $0x4  }
0x61: {  	v6 =	vshrl.u32 v6, $0x14;
	_ =	sdelay $0x4  }
0x62: {  	[tilespmem:v6+s15+$0x0] =	vst.idx.add.f32.msk $0xffff, v1  }
0x63: {  	v6 =	vld [tilespmem:s20+$0xD0];
	_ =	sdelay $0x4  }
0x64: {  	v6 =	vshrl.u32 v6, $0x14;
	_ =	sdelay $0x4  }
0x65: {  	[tilespmem:v6+s15+$0x0] =	vst.idx.add.f32.msk $0xffff, v1  }
0x66: {  	v6 =	vld [tilespmem:s20+$0xE0];
	_ =	sdelay $0x4  }
0x67: {  	v6 =	vshrl.u32 v6, $0x14;
	_ =	sdelay $0x4  }
0x68: {  	[tilespmem:v6+s15+$0x0] =	vst.idx.add.f32.msk $0xffff, v1  }
0x69: {  	v6 =	vld [tilespmem:s20+$0xF0];
	_ =	sdelay $0x4  }
0x6a: {  	p3 =	seq.s32 s1, $0x13C00;
	v6 =	vshrl.u32 v6, $0x14  }
.Ltmp7:
0x6b: {  	_ = 	snop;
	(pc) =	sbr.rel @!p3 .LBB2_11-.Ltmp7, $2  }
0x6c: {  	_ =	sdelay $0x2  }
0x6d: {  	s1 =	sadd.s32 $0x400, s1;
	[tilespmem:v6+s15+$0x0] =	vst.idx.add.f32.msk $0xffff, v1  }
0x6e: {  	s22 =	simm.s32 $0x67F0  }
0x6f: {  	v7 =	vld [tilespmem:s22+$0x0]  }
0x70: {  	(xrf2) =	vadd.scan.msk.f32 $0xffff, v5;
	_ =	sdelay $0x3  }
0x71: {  	(xrf2) =	vadd.scan.msk.f32 $0xffff, v7;
	_ =	sdelay $0x4  }
0x72: {  	s30 =	simm.s32 $0x67E0  }
0x73: {  	v8 =	vld [tilespmem:s30+$0x0];
	v5, _, _ =	vpop (xrf2)  }
0x74: {  	(v2sf) =	vpush v5, $0xF;
	_ =	sdelay $0x1  }
0x75: {  	s31 =	simm.s32 $0x67D0  }
0x76: {  	v10 =	vld [tilespmem:s31+$0x0];
	v9, _, _ =	vpop (xrf2)  }
0x77: {  	(xrf2) =	vadd.scan.msk.f32 $0xffff, v8;
	(v2sf) =	vpush v9, $0xF;
	_ =	sdelay $0x3  }
0x78: {  	(xrf2) =	vadd.scan.msk.f32 $0xffff, v10;
	_ =	sdelay $0x3  }
0x79: {  	v12 =	vbroadcast v9, $0xF;
	_ =	sdelay $0x1  }
0x7a: {  	v13, _, _ =	vpop (xrf2);
	v9 =	vsub.f32 v12, v9  }
0x7b: {  	s21 =	simm.f32 $0.0e+00;
	s0 =	simm.s32 $0x67C0;
	(v2sf) =	vpush v13, $0xF;
	s1 =	spop (v2sf)  }
0x7c: {  	v11 =	vld [tilespmem:s0+$0x0];
	v9 =	vadd.f32 s21, v9;
	s1 =	smul.f32 $3.000000000e+00, s1;
	_ =	sdelay $0x1  }
0x7d: {  	v14, _, _ =	vpop (xrf2);
	v12 =	vbroadcast v13, $0xF;
	v7 =	vadd.f32 v9, v7;
	s20 =	smin.f32 s1, $2.000000000e+04  }
0x7e: {  	(v2sf) =	vpush v14, $0xF;
	v6 =	vmov s20;
	s2 =	spop (v2sf)  }
0x7f: {  	v12 =	vsub.f32 v12, v13;
	vm1 =	vlt.f32 v9, v6;
	vm2 =	vge.f32 v7, v6;
	s22 =	sadd.f32 s2, s21  }
0x80: {  	s28 =	simm.s32 $0x7F0;
	(xrf2) =	vadd.scan.msk.f32 $0xffff, v11;
	vm1 =	vmand vm1, vm2  }
0x81: {  	s1 =	scvt.s32.f32 s28;
	v15 =	vsel vm1, $0x3F800000, v2;
	v12 =	vadd.f32 s22, v12  }
0x82: {  	v9 =	vmul.f32 v15, v9  }
0x83: {  	s23 =	simm.s32 $0x67B0;
	v13 =	vadd.f32 s1, v3;
	v8 =	vadd.f32 v12, v8  }
0x84: {  	v7 =	vld [tilespmem:s23+$0x0];
	s23 =	simm.s32 $0x7E0;
	(xrf2) =	vadd.scan.msk.f32 $0xffff, v9  }
0x85: {  	s1 =	scvt.s32.f32 s23;
	vm1 =	vlt.f32 v12, v6;
	vm2 =	vge.f32 v8, v6;
	v8 =	vmul.f32 v15, v13  }
0x86: {  	vm1 =	vmand vm1, vm2  }
0x87: {  	v15 =	vadd.f32 s1, v3;
	v9 =	vsel vm1, $0x3F800000, v2;
	(xrf2) =	vadd.scan.msk.f32 $0xffff, v8  }
0x88: {  	v16 =	vbroadcast v14, $0xF;
	v12 =	vmul.f32 v9, v12  }
0x89: {  	s25 =	spop (v2sf);
	(xrf2) =	vadd.scan.msk.f32 $0xffff, v7;
	v9 =	vmul.f32 v9, v15  }
0x8a: {  	v13, _, _ =	vpop (xrf2);
	s1 =	sadd.f32 s25, s22;
	(xrf2) =	vadd.scan.msk.f32 $0xffff, v12;
	v12 =	vsub.f32 v16, v14  }
0x8b: {  	(xrf2) =	vadd.scan.msk.f32 $0xffff, v9;
	v9 =	vbroadcast v13, $0xF  }
0x8c: {  	v12 =	vadd.f32 s1, v12  }
0x8d: {  	s24 =	simm.s32 $0x67A0;
	s26 =	spop (v2sf);
	(v2sf) =	vpush v13, $0xF;
	v9 =	vsub.f32 v9, v13  }
0x8e: {  	v8 =	vld [tilespmem:s24+$0x0];
	s22 =	sadd.f32 s26, s1;
	v13, _, _ =	vpop (xrf2);
	v10 =	vadd.f32 v12, v10  }
0x8f: {  	(v2sf) =	vpush v13, $0xF  }
0x90: {  	s28 =	simm.s32 $0x7D0;
	vm1 =	vlt.f32 v12, v6;
	v14 =	vadd.f32 s22, v9;
	vm2 =	vge.f32 v10, v6  }
0x91: {  	s30 =	scvt.s32.f32 s28;
	v9, _, _ =	vpop (xrf2);
	vm1 =	vmand vm1, vm2  }
0x92: {  	v11 =	vadd.f32 v14, v11;
	(v2sf) =	vpush v9, $0xF;
	v13 =	vsel vm1, $0x3F800000, v2  }
0x93: {  	(xrf2) =	vadd.scan.msk.f32 $0xffff, v8;
	v10 =	vadd.f32 s30, v3  }
0x94: {  	v15, _, _ =	vpop (xrf2);
	v12 =	vmul.f32 v13, v12  }
0x95: {  	v10 =	vmul.f32 v13, v10;
	(v2sf) =	vpush v15, $0xF;
	v13, _, _ =	vpop (xrf2)  }
0x96: {  	s24 =	simm.s32 $0x6790;
	vm2 =	vge.f32 v11, v6;
	(xrf2) =	vadd.scan.msk.f32 $0xffff, v12;
	(v2sf) =	vpush v13, $0xF;
	v11, _, _ =	vpop (xrf2)  }
0x97: {  	v9 =	vld [tilespmem:s24+$0x0];
	(v2sf) =	vpush v11, $0xF  }
0x98: {  	s31 =	simm.s32 $0x7C0  }
0x99: {  	s1 =	scvt.s32.f32 s31;
	(xrf2) =	vadd.scan.msk.f32 $0xffff, v10  }
0x9a: {  	vm1 =	vlt.f32 v14, v6  }
0x9b: {  	s23 =	simm.s32 $0x790;
	vm1 =	vmand vm1, vm2;
	v12 =	vadd.f32 s1, v3;
	v13 =	vbroadcast v15, $0xF  }
0x9c: {  	s25 =	simm.s32 $0x7A0;
	s26 =	simm.s32 $0x7B0;
	v63 =	vsel vm1, $0x3F800000, v2;
	s28 =	spop (v2sf);
	(xrf2) =	vadd.scan.msk.f32 $0xffff, v9  }
0x9d: {  	s1 =	simm.s32 $0x780;
	s29 =	sadd.f32 s28, s22;
	s22 =	simm.f32 $0.0e+00;
	v11, _, _ =	vpop (xrf2);
	v10 =	vmul.f32 v63, v12;
	v12 =	vmul.f32 v63, v14;
	v13 =	vsub.f32 v13, v15  }
.LBB2_13:
0x9e: {  	p3 =	sne.s32 s1, $0x0;
	s28 =	spop (v2sf)  }
0x9f: {  	s24 =	sadd.s32 $0xFFFFFFF0, s24;
	(v2sf) =	vpush v11, $0xF;
	v14 =	vadd.f32 s29, v13;
	(xrf2) =	vadd.scan.msk.f32 $0xffff, v12;
	s21 =	sadd.f32 s28, s21  }
0xa0: {  	v12 =	vld [tilespmem:s24+$0x0];
	v13, _, _ =	vpop (xrf2)  }
0xa1: {  	s28 =	scvt.s32.f32 s26;
	s26 =	smov.u32 s25;
	v15 =	vadd.f32 v14, v7;
	(v2sf) =	vpush v13, $0xF;
	s30 =	spop (v2sf);
	v7 =	vmovc v8;
	v8 =	vmov v9  }
.Ltmp8:
0xa2: {  	s25 =	smov.u32 s23;
	(xrf2) =	vadd.scan.msk.f32 $0xffff, v10;
	s22 =	sadd.f32 s30, s22;
	(pc) =	sbr.rel @p3 .LBB2_13-.Ltmp8, $4  }
0xa3: {  	s23 =	smov.u32 s1;
	vm1 =	vlt.f32 v14, v6;
	v10 =	vadd.f32 s28, v3;
	vm2 =	vge.f32 v15, v6;
	v9, _, _ =	vpop (xrf2)  }
0xa4: {  	v13 =	vbroadcast v11, $0xF;
	vm1 =	vmand vm1, vm2;
	(v2sf) =	vpush v9, $0xF  }
0xa5: {  	(xrf2) =	vadd.scan.msk.f32 $0xffff, v12;
	v15 =	vsel vm1, $0x3F800000, v2;
	s28 =	spop (v2sf);
	v9 =	vmov v12  }
0xa6: {  	s1 =	sadd.s32 $0xFFFFFFF0, s1;
	v13 =	vsub.f32 v13, v11;
	v11, _, _ =	vpop (xrf2);
	v10 =	vmul.f32 v15, v10;
	v12 =	vmul.f32 v15, v14;
	s29 =	sadd.f32 s28, s29  }
0xa7: {  	(v2sf) =	vpush v11, $0xF;
	_ =	sdelay $0x9  }
0xa8: {  	s24 =	spop (v2sf)  }
0xa9: {  	v15 =	vbroadcast v11, $0xF;
	s30 =	spop (v2sf);
	v14, _, _ =	vpop (xrf2)  }
0xaa: {  	v16, _, _ =	vpop (xrf2);
	s1 =	spop (v2sf)  }
0xab: {  	v11 =	vsub.f32 v15, v11;
	v17, _, _ =	vpop (xrf2);
	s31 =	sadd.f32 s1, s29;
	s28 =	spop (v2sf)  }
0xac: {  	v13 =	vadd.f32 s29, v13;
	v60 =	vbroadcast v17, $0xF;
	s0 =	spop (v2sf)  }
0xad: {  	s26 =	scvt.s32.f32 s26;
	v11 =	vadd.f32 s31, v11;
	s2 =	spop (v2sf)  }
0xae: {  	v7 =	vadd.f32 v13, v7;
	v15 =	vsub.f32 v60, v17;
	s29 =	sadd.f32 s2, s31  }
0xaf: {  	s25 =	scvt.s32.f32 s25;
	v18 =	vadd.f32 s26, v3;
	v8 =	vadd.f32 v11, v8  }
0xb0: {  	vm1 =	vlt.f32 v13, v6;
	vm2 =	vge.f32 v7, v6;
	v15 =	vadd.f32 s29, v15  }
0xb1: {  	v7 =	vadd.f32 s25, v3;
	vm1 =	vmand vm1, vm2;
	vm2 =	vge.f32 v8, v6  }
0xb2: {  	v8 =	vsel vm1, $0x3F800000, v2;
	vm1 =	vlt.f32 v11, v6;
	v9 =	vadd.f32 v15, v9  }
0xb3: {  	(xrf2) =	vadd.scan.msk.f32 $0xffff, v12;
	v61 =	vmul.f32 v8, v18;
	v8 =	vmul.f32 v8, v13;
	vm1 =	vmand vm1, vm2  }
0xb4: {  	s23 =	scvt.s32.f32 s23;
	(xrf2) =	vadd.scan.msk.f32 $0xffff, v10;
	v62 =	vsel vm1, $0x3F800000, v2;
	vm1 =	vlt.f32 v15, v6;
	vm2 =	vge.f32 v9, v6  }
0xb5: {  	(xrf2) =	vadd.scan.msk.f32 $0xffff, v8;
	v6 =	vmul.f32 v62, v11;
	vm1 =	vmand vm1, vm2  }
0xb6: {  	v7 =	vmul.f32 v62, v7;
	v8 =	vadd.f32 s23, v3;
	(xrf2) =	vadd.scan.msk.f32 $0xffff, v61;
	v63 =	vsel vm1, $0x3F800000, v2  }
0xb7: {  	(xrf2) =	vadd.scan.msk.f32 $0xffff, v6;
	v6 =	vmul.f32 v63, v15  }
0xb8: {  	(xrf2) =	vadd.scan.msk.f32 $0xffff, v7;
	v7 =	vmul.f32 v63, v8  }
0xb9: {  	(xrf2) =	vadd.scan.msk.f32 $0xffff, v6  }
0xba: {  	(xrf2) =	vadd.scan.msk.f32 $0xffff, v7  }
0xbb: {  	(v2sf) =	vpush v14, $0xF  }
0xbc: {  	(v2sf) =	vpush v16, $0xF  }
0xbd: {  	(v2sf) =	vpush v17, $0xF;
	v6, _, _ =	vpop (xrf2)  }
0xbe: {  	v7, _, _ =	vpop (xrf2);
	(v2sf) =	vpush v6, $0xF  }
0xbf: {  	v6, _, _ =	vpop (xrf2);
	(v2sf) =	vpush v7, $0xF  }
0xc0: {  	v7, _, _ =	vpop (xrf2);
	(v2sf) =	vpush v6, $0xF  }
0xc1: {  	(v2sf) =	vpush v7, $0xF;
	v6, _, _ =	vpop (xrf2)  }
0xc2: {  	(v2sf) =	vpush v6, $0xF;
	v6, _, _ =	vpop (xrf2)  }
0xc3: {  	(v2sf) =	vpush v6, $0xF;
	v6, _, _ =	vpop (xrf2)  }
0xc4: {  	(v2sf) =	vpush v6, $0xF;
	v6, _, _ =	vpop (xrf2)  }
0xc5: {  	(v2sf) =	vpush v6, $0xF;
	_ =	sdelay $0x3  }
0xc6: {  	s22 =	sadd.f32 s30, s22  }
0xc7: {  	s30 =	spop (v2sf)  }
0xc8: {  	s1 =	sadd.f32 s0, s22;
	s31 =	spop (v2sf)  }
0xc9: {  	s21 =	sadd.f32 s24, s21;
	s0 =	spop (v2sf)  }
0xca: {  	s1 =	sadd.f32 s31, s1;
	s22 =	spop (v2sf)  }
0xcb: {  	s21 =	sadd.f32 s28, s21;
	s2 =	spop (v2sf)  }
0xcc: {  	s1 =	sadd.f32 s2, s1;
	s25 =	spop (v2sf)  }
0xcd: {  	s21 =	sadd.f32 s30, s21;
	s26 =	spop (v2sf)  }
0xce: {  	s1 =	sadd.f32 s26, s1;
	s28 =	spop (v2sf)  }
0xcf: {  	s21 =	sadd.f32 s22, s21;
	s29 =	spop (v2sf)  }
0xd0: {  	s1 =	sadd.f32 s29, s1;
	s30 =	spop (v2sf)  }
0xd1: {  	s21 =	sadd.f32 s25, s21;
	s31 =	spop (v2sf)  }
0xd2: {  	s1 =	sadd.f32 s31, s1;
	_ =	sdelay $0x1  }
0xd3: {  	s23 =	sadd.f32 s28, s21;
	s21 =	scvt.f32.s32 s1  }
0xd4: {  	_ = 	snop  }
0xd5: {  	s22 =	sadd.f32 s30, s23;
	s23 =	simm.s32 $0x0;
	v6 =	vmov s21  }
.LBB2_15:
0xd6: {  	s24 =	sshra.s32 s23, $0x2  }
0xd7: {  	v7 =	vld [tilespmem:s24+$0x0];
	_ =	sdelay $0x4  }
0xd8: {  	v8 =	vshrl.u32 v7, $0x14  }
0xd9: {  	v7 =	vshrl.u32 v7, $0xA;
	vm1 =	veq.s32 v8, v6  }
0xda: {  	v7 =	vand.u32 $0x3FF, v7;
	_ =	sdelay $0x4  }
0xdb: {  	[tilespmem:v7+s16+$0x0] =	vst.idx.add.f32.msk vm1, v1  }
0xdc: {  	v7 =	vld [tilespmem:s24+$0x10];
	_ =	sdelay $0x4  }
0xdd: {  	v8 =	vshrl.u32 v7, $0x14  }
0xde: {  	v7 =	vshrl.u32 v7, $0xA;
	vm1 =	veq.s32 v8, v6  }
0xdf: {  	v7 =	vand.u32 $0x3FF, v7;
	_ =	sdelay $0x4  }
0xe0: {  	[tilespmem:v7+s16+$0x0] =	vst.idx.add.f32.msk vm1, v1  }
0xe1: {  	v7 =	vld [tilespmem:s24+$0x20];
	_ =	sdelay $0x4  }
0xe2: {  	v8 =	vshrl.u32 v7, $0x14  }
0xe3: {  	v7 =	vshrl.u32 v7, $0xA;
	vm1 =	veq.s32 v8, v6  }
0xe4: {  	v7 =	vand.u32 $0x3FF, v7;
	_ =	sdelay $0x4  }
0xe5: {  	[tilespmem:v7+s16+$0x0] =	vst.idx.add.f32.msk vm1, v1  }
0xe6: {  	v7 =	vld [tilespmem:s24+$0x30];
	_ =	sdelay $0x4  }
0xe7: {  	v8 =	vshrl.u32 v7, $0x14  }
0xe8: {  	v7 =	vshrl.u32 v7, $0xA;
	vm1 =	veq.s32 v8, v6  }
0xe9: {  	v7 =	vand.u32 $0x3FF, v7;
	_ =	sdelay $0x4  }
0xea: {  	[tilespmem:v7+s16+$0x0] =	vst.idx.add.f32.msk vm1, v1  }
0xeb: {  	v7 =	vld [tilespmem:s24+$0x40];
	_ =	sdelay $0x4  }
0xec: {  	v8 =	vshrl.u32 v7, $0x14  }
0xed: {  	v7 =	vshrl.u32 v7, $0xA;
	vm1 =	veq.s32 v8, v6  }
0xee: {  	v7 =	vand.u32 $0x3FF, v7;
	_ =	sdelay $0x4  }
0xef: {  	[tilespmem:v7+s16+$0x0] =	vst.idx.add.f32.msk vm1, v1  }
0xf0: {  	v7 =	vld [tilespmem:s24+$0x50];
	_ =	sdelay $0x4  }
0xf1: {  	v8 =	vshrl.u32 v7, $0x14  }
0xf2: {  	v7 =	vshrl.u32 v7, $0xA;
	vm1 =	veq.s32 v8, v6  }
0xf3: {  	v7 =	vand.u32 $0x3FF, v7;
	_ =	sdelay $0x4  }
0xf4: {  	[tilespmem:v7+s16+$0x0] =	vst.idx.add.f32.msk vm1, v1  }
0xf5: {  	v7 =	vld [tilespmem:s24+$0x60];
	_ =	sdelay $0x4  }
0xf6: {  	v8 =	vshrl.u32 v7, $0x14  }
0xf7: {  	v7 =	vshrl.u32 v7, $0xA;
	vm1 =	veq.s32 v8, v6  }
0xf8: {  	v7 =	vand.u32 $0x3FF, v7;
	_ =	sdelay $0x4  }
0xf9: {  	[tilespmem:v7+s16+$0x0] =	vst.idx.add.f32.msk vm1, v1  }
0xfa: {  	v7 =	vld [tilespmem:s24+$0x70];
	_ =	sdelay $0x4  }
0xfb: {  	v8 =	vshrl.u32 v7, $0x14  }
0xfc: {  	v7 =	vshrl.u32 v7, $0xA;
	vm1 =	veq.s32 v8, v6  }
0xfd: {  	v7 =	vand.u32 $0x3FF, v7;
	_ =	sdelay $0x4  }
0xfe: {  	[tilespmem:v7+s16+$0x0] =	vst.idx.add.f32.msk vm1, v1  }
0xff: {  	v7 =	vld [tilespmem:s24+$0x80];
	_ =	sdelay $0x4  }
0x100: {  	v8 =	vshrl.u32 v7, $0x14  }
0x101: {  	v7 =	vshrl.u32 v7, $0xA;
	vm1 =	veq.s32 v8, v6  }
0x102: {  	v7 =	vand.u32 $0x3FF, v7;
	_ =	sdelay $0x4  }
0x103: {  	[tilespmem:v7+s16+$0x0] =	vst.idx.add.f32.msk vm1, v1  }
0x104: {  	v7 =	vld [tilespmem:s24+$0x90];
	_ =	sdelay $0x4  }
0x105: {  	v8 =	vshrl.u32 v7, $0x14  }
0x106: {  	v7 =	vshrl.u32 v7, $0xA;
	vm1 =	veq.s32 v8, v6  }
0x107: {  	v7 =	vand.u32 $0x3FF, v7;
	_ =	sdelay $0x4  }
0x108: {  	[tilespmem:v7+s16+$0x0] =	vst.idx.add.f32.msk vm1, v1  }
0x109: {  	v7 =	vld [tilespmem:s24+$0xA0];
	_ =	sdelay $0x4  }
0x10a: {  	v8 =	vshrl.u32 v7, $0x14  }
0x10b: {  	v7 =	vshrl.u32 v7, $0xA;
	vm1 =	veq.s32 v8, v6  }
0x10c: {  	v7 =	vand.u32 $0x3FF, v7;
	_ =	sdelay $0x4  }
0x10d: {  	[tilespmem:v7+s16+$0x0] =	vst.idx.add.f32.msk vm1, v1  }
0x10e: {  	v7 =	vld [tilespmem:s24+$0xB0];
	_ =	sdelay $0x4  }
0x10f: {  	v8 =	vshrl.u32 v7, $0x14  }
0x110: {  	v7 =	vshrl.u32 v7, $0xA;
	vm1 =	veq.s32 v8, v6  }
0x111: {  	v7 =	vand.u32 $0x3FF, v7;
	_ =	sdelay $0x4  }
0x112: {  	[tilespmem:v7+s16+$0x0] =	vst.idx.add.f32.msk vm1, v1  }
0x113: {  	v7 =	vld [tilespmem:s24+$0xC0];
	_ =	sdelay $0x4  }
0x114: {  	v8 =	vshrl.u32 v7, $0x14  }
0x115: {  	v7 =	vshrl.u32 v7, $0xA;
	vm1 =	veq.s32 v8, v6  }
0x116: {  	v7 =	vand.u32 $0x3FF, v7;
	_ =	sdelay $0x4  }
0x117: {  	[tilespmem:v7+s16+$0x0] =	vst.idx.add.f32.msk vm1, v1  }
0x118: {  	v7 =	vld [tilespmem:s24+$0xD0];
	_ =	sdelay $0x4  }
0x119: {  	v8 =	vshrl.u32 v7, $0x14  }
0x11a: {  	v7 =	vshrl.u32 v7, $0xA;
	vm1 =	veq.s32 v8, v6  }
0x11b: {  	v7 =	vand.u32 $0x3FF, v7;
	_ =	sdelay $0x4  }
0x11c: {  	[tilespmem:v7+s16+$0x0] =	vst.idx.add.f32.msk vm1, v1  }
0x11d: {  	v7 =	vld [tilespmem:s24+$0xE0];
	_ =	sdelay $0x4  }
0x11e: {  	v8 =	vshrl.u32 v7, $0x14  }
0x11f: {  	v7 =	vshrl.u32 v7, $0xA;
	vm1 =	veq.s32 v8, v6  }
0x120: {  	v7 =	vand.u32 $0x3FF, v7;
	_ =	sdelay $0x4  }
0x121: {  	[tilespmem:v7+s16+$0x0] =	vst.idx.add.f32.msk vm1, v1  }
0x122: {  	v7 =	vld [tilespmem:s24+$0xF0];
	_ =	sdelay $0x4  }
0x123: {  	v8 =	vshrl.u32 v7, $0x14  }
0x124: {  	v7 =	vshrl.u32 v7, $0xA;
	vm1 =	veq.s32 v8, v6  }
0x125: {  	p3 =	sne.s32 s23, $0x13C00;
	v7 =	vand.u32 $0x3FF, v7  }
.Ltmp9:
0x126: {  	_ = 	snop;
	(pc) =	sbr.rel @p3 .LBB2_15-.Ltmp9, $2  }
0x127: {  	_ =	sdelay $0x2  }
0x128: {  	s23 =	sadd.s32 $0x400, s23;
	[tilespmem:v7+s16+$0x0] =	vst.idx.add.f32.msk vm1, v1  }
0x129: {  	s1 =	simm.s32 $0x6BF0  }
0x12a: {  	v6 =	vld [tilespmem:s1+$0x0];
	_ =	sdelay $0x4  }
0x12b: {  	(xrf2) =	vadd.scan.msk.f32 $0xffff, v6;
	_ =	sdelay $0x4  }
0x12c: {  	s0 =	simm.s32 $0x6BE0  }
0x12d: {  	v7 =	vld [tilespmem:s0+$0x0];
	_ =	sdelay $0x3  }
0x12e: {  	v8, _, _ =	vpop (xrf2)  }
0x12f: {  	(xrf2) =	vadd.scan.msk.f32 $0xffff, v7;
	(v2sf) =	vpush v8, $0xF;
	_ =	sdelay $0x4  }
0x130: {  	s2 =	simm.s32 $0x6BD0  }
0x131: {  	v9 =	vld [tilespmem:s2+$0x0];
	_ =	sdelay $0x2  }
0x132: {  	v11 =	vbroadcast v8, $0xF  }
0x133: {  	v12, _, _ =	vpop (xrf2)  }
0x134: {  	s23 =	simm.s32 $0x6BC0;
	(xrf2) =	vadd.scan.msk.f32 $0xffff, v9;
	(v2sf) =	vpush v12, $0xF;
	v8 =	vsub.f32 v11, v8  }
0x135: {  	v10 =	vld [tilespmem:s23+$0x0];
	s23 =	simm.f32 $0.0e+00  }
0x136: {  	v11 =	vbroadcast v12, $0xF;
	v8 =	vadd.f32 s23, v8  }
0x137: {  	s22 =	ssub.f32 s20, s22  }
0x138: {  	v11 =	vsub.f32 v11, v12;
	v12 =	vadd.f32 v8, v6;
	s24 =	spop (v2sf)  }
0x139: {  	v6 =	vmov s22;
	s1 =	sadd.f32 s24, s23  }
0x13a: {  	vm1 =	vlt.f32 v8, v6;
	vm2 =	vge.f32 v12, v6  }
0x13b: {  	vm1 =	vmand vm1, vm2;
	s24 =	simm.s32 $0x3F0;
	v11 =	vadd.f32 s1, v11  }
0x13c: {  	v15 =	vsel vm1, $0x3F800000, v2;
	s24 =	scvt.s32.f32 s24  }
0x13d: {  	s25 =	simm.s32 $0x6BB0;
	(xrf2) =	vadd.scan.msk.f32 $0xffff, v10;
	v8 =	vmul.f32 v15, v8;
	v12 =	vadd.f32 v11, v7  }
0x13e: {  	v13, _, _ =	vpop (xrf2);
	v14 =	vadd.f32 s24, v3;
	v7 =	vld [tilespmem:s25+$0x0]  }
0x13f: {  	(v2sf) =	vpush v13, $0xF;
	(xrf2) =	vadd.scan.msk.f32 $0xffff, v8;
	vm1 =	vlt.f32 v11, v6;
	vm2 =	vge.f32 v12, v6  }
0x140: {  	s25 =	simm.s32 $0x3E0;
	v12 =	vmul.f32 v15, v14;
	vm1 =	vmand vm1, vm2  }
0x141: {  	s24 =	scvt.s32.f32 s25;
	v14 =	vsel vm1, $0x3F800000, v2  }
0x142: {  	v16 =	vbroadcast v13, $0xF;
	(xrf2) =	vadd.scan.msk.f32 $0xffff, v12;
	v11 =	vmul.f32 v14, v11  }
0x143: {  	s30 =	spop (v2sf);
	v12 =	vadd.f32 s24, v3;
	(xrf2) =	vadd.scan.msk.f32 $0xffff, v7  }
0x144: {  	s1 =	sadd.f32 s30, s1;
	(xrf2) =	vadd.scan.msk.f32 $0xffff, v11;
	v11 =	vsub.f32 v16, v13  }
0x145: {  	v12 =	vmul.f32 v14, v12  }
0x146: {  	v11 =	vadd.f32 s1, v11  }
0x147: {  	v15, _, _ =	vpop (xrf2);
	(xrf2) =	vadd.scan.msk.f32 $0xffff, v12  }
0x148: {  	s26 =	simm.s32 $0x6BA0;
	(v2sf) =	vpush v15, $0xF;
	v9 =	vadd.f32 v11, v9  }
0x149: {  	v8 =	vld [tilespmem:s26+$0x0];
	v13, _, _ =	vpop (xrf2)  }
0x14a: {  	(v2sf) =	vpush v13, $0xF;
	vm1 =	vlt.f32 v11, v6;
	vm2 =	vge.f32 v9, v6  }
0x14b: {  	s2 =	simm.s32 $0x3D0;
	vm1 =	vmand vm1, vm2  }
0x14c: {  	s26 =	scvt.s32.f32 s2;
	v9, _, _ =	vpop (xrf2);
	v14 =	vsel vm1, $0x3F800000, v2  }
0x14d: {  	v12 =	vbroadcast v15, $0xF;
	(v2sf) =	vpush v9, $0xF;
	v11 =	vmul.f32 v14, v11  }
0x14e: {  	s0 =	spop (v2sf);
	v13 =	vadd.f32 s26, v3;
	(xrf2) =	vadd.scan.msk.f32 $0xffff, v8  }
0x14f: {  	s24 =	sadd.f32 s0, s1;
	v12 =	vsub.f32 v12, v15;
	v15, _, _ =	vpop (xrf2)  }
0x150: {  	v13 =	vmul.f32 v14, v13;
	(v2sf) =	vpush v15, $0xF;
	v14, _, _ =	vpop (xrf2)  }
0x151: {  	s26 =	simm.s32 $0x6B90;
	v12 =	vadd.f32 s24, v12;
	(xrf2) =	vadd.scan.msk.f32 $0xffff, v11;
	(v2sf) =	vpush v14, $0xF;
	v11, _, _ =	vpop (xrf2)  }
0x152: {  	v9 =	vld [tilespmem:s26+$0x0];
	(v2sf) =	vpush v11, $0xF  }
0x153: {  	s30 =	simm.s32 $0x3C0;
	v10 =	vadd.f32 v12, v10  }
0x154: {  	s1 =	scvt.s32.f32 s30;
	(xrf2) =	vadd.scan.msk.f32 $0xffff, v13  }
0x155: {  	vm1 =	vlt.f32 v12, v6;
	vm2 =	vge.f32 v10, v6  }
0x156: {  	s29 =	simm.s32 $0x3B0;
	v10 =	vadd.f32 s1, v3;
	vm1 =	vmand vm1, vm2;
	v14 =	vbroadcast v15, $0xF  }
0x157: {  	s28 =	simm.s32 $0x3A0;
	s25 =	simm.s32 $0x390;
	v63 =	vsel vm1, $0x3F800000, v2;
	s30 =	spop (v2sf);
	(xrf2) =	vadd.scan.msk.f32 $0xffff, v9  }
0x158: {  	s1 =	simm.s32 $0x380;
	v10 =	vmul.f32 v63, v10;
	v12 =	vmul.f32 v63, v12;
	s31 =	sadd.f32 s30, s24;
	s24 =	simm.f32 $0.0e+00;
	v11, _, _ =	vpop (xrf2);
	v13 =	vsub.f32 v14, v15  }
.LBB2_17:
0x159: {  	p3 =	sne.s32 s1, $0x0;
	s30 =	spop (v2sf)  }
0x15a: {  	s26 =	sadd.s32 $0xFFFFFFF0, s26;
	(v2sf) =	vpush v11, $0xF;
	v14 =	vadd.f32 s31, v13;
	(xrf2) =	vadd.scan.msk.f32 $0xffff, v12;
	s23 =	sadd.f32 s30, s23  }
0x15b: {  	v12 =	vld [tilespmem:s26+$0x0];
	v13, _, _ =	vpop (xrf2)  }
0x15c: {  	s30 =	scvt.s32.f32 s29;
	s29 =	smov.u32 s28;
	v15 =	vadd.f32 v14, v7;
	(v2sf) =	vpush v13, $0xF;
	s0 =	spop (v2sf);
	v7 =	vmovc v8;
	v8 =	vmov v9  }
.Ltmp10:
0x15d: {  	s28 =	smov.u32 s25;
	(xrf2) =	vadd.scan.msk.f32 $0xffff, v10;
	s24 =	sadd.f32 s0, s24;
	(pc) =	sbr.rel @p3 .LBB2_17-.Ltmp10, $4  }
0x15e: {  	s25 =	smov.u32 s1;
	vm1 =	vlt.f32 v14, v6;
	v10 =	vadd.f32 s30, v3;
	vm2 =	vge.f32 v15, v6;
	v9, _, _ =	vpop (xrf2)  }
0x15f: {  	v13 =	vbroadcast v11, $0xF;
	vm1 =	vmand vm1, vm2;
	(v2sf) =	vpush v9, $0xF  }
0x160: {  	(xrf2) =	vadd.scan.msk.f32 $0xffff, v12;
	v15 =	vsel vm1, $0x3F800000, v2;
	s0 =	spop (v2sf);
	v9 =	vmov v12  }
0x161: {  	s1 =	sadd.s32 $0xFFFFFFF0, s1;
	v13 =	vsub.f32 v13, v11;
	v11, _, _ =	vpop (xrf2);
	v10 =	vmul.f32 v15, v10;
	v12 =	vmul.f32 v15, v14;
	s31 =	sadd.f32 s0, s31  }
0x162: {  	(v2sf) =	vpush v11, $0xF;
	_ =	sdelay $0x9  }
0x163: {  	s26 =	spop (v2sf)  }
0x164: {  	v15 =	vbroadcast v11, $0xF;
	s1 =	spop (v2sf);
	v14, _, _ =	vpop (xrf2)  }
0x165: {  	v16, _, _ =	vpop (xrf2);
	s0 =	spop (v2sf)  }
0x166: {  	v11 =	vsub.f32 v15, v11;
	v17, _, _ =	vpop (xrf2);
	s0 =	sadd.f32 s0, s31;
	s30 =	spop (v2sf)  }
0x167: {  	v13 =	vadd.f32 s31, v13;
	v60 =	vbroadcast v17, $0xF;
	s31 =	spop (v2sf)  }
0x168: {  	s29 =	scvt.s32.f32 s29;
	v11 =	vadd.f32 s0, v11;
	s2 =	spop (v2sf)  }
0x169: {  	v7 =	vadd.f32 v13, v7;
	v15 =	vsub.f32 v60, v17;
	s0 =	sadd.f32 s2, s0  }
0x16a: {  	v18 =	vadd.f32 s29, v3;
	s29 =	scvt.s32.f32 s28;
	v8 =	vadd.f32 v11, v8  }
0x16b: {  	vm1 =	vlt.f32 v13, v6;
	vm2 =	vge.f32 v7, v6;
	v15 =	vadd.f32 s0, v15  }
0x16c: {  	v7 =	vadd.f32 s29, v3;
	vm1 =	vmand vm1, vm2;
	vm2 =	vge.f32 v8, v6  }
0x16d: {  	v8 =	vsel vm1, $0x3F800000, v2;
	vm1 =	vlt.f32 v11, v6;
	v9 =	vadd.f32 v15, v9  }
0x16e: {  	(xrf2) =	vadd.scan.msk.f32 $0xffff, v12;
	v61 =	vmul.f32 v8, v18;
	v8 =	vmul.f32 v8, v13;
	vm1 =	vmand vm1, vm2  }
0x16f: {  	(xrf2) =	vadd.scan.msk.f32 $0xffff, v10;
	v62 =	vsel vm1, $0x3F800000, v2;
	s2 =	scvt.s32.f32 s25;
	vm1 =	vlt.f32 v15, v6;
	vm2 =	vge.f32 v9, v6  }
0x170: {  	(xrf2) =	vadd.scan.msk.f32 $0xffff, v8;
	v6 =	vmul.f32 v62, v11;
	vm1 =	vmand vm1, vm2  }
0x171: {  	v7 =	vmul.f32 v62, v7;
	(xrf2) =	vadd.scan.msk.f32 $0xffff, v61;
	v8 =	vadd.f32 s2, v3;
	v63 =	vsel vm1, $0x3F800000, v2  }
0x172: {  	(xrf2) =	vadd.scan.msk.f32 $0xffff, v6;
	v6 =	vmul.f32 v63, v15  }
0x173: {  	(xrf2) =	vadd.scan.msk.f32 $0xffff, v7;
	v7 =	vmul.f32 v63, v8  }
0x174: {  	(xrf2) =	vadd.scan.msk.f32 $0xffff, v6  }
0x175: {  	(xrf2) =	vadd.scan.msk.f32 $0xffff, v7  }
0x176: {  	(v2sf) =	vpush v14, $0xF  }
0x177: {  	(v2sf) =	vpush v16, $0xF  }
0x178: {  	(v2sf) =	vpush v17, $0xF;
	v6, _, _ =	vpop (xrf2)  }
0x179: {  	v7, _, _ =	vpop (xrf2);
	(v2sf) =	vpush v6, $0xF  }
0x17a: {  	v6, _, _ =	vpop (xrf2);
	(v2sf) =	vpush v7, $0xF  }
0x17b: {  	v7, _, _ =	vpop (xrf2);
	(v2sf) =	vpush v6, $0xF  }
0x17c: {  	(v2sf) =	vpush v7, $0xF;
	v6, _, _ =	vpop (xrf2)  }
0x17d: {  	(v2sf) =	vpush v6, $0xF;
	v6, _, _ =	vpop (xrf2)  }
0x17e: {  	(v2sf) =	vpush v6, $0xF;
	v6, _, _ =	vpop (xrf2)  }
0x17f: {  	(v2sf) =	vpush v6, $0xF;
	v6, _, _ =	vpop (xrf2)  }
0x180: {  	(v2sf) =	vpush v6, $0xF;
	_ =	sdelay $0x3  }
0x181: {  	s24 =	sadd.f32 s1, s24  }
0x182: {  	s1 =	spop (v2sf)  }
0x183: {  	s0 =	sadd.f32 s31, s24;
	s25 =	spop (v2sf)  }
0x184: {  	s28 =	spop (v2sf)  }
0x185: {  	s0 =	sadd.f32 s25, s0;
	s24 =	spop (v2sf)  }
0x186: {  	s23 =	sadd.f32 s26, s23;
	s29 =	spop (v2sf)  }
0x187: {  	s0 =	sadd.f32 s29, s0;
	s2 =	spop (v2sf)  }
0x188: {  	s23 =	sadd.f32 s30, s23;
	s31 =	spop (v2sf)  }
0x189: {  	s0 =	sadd.f32 s31, s0;
	s26 =	spop (v2sf)  }
0x18a: {  	s1 =	sadd.f32 s1, s23;
	s28 =	spop (v2sf)  }
0x18b: {  	s0 =	sadd.f32 s28, s0;
	s29 =	spop (v2sf)  }
0x18c: {  	s1 =	sadd.f32 s24, s1;
	s30 =	spop (v2sf)  }
0x18d: {  	s0 =	sadd.f32 s30, s0  }
0x18e: {  	s1 =	sadd.f32 s2, s1  }
0x18f: {  	s0 =	scvt.f32.s32 s0  }
0x190: {  	s31 =	sshll.u32 s21, $0xA;
	s1 =	sadd.f32 s26, s1  }
0x191: {  	s21 =	sor.u32 s0, s31  }
0x192: {  	s23 =	simm.s32 $0x0;
	s24 =	sadd.f32 s29, s1;
	v6 =	vmov s21  }
.LBB2_19:
0x193: {  	s25 =	sshra.s32 s23, $0x2  }
0x194: {  	v7 =	vld [tilespmem:s25+$0x0];
	_ =	sdelay $0x4  }
0x195: {  	v8 =	vshrl.u32 v7, $0xA  }
0x196: {  	vm1 =	veq.s32 v8, v6  }
0x197: {  	v7 =	vand.u32 $0x3FF, v7;
	_ =	sdelay $0x4  }
0x198: {  	[tilespmem:v7+s17+$0x0] =	vst.idx.add.f32.msk vm1, v1  }
0x199: {  	v7 =	vld [tilespmem:s25+$0x10];
	_ =	sdelay $0x4  }
0x19a: {  	v8 =	vshrl.u32 v7, $0xA  }
0x19b: {  	vm1 =	veq.s32 v8, v6  }
0x19c: {  	v7 =	vand.u32 $0x3FF, v7;
	_ =	sdelay $0x4  }
0x19d: {  	[tilespmem:v7+s17+$0x0] =	vst.idx.add.f32.msk vm1, v1  }
0x19e: {  	v7 =	vld [tilespmem:s25+$0x20];
	_ =	sdelay $0x4  }
0x19f: {  	v8 =	vshrl.u32 v7, $0xA  }
0x1a0: {  	vm1 =	veq.s32 v8, v6  }
0x1a1: {  	v7 =	vand.u32 $0x3FF, v7;
	_ =	sdelay $0x4  }
0x1a2: {  	[tilespmem:v7+s17+$0x0] =	vst.idx.add.f32.msk vm1, v1  }
0x1a3: {  	v7 =	vld [tilespmem:s25+$0x30];
	_ =	sdelay $0x4  }
0x1a4: {  	v8 =	vshrl.u32 v7, $0xA  }
0x1a5: {  	vm1 =	veq.s32 v8, v6  }
0x1a6: {  	v7 =	vand.u32 $0x3FF, v7;
	_ =	sdelay $0x4  }
0x1a7: {  	[tilespmem:v7+s17+$0x0] =	vst.idx.add.f32.msk vm1, v1  }
0x1a8: {  	v7 =	vld [tilespmem:s25+$0x40];
	_ =	sdelay $0x4  }
0x1a9: {  	v8 =	vshrl.u32 v7, $0xA  }
0x1aa: {  	vm1 =	veq.s32 v8, v6  }
0x1ab: {  	v7 =	vand.u32 $0x3FF, v7;
	_ =	sdelay $0x4  }
0x1ac: {  	[tilespmem:v7+s17+$0x0] =	vst.idx.add.f32.msk vm1, v1  }
0x1ad: {  	v7 =	vld [tilespmem:s25+$0x50];
	_ =	sdelay $0x4  }
0x1ae: {  	v8 =	vshrl.u32 v7, $0xA  }
0x1af: {  	vm1 =	veq.s32 v8, v6  }
0x1b0: {  	v7 =	vand.u32 $0x3FF, v7;
	_ =	sdelay $0x4  }
0x1b1: {  	[tilespmem:v7+s17+$0x0] =	vst.idx.add.f32.msk vm1, v1  }
0x1b2: {  	v7 =	vld [tilespmem:s25+$0x60];
	_ =	sdelay $0x4  }
0x1b3: {  	v8 =	vshrl.u32 v7, $0xA  }
0x1b4: {  	vm1 =	veq.s32 v8, v6  }
0x1b5: {  	v7 =	vand.u32 $0x3FF, v7;
	_ =	sdelay $0x4  }
0x1b6: {  	[tilespmem:v7+s17+$0x0] =	vst.idx.add.f32.msk vm1, v1  }
0x1b7: {  	v7 =	vld [tilespmem:s25+$0x70];
	_ =	sdelay $0x4  }
0x1b8: {  	v8 =	vshrl.u32 v7, $0xA  }
0x1b9: {  	vm1 =	veq.s32 v8, v6  }
0x1ba: {  	v7 =	vand.u32 $0x3FF, v7;
	_ =	sdelay $0x4  }
0x1bb: {  	[tilespmem:v7+s17+$0x0] =	vst.idx.add.f32.msk vm1, v1  }
0x1bc: {  	v7 =	vld [tilespmem:s25+$0x80];
	_ =	sdelay $0x4  }
0x1bd: {  	v8 =	vshrl.u32 v7, $0xA  }
0x1be: {  	vm1 =	veq.s32 v8, v6  }
0x1bf: {  	v7 =	vand.u32 $0x3FF, v7;
	_ =	sdelay $0x4  }
0x1c0: {  	[tilespmem:v7+s17+$0x0] =	vst.idx.add.f32.msk vm1, v1  }
0x1c1: {  	v7 =	vld [tilespmem:s25+$0x90];
	_ =	sdelay $0x4  }
0x1c2: {  	v8 =	vshrl.u32 v7, $0xA  }
0x1c3: {  	vm1 =	veq.s32 v8, v6  }
0x1c4: {  	v7 =	vand.u32 $0x3FF, v7;
	_ =	sdelay $0x4  }
0x1c5: {  	[tilespmem:v7+s17+$0x0] =	vst.idx.add.f32.msk vm1, v1  }
0x1c6: {  	v7 =	vld [tilespmem:s25+$0xA0];
	_ =	sdelay $0x4  }
0x1c7: {  	v8 =	vshrl.u32 v7, $0xA  }
0x1c8: {  	vm1 =	veq.s32 v8, v6  }
0x1c9: {  	v7 =	vand.u32 $0x3FF, v7;
	_ =	sdelay $0x4  }
0x1ca: {  	[tilespmem:v7+s17+$0x0] =	vst.idx.add.f32.msk vm1, v1  }
0x1cb: {  	v7 =	vld [tilespmem:s25+$0xB0];
	_ =	sdelay $0x4  }
0x1cc: {  	v8 =	vshrl.u32 v7, $0xA  }
0x1cd: {  	vm1 =	veq.s32 v8, v6  }
0x1ce: {  	v7 =	vand.u32 $0x3FF, v7;
	_ =	sdelay $0x4  }
0x1cf: {  	[tilespmem:v7+s17+$0x0] =	vst.idx.add.f32.msk vm1, v1  }
0x1d0: {  	v7 =	vld [tilespmem:s25+$0xC0];
	_ =	sdelay $0x4  }
0x1d1: {  	v8 =	vshrl.u32 v7, $0xA  }
0x1d2: {  	vm1 =	veq.s32 v8, v6  }
0x1d3: {  	v7 =	vand.u32 $0x3FF, v7;
	_ =	sdelay $0x4  }
0x1d4: {  	[tilespmem:v7+s17+$0x0] =	vst.idx.add.f32.msk vm1, v1  }
0x1d5: {  	v7 =	vld [tilespmem:s25+$0xD0];
	_ =	sdelay $0x4  }
0x1d6: {  	v8 =	vshrl.u32 v7, $0xA  }
0x1d7: {  	vm1 =	veq.s32 v8, v6  }
0x1d8: {  	v7 =	vand.u32 $0x3FF, v7;
	_ =	sdelay $0x4  }
0x1d9: {  	[tilespmem:v7+s17+$0x0] =	vst.idx.add.f32.msk vm1, v1  }
0x1da: {  	v7 =	vld [tilespmem:s25+$0xE0];
	_ =	sdelay $0x4  }
0x1db: {  	v8 =	vshrl.u32 v7, $0xA  }
0x1dc: {  	vm1 =	veq.s32 v8, v6  }
0x1dd: {  	v7 =	vand.u32 $0x3FF, v7;
	_ =	sdelay $0x4  }
0x1de: {  	[tilespmem:v7+s17+$0x0] =	vst.idx.add.f32.msk vm1, v1  }
0x1df: {  	v7 =	vld [tilespmem:s25+$0xF0];
	_ =	sdelay $0x4  }
0x1e0: {  	v8 =	vshrl.u32 v7, $0xA  }
0x1e1: {  	vm1 =	veq.s32 v8, v6  }
0x1e2: {  	p3 =	sne.s32 s23, $0x13C00;
	v7 =	vand.u32 $0x3FF, v7  }
.Ltmp11:
0x1e3: {  	_ = 	snop;
	(pc) =	sbr.rel @p3 .LBB2_19-.Ltmp11, $2  }
0x1e4: {  	_ =	sdelay $0x2  }
0x1e5: {  	s23 =	sadd.s32 $0x400, s23;
	[tilespmem:v7+s17+$0x0] =	vst.idx.add.f32.msk vm1, v1  }
0x1e6: {  	s0 =	simm.s32 $0x6FF0  }
0x1e7: {  	v6 =	vld [tilespmem:s0+$0x0];
	_ =	sdelay $0x1  }
0x1e8: {  	s26 =	simm.s32 $0x6FE0  }
0x1e9: {  	v7 =	vld [tilespmem:s26+$0x0];
	_ =	sdelay $0x1  }
0x1ea: {  	(xrf2) =	vadd.scan.msk.f32 $0xffff, v6;
	_ =	sdelay $0x2  }
0x1eb: {  	(xrf2) =	vadd.scan.msk.f32 $0xffff, v7;
	_ =	sdelay $0x3  }
0x1ec: {  	s30 =	simm.s32 $0x6FD0  }
0x1ed: {  	v8 =	vld [tilespmem:s30+$0x0]  }
0x1ee: {  	s1 =	simm.s32 $0x6FC0  }
0x1ef: {  	v10 =	vld [tilespmem:s1+$0x0];
	v9, _, _ =	vpop (xrf2)  }
0x1f0: {  	(v2sf) =	vpush v9, $0xF;
	_ =	sdelay $0x1  }
0x1f1: {  	(xrf2) =	vadd.scan.msk.f32 $0xffff, v8;
	v11, _, _ =	vpop (xrf2)  }
0x1f2: {  	s2 =	simm.s32 $0x6FB0;
	(v2sf) =	vpush v11, $0xF  }
0x1f3: {  	v12 =	vld [tilespmem:s2+$0x0];
	(xrf2) =	vadd.scan.msk.f32 $0xffff, v10;
	_ =	sdelay $0x3  }
0x1f4: {  	v13 =	vbroadcast v9, $0xF  }
0x1f5: {  	(xrf2) =	vadd.scan.msk.f32 $0xffff, v12  }
0x1f6: {  	v15 =	vbroadcast v11, $0xF  }
0x1f7: {  	s23 =	simm.s32 $0x6FA0  }
0x1f8: {  	v14 =	vld [tilespmem:s23+$0x0];
	v9 =	vsub.f32 v13, v9;
	v13, _, _ =	vpop (xrf2)  }
0x1f9: {  	s23 =	simm.f32 $0.0e+00;
	(v2sf) =	vpush v13, $0xF  }
0x1fa: {  	s24 =	ssub.f32 s22, s24;
	v11 =	vsub.f32 v15, v11;
	v9 =	vadd.f32 s23, v9;
	v15, _, _ =	vpop (xrf2)  }
0x1fb: {  	s1 =	spop (v2sf);
	(v2sf) =	vpush v15, $0xF  }
0x1fc: {  	v16 =	vadd.f32 v9, v6;
	v6 =	vmov s24  }
0x1fd: {  	s2 =	simm.s32 $0x3F0;
	(xrf2) =	vadd.scan.msk.f32 $0xffff, v14;
	vm1 =	vlt.f32 v9, v6;
	v9 =	vbroadcast v13, $0xF;
	s1 =	sadd.f32 s1, s23  }
0x1fe: {  	s25 =	scvt.s32.f32 s2;
	s26 =	spop (v2sf)  }
0x1ff: {  	v18, _, _ =	vpop (xrf2);
	vm2 =	vge.f32 v16, v6;
	v9 =	vsub.f32 v9, v13;
	v11 =	vadd.f32 s1, v11;
	s0 =	sadd.f32 s26, s1  }
0x200: {  	v16 =	vadd.f32 s25, v3;
	vm1 =	vmand vm1, vm2;
	(v2sf) =	vpush v18, $0xF  }
0x201: {  	v17 =	vadd.f32 v11, v7;
	v7 =	vsel vm1, $0x3F800000, v2;
	v9 =	vadd.f32 s0, v9  }
0x202: {  	s30 =	simm.s32 $0x3E0;
	s24 =	simm.s32 $0x6F90;
	s26 =	simm.s32 $0x3D0;
	v13 =	vmul.f32 v7, v16  }
0x203: {  	s25 =	scvt.s32.f32 s30;
	s1 =	scvt.s32.f32 s26;
	v7 =	vld [tilespmem:s24+$0x0];
	v16 =	vadd.f32 v9, v8  }
0x204: {  	s30 =	simm.s32 $0x6F80;
	vm1 =	vlt.f32 v11, v6;
	vm2 =	vge.f32 v17, v6;
	(xrf2) =	vadd.scan.msk.f32 $0xffff, v13  }
0x205: {  	v11 =	vadd.f32 s25, v3;
	v8 =	vld [tilespmem:s30+$0x0];
	v17 =	vadd.f32 s1, v3;
	vm1 =	vmand vm1, vm2  }
0x206: {  	v13 =	vsel vm1, $0x3F800000, v2;
	vm1 =	vlt.f32 v9, v6;
	vm2 =	vge.f32 v16, v6  }
0x207: {  	v11 =	vmul.f32 v13, v11;
	v13 =	vbroadcast v15, $0xF;
	vm1 =	vmand vm1, vm2;
	v16, _, _ =	vpop (xrf2)  }
0x208: {  	s22 =	spop (v2sf);
	(xrf2) =	vadd.scan.msk.f32 $0xffff, v7;
	v19 =	vsel vm1, $0x3F800000, v2;
	(v2sf) =	vpush v16, $0xF  }
0x209: {  	s0 =	sadd.f32 s22, s0;
	v13 =	vsub.f32 v13, v15;
	(xrf2) =	vadd.scan.msk.f32 $0xffff, v11;
	v11 =	vmul.f32 v19, v17;
	v15 =	vbroadcast v18, $0xF  }
0x20a: {  	(xrf2) =	vadd.scan.msk.f32 $0xffff, v8;
	s24 =	spop (v2sf)  }
0x20b: {  	v13 =	vadd.f32 s0, v13;
	(xrf2) =	vadd.scan.msk.f32 $0xffff, v11;
	v11 =	vsub.f32 v15, v18;
	s0 =	sadd.f32 s24, s0;
	_ =	sdelay $0x1  }
0x20c: {  	s25 =	simm.s32 $0x3C0;
	v10 =	vadd.f32 v13, v10;
	v11 =	vadd.f32 s0, v11  }
0x20d: {  	s1 =	scvt.s32.f32 s25;
	v17 =	vbroadcast v16, $0xF;
	vm1 =	vlt.f32 v13, v6;
	v15, _, _ =	vpop (xrf2)  }
0x20e: {  	s2 =	simm.s32 $0x6F70;
	vm2 =	vge.f32 v10, v6;
	(v2sf) =	vpush v15, $0xF;
	v12 =	vadd.f32 v11, v12  }
0x20f: {  	v9 =	vld [tilespmem:s2+$0x0];
	s26 =	spop (v2sf);
	vm1 =	vmand vm1, vm2;
	v15 =	vsub.f32 v17, v16;
	v16 =	vadd.f32 s1, v3  }
0x210: {  	s30 =	simm.s32 $0x3B0;
	s0 =	sadd.f32 s26, s0;
	v17 =	vsel vm1, $0x3F800000, v2;
	vm1 =	vlt.f32 v11, v6;
	vm2 =	vge.f32 v12, v6  }
0x211: {  	s26 =	scvt.s32.f32 s30;
	vm1 =	vmand vm1, vm2  }
0x212: {  	v13, _, _ =	vpop (xrf2);
	v11 =	vadd.f32 s0, v15;
	v15 =	vmul.f32 v17, v16;
	v17 =	vsel vm1, $0x3F800000, v2  }
0x213: {  	v16 =	vadd.f32 s26, v3;
	(v2sf) =	vpush v13, $0xF;
	v12, _, _ =	vpop (xrf2)  }
0x214: {  	s25 =	simm.s32 $0x6F60;
	(xrf2) =	vadd.scan.msk.f32 $0xffff, v9;
	(v2sf) =	vpush v12, $0xF;
	v12, _, _ =	vpop (xrf2)  }
0x215: {  	v10 =	vld [tilespmem:s25+$0x0];
	s30 =	simm.s32 $0x3A0;
	v16 =	vmul.f32 v17, v16;
	(v2sf) =	vpush v12, $0xF;
	v17, _, _ =	vpop (xrf2)  }
0x216: {  	s2 =	scvt.s32.f32 s30;
	s30 =	spop (v2sf);
	(v2sf) =	vpush v17, $0xF  }
0x217: {  	_ = 	snop  }
0x218: {  	(xrf2) =	vadd.scan.msk.f32 $0xffff, v15;
	_ =	sdelay $0x1  }
0x219: {  	(xrf2) =	vadd.scan.msk.f32 $0xffff, v10  }
0x21a: {  	s1 =	simm.s32 $0x6F50;
	v14 =	vadd.f32 v11, v14;
	(xrf2) =	vadd.scan.msk.f32 $0xffff, v16  }
0x21b: {  	s28 =	simm.s32 $0x390;
	v15 =	vbroadcast v13, $0xF;
	vm1 =	vlt.f32 v11, v6;
	v11 =	vld [tilespmem:s1+$0x0]  }
0x21c: {  	s29 =	simm.s32 $0x340;
	s22 =	simm.s32 $0x350;
	s24 =	simm.s32 $0x370;
	vm2 =	vge.f32 v14, v6  }
0x21d: {  	s25 =	simm.s32 $0x360;
	s26 =	simm.s32 $0x380;
	v14 =	vadd.f32 s2, v3;
	v15 =	vsub.f32 v15, v13;
	vm1 =	vmand vm1, vm2;
	s31 =	sadd.f32 s30, s0;
	v13, _, _ =	vpop (xrf2)  }
.LBB2_21:
0x21e: {  	p3 =	sne.s32 s29, $0x0  }
0x21f: {  	(v2sf) =	vpush v13, $0xF;
	v16 =	vadd.f32 s31, v15;
	v17 =	vsel vm1, $0x3F800000, v2;
	s0 =	spop (v2sf);
	s2 =	smov.u32 s29;
	s29 =	sadd.s32 $0xFFFFFFF0, s29  }
.Ltmp12:
0x220: {  	s1 =	sadd.s32 $0xFFFFFFF0, s1;
	(xrf2) =	vadd.scan.msk.f32 $0xffff, v11;
	v14 =	vmul.f32 v17, v14;
	s23 =	sadd.f32 s0, s23;
	v15 =	vmov v11;
	(pc) =	sbr.rel @p3 .LBB2_21-.Ltmp12, $4  }
0x221: {  	v17 =	vbroadcast v12, $0xF;
	v11 =	vld [tilespmem:s1+$0x0];
	v18 =	vadd.f32 v16, v7;
	v19, _, _ =	vpop (xrf2);
	v7 =	vmov v8  }
0x222: {  	s0 =	scvt.s32.f32 s28;
	s28 =	smov.u32 s26;
	v8 =	vmovc v9;
	v9 =	vmov v10;
	v10 =	vmov v15;
	s30 =	spop (v2sf);
	(v2sf) =	vpush v19, $0xF  }
0x223: {  	s26 =	smov.u32 s24;
	s24 =	smov.u32 s25;
	vm1 =	vlt.f32 v16, v6;
	v15 =	vsub.f32 v17, v12;
	vm2 =	vge.f32 v18, v6;
	s31 =	sadd.f32 s30, s31;
	(xrf2) =	vadd.scan.msk.f32 $0xffff, v14  }
0x224: {  	s25 =	smov.u32 s22;
	s22 =	smov.u32 s2;
	v12 =	vmov v13;
	v14 =	vadd.f32 s0, v3;
	vm1 =	vmand vm1, vm2;
	v13, _, _ =	vpop (xrf2)  }
0x225: {  	_ =	sdelay $0x3  }
0x226: {  	(v2sf) =	vpush v13, $0xF;
	v16, _, _ =	vpop (xrf2)  }
0x227: {  	(v2sf) =	vpush v16, $0xF;
	v52, _, _ =	vpop (xrf2)  }
0x228: {  	(v2sf) =	vpush v52, $0xF;
	_ =	sdelay $0x2  }
0x229: {  	(xrf2) =	vadd.scan.msk.f32 $0xffff, v11;
	_ =	sdelay $0x2  }
0x22a: {  	s29 =	spop (v2sf);
	v17 =	vbroadcast v12, $0xF  }
0x22b: {  	s1 =	scvt.s32.f32 s28;
	v15 =	vadd.f32 s31, v15;
	s0 =	spop (v2sf)  }
0x22c: {  	v53 =	vbroadcast v13, $0xF;
	s0 =	sadd.f32 s0, s31;
	v12 =	vsub.f32 v17, v12  }
0x22d: {  	s30 =	spop (v2sf);
	v19 =	vadd.f32 s1, v3;
	s1 =	scvt.s32.f32 s26;
	v7 =	vadd.f32 v15, v7  }
0x22e: {  	v13 =	vsub.f32 v53, v13;
	vm2 =	vlt.f32 v15, v6;
	v12 =	vadd.f32 s0, v12;
	s2 =	spop (v2sf)  }
0x22f: {  	v55 =	vadd.f32 s1, v3;
	vm3 =	vge.f32 v7, v6;
	v7 =	vsel vm1, $0x3F800000, v2;
	s2 =	sadd.f32 s2, s0  }
0x230: {  	vm2 =	vmand vm2, vm3;
	v7 =	vmul.f32 v7, v14;
	v21 =	vbroadcast v52, $0xF;
	v18, _, _ =	vpop (xrf2);
	s28 =	spop (v2sf)  }
0x231: {  	v8 =	vadd.f32 v12, v8;
	v56 =	vsel vm2, $0x3F800000, v2;
	v20, _, _ =	vpop (xrf2);
	v13 =	vadd.f32 s2, v13;
	s31 =	spop (v2sf)  }
0x232: {  	vm1 =	vlt.f32 v12, v6;
	v16 =	vsub.f32 v21, v52;
	v54 =	vbroadcast v20, $0xF;
	s0 =	sadd.f32 s31, s2;
	s26 =	spop (v2sf)  }
0x233: {  	v14 =	vmul.f32 v56, v19;
	vm2 =	vge.f32 v8, v6;
	v9 =	vadd.f32 v13, v9;
	s31 =	spop (v2sf)  }
0x234: {  	vm1 =	vmand vm1, vm2;
	v17 =	vsub.f32 v54, v20;
	v16 =	vadd.f32 s0, v16;
	s1 =	sadd.f32 s31, s0  }
0x235: {  	s24 =	scvt.s32.f32 s24;
	(xrf2) =	vadd.scan.msk.f32 $0xffff, v7;
	v7 =	vsel vm1, $0x3F800000, v2;
	vm2 =	vlt.f32 v13, v6;
	vm3 =	vge.f32 v9, v6  }
0x236: {  	vm1 =	vmand vm2, vm3;
	v8 =	vadd.f32 v16, v10;
	v17 =	vadd.f32 s1, v17  }
0x237: {  	s25 =	scvt.s32.f32 s25;
	(xrf2) =	vadd.scan.msk.f32 $0xffff, v14;
	v7 =	vmul.f32 v7, v55;
	v9 =	vadd.f32 s24, v3;
	v10 =	vsel vm1, $0x3F800000, v2  }
0x238: {  	vm1 =	vlt.f32 v16, v6;
	vm2 =	vge.f32 v8, v6;
	v8 =	vadd.f32 v17, v11  }
0x239: {  	(xrf2) =	vadd.scan.msk.f32 $0xffff, v7;
	v7 =	vmul.f32 v10, v9;
	v9 =	vadd.f32 s25, v3;
	s31 =	scvt.s32.f32 s22;
	vm1 =	vmand vm1, vm2  }
0x23a: {  	v10 =	vsel vm1, $0x3F800000, v2;
	vm1 =	vlt.f32 v17, v6;
	vm2 =	vge.f32 v8, v6  }
0x23b: {  	(xrf2) =	vadd.scan.msk.f32 $0xffff, v7;
	v7 =	vadd.f32 s31, v3;
	v6 =	vmul.f32 v10, v9;
	vm1 =	vmand vm1, vm2  }
0x23c: {  	v8 =	vsel vm1, $0x3F800000, v2  }
0x23d: {  	(xrf2) =	vadd.scan.msk.f32 $0xffff, v6;
	v6 =	vmul.f32 v8, v7  }
0x23e: {  	(v2sf) =	vpush v18, $0xF  }
0x23f: {  	(v2sf) =	vpush v20, $0xF;
	v7, _, _ =	vpop (xrf2);
	(xrf2) =	vadd.scan.msk.f32 $0xffff, v6  }
0x240: {  	(v2sf) =	vpush v7, $0xF  }
0x241: {  	v6, _, _ =	vpop (xrf2)  }
0x242: {  	(v2sf) =	vpush v6, $0xF  }
0x243: {  	v6, _, _ =	vpop (xrf2)  }
0x244: {  	(v2sf) =	vpush v6, $0xF  }
0x245: {  	v6, _, _ =	vpop (xrf2)  }
0x246: {  	s1 =	sadd.f32 s29, s23;
	(v2sf) =	vpush v6, $0xF  }
0x247: {  	v6, _, _ =	vpop (xrf2)  }
0x248: {  	s0 =	sadd.f32 s30, s1;
	(v2sf) =	vpush v6, $0xF  }
0x249: {  	v6, _, _ =	vpop (xrf2)  }
0x24a: {  	s0 =	sadd.f32 s28, s0;
	(v2sf) =	vpush v6, $0xF;
	_ =	sdelay $0x1  }
0x24b: {  	s0 =	sadd.f32 s26, s0  }
0x24c: {  	s2 =	spop (v2sf)  }
0x24d: {  	s22 =	spop (v2sf);
	s0 =	sadd.f32 s2, s0  }
0x24e: {  	s23 =	spop (v2sf)  }
0x24f: {  	s0 =	sadd.f32 s23, s0  }
0x250: {  	s24 =	spop (v2sf)  }
0x251: {  	s0 =	sadd.f32 s24, s0  }
0x252: {  	s25 =	spop (v2sf)  }
0x253: {  	s0 =	sadd.f32 s25, s0  }
0x254: {  	s26 =	spop (v2sf)  }
0x255: {  	s0 =	sadd.f32 s26, s0  }
0x256: {  	s28 =	spop (v2sf)  }
0x257: {  	s0 =	sadd.f32 s28, s0  }
0x258: {  	s29 =	spop (v2sf)  }
0x259: {  	s0 =	sadd.f32 s29, s0;
	_ =	sdelay $0x1  }
0x25a: {  	s30 =	simm.s32 $0x0;
	s0 =	scvt.f32.s32 s0  }
0x25b: {  	s31 =	sshll.u32 s21, $0xA;
	v7 =	vld [tilespmem:s30+$0x0]  }
0x25c: {  	s0 =	sor.u32 s0, s31  }
0x25d: {  	v8 =	vld [tilespmem:s30+$0x10];
	v6 =	vmov s0  }
0x25e: {  	v6 =	vbroadcast v6, $0x0  }
0x25f: {  	v9 =	vld [tilespmem:s30+$0x20]  }
0x260: {  	vm1 =	vgt.f32 v7, v6  }
0x261: {  	v57 =	vld [tilespmem:s30+$0x30];
	v10 =	vimm.f32 $0.0e+00;
	v11 =	vsel vm1, $0x3F800000, v0;
	v7 =	vnsel vm1, $0x0, v7  }
0x262: {  	vm1 =	vgt.f32 v8, v6;
	v11 =	vadd.f32 v11, v10;
	v7 =	vadd.f32 v7, v10  }
0x263: {  	v58 =	vld [tilespmem:s30+$0x40];
	v10 =	vsel vm1, $0x3F800000, v0;
	v8 =	vnsel vm1, $0x0, v8  }
0x264: {  	vm1 =	vgt.f32 v9, v6;
	v10 =	vadd.f32 v10, v11;
	v7 =	vadd.f32 v8, v7  }
0x265: {  	v9 =	vnsel vm1, $0x0, v9;
	v8 =	vsel vm1, $0x3F800000, v0;
	v11 =	vld [tilespmem:s30+$0x50]  }
0x266: {  	vm1 =	vgt.f32 v57, v6;
	v8 =	vadd.f32 v8, v10;
	v7 =	vadd.f32 v9, v7  }
0x267: {  	v59 =	vld [tilespmem:s30+$0x60];
	v9 =	vsel vm1, $0x3F800000, v0;
	v10 =	vnsel vm1, $0x0, v57  }
0x268: {  	vm1 =	vgt.f32 v58, v6;
	v8 =	vadd.f32 v9, v8;
	v7 =	vadd.f32 v10, v7  }
0x269: {  	v60 =	vld [tilespmem:s30+$0x70];
	v9 =	vsel vm1, $0x3F800000, v0;
	v10 =	vnsel vm1, $0x0, v58  }
0x26a: {  	vm1 =	vgt.f32 v11, v6;
	v8 =	vadd.f32 v9, v8;
	v7 =	vadd.f32 v10, v7  }
0x26b: {  	v9 =	vsel vm1, $0x3F800000, v0;
	v10 =	vnsel vm1, $0x0, v11;
	v11 =	vld [tilespmem:s30+$0x80]  }
0x26c: {  	vm1 =	vgt.f32 v59, v6;
	v8 =	vadd.f32 v9, v8;
	v7 =	vadd.f32 v10, v7  }
0x26d: {  	v61 =	vld [tilespmem:s30+$0x90];
	v9 =	vsel vm1, $0x3F800000, v0;
	v10 =	vnsel vm1, $0x0, v59  }
0x26e: {  	vm1 =	vgt.f32 v60, v6;
	v8 =	vadd.f32 v9, v8;
	v7 =	vadd.f32 v10, v7  }
0x26f: {  	v62 =	vld [tilespmem:s30+$0xA0];
	v9 =	vsel vm1, $0x3F800000, v0;
	v10 =	vnsel vm1, $0x0, v60  }
0x270: {  	vm1 =	vgt.f32 v11, v6;
	v8 =	vadd.f32 v9, v8;
	v7 =	vadd.f32 v10, v7  }
0x271: {  	v9 =	vsel vm1, $0x3F800000, v0;
	v10 =	vnsel vm1, $0x0, v11;
	v11 =	vld [tilespmem:s30+$0xB0]  }
0x272: {  	vm1 =	vgt.f32 v61, v6;
	v8 =	vadd.f32 v9, v8;
	v7 =	vadd.f32 v10, v7  }
0x273: {  	v9 =	vsel vm1, $0x3F800000, v0;
	v10 =	vnsel vm1, $0x0, v61  }
0x274: {  	v63 =	vld [tilespmem:s30+$0xC0];
	vm1 =	vgt.f32 v62, v6;
	v8 =	vadd.f32 v9, v8;
	v9 =	vadd.f32 v10, v7  }
0x275: {  	v13 =	vnsel vm1, $0x0, v62  }
0x276: {  	v10 =	vsel vm1, $0x3F800000, v0;
	v7 =	vld [tilespmem:s30+$0xD0];
	vm1 =	vgt.f32 v11, v6;
	v9 =	vadd.f32 v13, v9  }
0x277: {  	v8 =	vadd.f32 v10, v8;
	v11 =	vnsel vm1, $0x0, v11  }
0x278: {  	v10 =	vsel vm1, $0x3F800000, v0;
	v13 =	vadd.f32 v11, v9;
	v9 =	vld [tilespmem:s30+$0xE0]  }
0x279: {  	vm1 =	vgt.f32 v63, v6;
	v10 =	vadd.f32 v10, v8  }
0x27a: {  	v12 =	vnsel vm1, $0x0, v63;
	v11 =	vsel vm1, $0x3F800000, v0;
	v8 =	vld [tilespmem:s30+$0xF0]  }
0x27b: {  	s21 =	simm.s32 $0x100;
	s22 =	simm.s32 $0x800;
	vm1 =	vgt.f32 v7, v6;
	v11 =	vadd.f32 v11, v10;
	v10 =	vadd.f32 v12, v13  }
.LBB2_23:
0x27c: {  	p3 =	sne.s32 s22, $0x13C00;
	v12 =	vld [tilespmem:s21+$0x0];
	v13 =	vsel vm1, $0x3F800000, v0;
	v7 =	vnsel vm1, $0x0, v7  }
0x27d: {  	v11 =	vadd.f32 v13, v11;
	v7 =	vadd.f32 v7, v10;
	vm1 =	vgt.f32 v9, v6  }
0x27e: {  	v10 =	vld [tilespmem:s21+$0x10];
	v13 =	vsel vm1, $0x3F800000, v0;
	v9 =	vnsel vm1, $0x0, v9  }
0x27f: {  	v11 =	vadd.f32 v13, v11;
	v7 =	vadd.f32 v9, v7;
	vm1 =	vgt.f32 v8, v6  }
0x280: {  	v9 =	vld [tilespmem:s21+$0x20];
	v13 =	vsel vm1, $0x3F800000, v0;
	v8 =	vnsel vm1, $0x0, v8  }
0x281: {  	vm1 =	vgt.f32 v12, v6;
	v11 =	vadd.f32 v13, v11;
	v7 =	vadd.f32 v8, v7  }
0x282: {  	v8 =	vsel vm1, $0x3F800000, v0;
	v12 =	vnsel vm1, $0x0, v12;
	v13 =	vld [tilespmem:s21+$0x30]  }
0x283: {  	v8 =	vadd.f32 v8, v11;
	v7 =	vadd.f32 v12, v7;
	vm1 =	vgt.f32 v10, v6  }
0x284: {  	v11 =	vsel vm1, $0x3F800000, v0;
	v10 =	vnsel vm1, $0x0, v10;
	v12 =	vld [tilespmem:s21+$0x40]  }
0x285: {  	v8 =	vadd.f32 v11, v8;
	v7 =	vadd.f32 v10, v7;
	vm1 =	vgt.f32 v9, v6  }
0x286: {  	v10 =	vsel vm1, $0x3F800000, v0;
	v9 =	vnsel vm1, $0x0, v9;
	v11 =	vld [tilespmem:s21+$0x50]  }
0x287: {  	v8 =	vadd.f32 v10, v8;
	v7 =	vadd.f32 v9, v7;
	vm1 =	vgt.f32 v13, v6  }
0x288: {  	v9 =	vsel vm1, $0x3F800000, v0;
	v10 =	vnsel vm1, $0x0, v13;
	v13 =	vld [tilespmem:s21+$0x60]  }
0x289: {  	v8 =	vadd.f32 v9, v8;
	v7 =	vadd.f32 v10, v7;
	vm1 =	vgt.f32 v12, v6  }
0x28a: {  	v9 =	vsel vm1, $0x3F800000, v0;
	v10 =	vnsel vm1, $0x0, v12;
	v12 =	vld [tilespmem:s21+$0x70]  }
0x28b: {  	v8 =	vadd.f32 v9, v8;
	v7 =	vadd.f32 v10, v7;
	vm1 =	vgt.f32 v11, v6  }
0x28c: {  	v9 =	vsel vm1, $0x3F800000, v0;
	v10 =	vnsel vm1, $0x0, v11;
	v11 =	vld [tilespmem:s21+$0x80]  }
0x28d: {  	v8 =	vadd.f32 v9, v8;
	v7 =	vadd.f32 v10, v7;
	vm1 =	vgt.f32 v13, v6  }
0x28e: {  	v9 =	vsel vm1, $0x3F800000, v0;
	v10 =	vnsel vm1, $0x0, v13;
	v13 =	vld [tilespmem:s21+$0x90]  }
0x28f: {  	v8 =	vadd.f32 v9, v8;
	v7 =	vadd.f32 v10, v7;
	vm1 =	vgt.f32 v12, v6  }
0x290: {  	v9 =	vsel vm1, $0x3F800000, v0;
	v10 =	vnsel vm1, $0x0, v12;
	v12 =	vld [tilespmem:s21+$0xA0]  }
0x291: {  	v8 =	vadd.f32 v9, v8;
	v7 =	vadd.f32 v10, v7;
	vm1 =	vgt.f32 v11, v6  }
0x292: {  	v9 =	vsel vm1, $0x3F800000, v0;
	v10 =	vnsel vm1, $0x0, v11;
	v11 =	vld [tilespmem:s21+$0xB0]  }
0x293: {  	v8 =	vadd.f32 v9, v8;
	v7 =	vadd.f32 v10, v7;
	vm1 =	vgt.f32 v13, v6  }
0x294: {  	v9 =	vsel vm1, $0x3F800000, v0;
	v10 =	vnsel vm1, $0x0, v13;
	v13 =	vld [tilespmem:s21+$0xC0]  }
0x295: {  	v8 =	vadd.f32 v9, v8;
	v9 =	vadd.f32 v10, v7;
	vm1 =	vgt.f32 v12, v6  }
0x296: {  	v10 =	vsel vm1, $0x3F800000, v0;
	v12 =	vnsel vm1, $0x0, v12;
	v7 =	vld [tilespmem:s21+$0xD0]  }
.Ltmp13:
0x297: {  	v8 =	vadd.f32 v10, v8;
	v10 =	vadd.f32 v12, v9;
	vm1 =	vgt.f32 v11, v6;
	(pc) =	sbr.rel @p3 .LBB2_23-.Ltmp13, $4  }
0x298: {  	v12 =	vsel vm1, $0x3F800000, v0;
	v11 =	vnsel vm1, $0x0, v11;
	v9 =	vld [tilespmem:s21+$0xE0]  }
0x299: {  	v12 =	vadd.f32 v12, v8;
	v10 =	vadd.f32 v11, v10;
	vm1 =	vgt.f32 v13, v6  }
0x29a: {  	v11 =	vsel vm1, $0x3F800000, v0;
	v13 =	vnsel vm1, $0x0, v13;
	v8 =	vld [tilespmem:s21+$0xF0]  }
0x29b: {  	s21 =	sshra.s32 s22, $0x2;
	s22 =	sadd.s32 $0x400, s22;
	v11 =	vadd.f32 v11, v12;
	v10 =	vadd.f32 v13, v10;
	vm1 =	vgt.f32 v7, v6  }
0x29c: {  	v12 =	vld [tilespmem:s21+$0x0];
	v13 =	vsel vm1, $0x3F800000, v0  }
0x29d: {  	v11 =	vadd.f32 v13, v11;
	vm2 =	vgt.f32 v9, v6  }
0x29e: {  	v60 =	vld [tilespmem:s21+$0x10];
	v14 =	vsel vm2, $0x3F800000, v0  }
0x29f: {  	v11 =	vadd.f32 v14, v11;
	vm3 =	vgt.f32 v8, v6  }
0x2a0: {  	v7 =	vnsel vm1, $0x0, v7;
	v61 =	vld [tilespmem:s21+$0x20];
	v15 =	vsel vm3, $0x3F800000, v0  }
0x2a1: {  	v7 =	vadd.f32 v7, v10;
	vm1 =	vgt.f32 v12, v6;
	v62 =	vadd.f32 v15, v11  }
0x2a2: {  	v18 =	vld [tilespmem:s21+$0x30];
	v9 =	vnsel vm2, $0x0, v9;
	v63 =	vsel vm1, $0x3F800000, v0  }
0x2a3: {  	v7 =	vadd.f32 v9, v7;
	vm2 =	vgt.f32 v60, v6;
	v19 =	vadd.f32 v63, v62  }
0x2a4: {  	v21 =	vld [tilespmem:s21+$0x40];
	v8 =	vnsel vm3, $0x0, v8;
	v20 =	vsel vm2, $0x3F800000, v0  }
0x2a5: {  	v7 =	vadd.f32 v8, v7;
	vm3 =	vgt.f32 v61, v6;
	v22 =	vadd.f32 v20, v19  }
0x2a6: {  	v25 =	vld [tilespmem:s21+$0x50];
	v23 =	vnsel vm1, $0x0, v12;
	v24 =	vsel vm3, $0x3F800000, v0  }
0x2a7: {  	vm1 =	vgt.f32 v18, v6;
	v7 =	vadd.f32 v23, v7;
	v8 =	vadd.f32 v24, v22  }
0x2a8: {  	v28 =	vld [tilespmem:s21+$0x60];
	v26 =	vnsel vm2, $0x0, v60;
	v27 =	vsel vm1, $0x3F800000, v0  }
0x2a9: {  	vm2 =	vgt.f32 v21, v6;
	v7 =	vadd.f32 v26, v7;
	v8 =	vadd.f32 v27, v8  }
0x2aa: {  	v31 =	vld [tilespmem:s21+$0x70];
	v29 =	vnsel vm3, $0x0, v61;
	v30 =	vsel vm2, $0x3F800000, v0  }
0x2ab: {  	vm3 =	vgt.f32 v25, v6;
	v7 =	vadd.f32 v29, v7;
	v8 =	vadd.f32 v30, v8  }
0x2ac: {  	v34 =	vld [tilespmem:s21+$0x80];
	v32 =	vnsel vm1, $0x0, v18;
	v33 =	vsel vm3, $0x3F800000, v0  }
0x2ad: {  	vm1 =	vgt.f32 v28, v6;
	v7 =	vadd.f32 v32, v7;
	v8 =	vadd.f32 v33, v8  }
0x2ae: {  	v37 =	vld [tilespmem:s21+$0x90];
	v35 =	vnsel vm2, $0x0, v21;
	v36 =	vsel vm1, $0x3F800000, v0  }
0x2af: {  	vm2 =	vgt.f32 v31, v6;
	v7 =	vadd.f32 v35, v7;
	v8 =	vadd.f32 v36, v8  }
0x2b0: {  	v40 =	vld [tilespmem:s21+$0xA0];
	v38 =	vnsel vm3, $0x0, v25;
	v39 =	vsel vm2, $0x3F800000, v0  }
0x2b1: {  	vm3 =	vgt.f32 v34, v6;
	v7 =	vadd.f32 v38, v7;
	v8 =	vadd.f32 v39, v8  }
0x2b2: {  	v43 =	vld [tilespmem:s21+$0xB0];
	v41 =	vnsel vm1, $0x0, v28;
	v42 =	vsel vm3, $0x3F800000, v0  }
0x2b3: {  	vm1 =	vgt.f32 v37, v6;
	v7 =	vadd.f32 v41, v7;
	v8 =	vadd.f32 v42, v8  }
0x2b4: {  	v46 =	vld [tilespmem:s21+$0xC0];
	v44 =	vnsel vm2, $0x0, v31;
	v45 =	vsel vm1, $0x3F800000, v0  }
0x2b5: {  	vm2 =	vgt.f32 v40, v6;
	v7 =	vadd.f32 v44, v7;
	v8 =	vadd.f32 v45, v8  }
0x2b6: {  	v49 =	vld [tilespmem:s21+$0xD0];
	v47 =	vnsel vm3, $0x0, v34;
	v48 =	vsel vm2, $0x3F800000, v0  }
0x2b7: {  	vm3 =	vgt.f32 v43, v6;
	v7 =	vadd.f32 v47, v7;
	v8 =	vadd.f32 v48, v8  }
0x2b8: {  	v52 =	vld [tilespmem:s21+$0xE0];
	v50 =	vnsel vm1, $0x0, v37;
	v51 =	vsel vm3, $0x3F800000, v0  }
0x2b9: {  	vm1 =	vgt.f32 v46, v6;
	v7 =	vadd.f32 v50, v7;
	v8 =	vadd.f32 v51, v8  }
0x2ba: {  	v55 =	vld [tilespmem:s21+$0xF0];
	v53 =	vnsel vm2, $0x0, v40;
	v54 =	vsel vm1, $0x3F800000, v0  }
0x2bb: {  	vm2 =	vgt.f32 v49, v6;
	v7 =	vadd.f32 v53, v7;
	v8 =	vadd.f32 v54, v8  }
0x2bc: {  	v56 =	vnsel vm3, $0x0, v43;
	v57 =	vsel vm2, $0x3F800000, v0  }
0x2bd: {  	vm3 =	vgt.f32 v52, v6;
	v7 =	vadd.f32 v56, v7;
	v8 =	vadd.f32 v57, v8  }
0x2be: {  	v58 =	vnsel vm1, $0x0, v46;
	v59 =	vsel vm3, $0x3F800000, v0  }
0x2bf: {  	vm1 =	vgt.f32 v55, v6;
	v7 =	vadd.f32 v58, v7;
	v8 =	vadd.f32 v59, v8  }
0x2c0: {  	v60 =	vnsel vm2, $0x0, v49;
	v61 =	vsel vm1, $0x3F800000, v0  }
0x2c1: {  	v7 =	vadd.f32 v60, v7;
	v8 =	vadd.f32 v61, v8  }
0x2c2: {  	v62 =	vnsel vm3, $0x0, v52  }
0x2c3: {  	v7 =	vadd.f32 v62, v7;
	(xrf2) =	vadd.scan.msk.f32 $0xffff, v8  }
0x2c4: {  	v63 =	vnsel vm1, $0x0, v55  }
0x2c5: {  	v7 =	vadd.f32 v63, v7  }
0x2c6: {  	(xrf0) =	vmax.scan.msk.f32 $0xffff, v6  }
0x2c7: {  	(xrf2) =	vadd.scan.msk.f32 $0xffff, v7;
	_ =	sdelay $0x4  }
0x2c8: {  	v6, _, _ =	vpop (xrf0)  }
0x2c9: {  	(v2sf) =	vpush v6, $0xF;
	v7, _, _ =	vpop (xrf2)  }
0x2ca: {  	(v2sf) =	vpush v7, $0xF;
	_ =	sdelay $0x2  }
0x2cb: {  	v6, _, _ =	vpop (xrf2)  }
0x2cc: {  	(v2sf) =	vpush v6, $0xF;
	_ =	sdelay $0x9  }
0x2cd: {  	s0 =	spop (v2sf)  }
0x2ce: {  	s1 =	spop (v2sf)  }
0x2cf: {  	s1 =	ssub.f32 s20, s1;
	_ =	sdelay $0x1  }
0x2d0: {  	s0 =	smul.f32 s1, s0  }
0x2d1: {  	s31 =	spop (v2sf)  }
0x2d2: {  	p3 =	sgt.f32 s20, $0.0e+00;
	v5 =	vbroadcast v5, $0xF;
	s0 =	sadd.f32 s0, s31  }
0x2d3: {  	_ = 	snop  }
0x2d4: {  	v5 =	vnsel vm0, $0x0, v5;
	vm1 =	veq.s32 v4, $0x0;
	s0 =	simm.s32 @!p3 $0x0  }
0x2d5: {  	v5 =	vsel vm1, s0, v5  }
0x2d6: {  	[tilespmem:$0x7000] =	vst v5  }
0x2d7: {  	[hbm4b:s8+s3] =	stream.linear.scatter [tilespmem:s18], [sflag:$0x1], $0x80, $0x38;
	[tilespmem:$0x7080] =	vst v63  }
0x2d8: {  	_ =	swait.ge [sflag:s13], $0x80  }
0x2d9: {  	[sflag:s13] =	ssyncset.done $0x0  }
0x2da: {  	[sflag:s13] =	ssyncadd.s32 $0xFFFFFF80  }
.LBB2_25:
.Ltmp14:
0x2db: {  	(pc) =	sbr.rel @p1 .LBB2_30-.Ltmp14, $1  }
0x2dc: {  	_ =	sdelay $0x3  }
.Ltmp15:
0x2dd: {  	(pc) =	sbr.rel @p2 .LBB2_34-.Ltmp15, $1  }
0x2de: {  	_ =	sdelay $0x3  }
0x2df: {  	s0 =	simm.s32 $0x0;
	s1 =	rddreg [dreg:$0x0]  }
0x2e0: {  	[tilespmem:s14], [sflag:$0x1] =	stream.linear.gather [hbm4b:s1+s0], $0x1000, $0x38;
	[tilespmem:$0x7080] =	vst v63  }
0x2e1: {  	_ =	swait.ge [sflag:s13], $0x1000  }
0x2e2: {  	[sflag:s13] =	ssyncset.done $0x0  }
0x2e3: {  	s31 =	simm.s32 $0x0;
	[sflag:s13] =	ssyncadd.s32 $0xFFFFF000  }
0x2e4: {  	v5 =	vimm.f32 $0.0e+00;
	s1 =	simm.s32 $0x40;
	v6 =	vld [tilespmem:s31+$0x5000]  }
.LBB2_28:
0x2e5: {  	p3 =	sne.s32 s1, $0x3FC0  }
.Ltmp16:
0x2e6: {  	_ = 	snop;
	(pc) =	sbr.rel @p3 .LBB2_28-.Ltmp16, $3  }
0x2e7: {  	_ =	sdelay $0x1  }
0x2e8: {  	s0 =	sshra.s32 s1, $0x2;
	s1 =	sadd.s32 $0x40, s1;
	v5 =	vadd.f32 v6, v5  }
0x2e9: {  	v6 =	vld [tilespmem:s0+$0x5000]  }
0x2ea: {  	_ =	sdelay $0x2  }
.Ltmp17:
0x2eb: {  	_ = 	snop;
	(pc) =	sbr.rel .LBB2_33-.Ltmp17, $3  }
0x2ec: {  	v5 =	vadd.f32 v6, v5;
	_ =	sdelay $0x1  }
0x2ed: {  	[tilespmem:$0x7000] =	vst v5  }
0x2ee: {  	[hbm4b:s5+s3] =	stream.linear.scatter [tilespmem:s18], [sflag:$0x1], $0x80, $0x38;
	[tilespmem:$0x7080] =	vst v63  }
.LBB2_30:
0x2ef: {  	s0 =	simm.s32 $0x0  }
0x2f0: {  	[tilespmem:s14], [sflag:$0x1] =	stream.linear.gather [hbm4b:s4+s0], $0x1000, $0x38;
	[tilespmem:$0x7080] =	vst v63  }
0x2f1: {  	_ =	swait.ge [sflag:s13], $0x1000  }
0x2f2: {  	[sflag:s13] =	ssyncset.done $0x0  }
0x2f3: {  	s31 =	simm.s32 $0x0;
	[sflag:s13] =	ssyncadd.s32 $0xFFFFF000  }
0x2f4: {  	v5 =	vimm.f32 $0.0e+00;
	s1 =	simm.s32 $0x40;
	v6 =	vld [tilespmem:s31+$0x5000]  }
.LBB2_31:
0x2f5: {  	p3 =	sne.s32 s1, $0x3FC0  }
.Ltmp18:
0x2f6: {  	_ = 	snop;
	(pc) =	sbr.rel @p3 .LBB2_31-.Ltmp18, $3  }
0x2f7: {  	_ =	sdelay $0x1  }
0x2f8: {  	s0 =	sshra.s32 s1, $0x2;
	s1 =	sadd.s32 $0x40, s1;
	v5 =	vadd.f32 v6, v5  }
0x2f9: {  	v6 =	vld [tilespmem:s0+$0x5000]  }
0x2fa: {  	_ =	sdelay $0x2  }
.Ltmp19:
0x2fb: {  	_ = 	snop;
	(pc) =	sbr.rel .LBB2_33-.Ltmp19, $3  }
0x2fc: {  	v5 =	vadd.f32 v6, v5;
	_ =	sdelay $0x1  }
0x2fd: {  	[tilespmem:$0x7000] =	vst v5  }
0x2fe: {  	[hbm4b:s9+s3] =	stream.linear.scatter [tilespmem:s18], [sflag:$0x1], $0x80, $0x38;
	[tilespmem:$0x7080] =	vst v63  }
.LBB2_35:
0x2ff: {  	_ =	sfence.sel $0x180000  }
0x300: {  	[bflag:$0x0] =	sbarrier.arrive $0xFFFF  }
0x301: {  	_ =	strace $0x90000047  }
0x302: {  	s0 =	stileid.u32;
	[bflag:$0x2] =	sbarrier.arrive $0xFFFF  }
0x303: {  	p0 =	sne.s32 s0, $0x0;
	s0 =	rddreg [dreg:$0x1]  }
0x304: {  	s0 =	sadd.s32 @!p0 $0x100000, s0  }
0x305: {  	[sflag:s0] =	ssyncadd.tile.s32 @!p0 $0x1;
	_ =	shalt  }
.Lfunc_end2:
_tile_overlayer_lowered:
.L_overlay_start_2:
0x306: {  	(tag) =	ssettag $0x2  }
0x307: {  	s0 =	rddreg [dreg:$0x0];
	s2 =	stileid.u32  }
0x308: {  	s1 =	rddreg [dreg:$0x1];
	p0 =	sne.s32 s2, $0x0  }
0x309: {  	s3 =	rddreg [dreg:$0x2];
	[bflag:$0x3] =	sbarrier.arrive $0xFFFF;
	s2 =	simm.s32 @!p0 $0x1C01  }
0x30a: {  	[timem:s3], [sflag:s2] =	dma.local @!p0 [hbm:s0], s1  }
0x30b: {  	s0 =	simm.s32 @!p0 $0x1  }
0x30c: {  	_ =	swait.ge @!p0 [sflag:s0], s1  }
0x30d: {  	s1 =	ssub.s32 @!p0 $0x0, s1;
	[sflag:s0] =	ssyncset.done @!p0 $0x0  }
0x30e: {  	[sflag:s0] =	ssyncadd.s32 @!p0 s1  }
0x30f: {  	[bflag:$0x3] =	sbarrier.arrive $0xFFFF  }
0x310: {  	_ =	shalt  }

</sc_bundles>
